<compile_context>
chip_gen: v7x
topology: tpu7x:2x2x1
jax: 0.10.2.dev20260603
libtpu: 0.0.44.dev20260713+nightly
codegen_flags: <defaults>
</compile_context>

<pallas_src>
import functools

import jax
import jax.numpy as jnp
from jax import lax
from jax.experimental import pallas as pl
from jax.experimental.pallas import tpu as pltpu
from jax.experimental.pallas import tpu_sc as plsc

BATCH = 16384
EMBED_DIM = 64
ROW_PAD = 128

_NUM_WORKERS = 32
_B_PER_W = BATCH // _NUM_WORKERS
_CHUNK = 128
_NCHUNK = _B_PER_W // _CHUNK
_LANES = 16


def _gather_kernel(idx_hbm, table_hbm, out_hbm, idx_v, table_s, g0, g1, g2,
                   g3, t0, t1, gs0, gs1, gs2, gs3, ws0, ws1):
    sid = lax.axis_index("s")
    wid = sid * 2 + lax.axis_index("c")
    base = wid * _B_PER_W

    @pl.when(sid == 0)
    def _():
        pltpu.sync_copy(table_hbm.at[pl.ds(0, 504)], table_s.at[pl.ds(0, 504)])

    @pl.when(sid == 8)
    def _():
        pltpu.sync_copy(
            table_hbm.at[pl.ds(504, 497)], table_s.at[pl.ds(504, 497)]
        )

    pltpu.sync_copy(idx_hbm.at[pl.ds(base, _B_PER_W)], idx_v)
    g, t = [g0, g1, g2, g3], [t0, t1]
    gs, ws = [gs0, gs1, gs2, gs3], [ws0, ws1]
    gathers = [
        pltpu.async_copy(
            table_hbm.at[idx_v.at[pl.ds(0, _CHUNK)]],
            g[0],
            gs[0],
        )
    ]
    plsc.subcore_barrier()
    for j in range(1, _NCHUNK):
        gathers.append(
            pltpu.async_copy(
                table_s.at[idx_v.at[pl.ds(j * _CHUNK, _CHUNK)]],
                g[j],
                gs[j],
            )
        )

    iota = lax.iota(jnp.int32, _LANES)
    diags = [jnp.bitwise_and(iota + d, _LANES - 1) for d in range(_LANES)]
    _EBLK = EMBED_DIM // _LANES
    _BBLK = _CHUNK // _LANES
    writes = {}
    for j in range(_NCHUNK):
        gathers[j].wait()
        if j >= 2:
            writes[j - 2].wait()
        gbuf, tbuf = g[j], t[j % 2]

        @plsc.parallel_loop(0, _EBLK * _BBLK, unroll=2)
        def _(blk, gbuf=gbuf, tbuf=tbuf):
            e0 = (blk % _EBLK) * _LANES
            b0 = (blk // _EBLK) * _LANES
            rowv = iota + b0
            for d in range(_LANES):
                colv = diags[d] + e0
                vals = plsc.load_gather(gbuf, [rowv, colv])
                plsc.store_scatter(tbuf, [colv, rowv], vals)

        writes[j] = pltpu.async_copy(
            tbuf,
            out_hbm.at[:, pl.ds(base + j * _CHUNK, _CHUNK)],
            ws[j % 2],
        )
    writes[_NCHUNK - 2].wait()
    writes[_NCHUNK - 1].wait()


@jax.jit
def _lookup(item_ids, embedding_table):
    mesh = plsc.VectorSubcoreMesh(core_axis_name="c", subcore_axis_name="s")
    table_pad = jnp.pad(embedding_table, ((0, 0), (0, ROW_PAD - EMBED_DIM)))
    kern = functools.partial(
        pl.kernel,
        mesh=mesh,
        compiler_params=pltpu.CompilerParams(needs_layout_passes=False),
        out_type=jax.ShapeDtypeStruct((EMBED_DIM, BATCH), jnp.float32),
        scratch_types=[
            pltpu.VMEM((_B_PER_W,), jnp.int32),
            pltpu.VMEM_SHARED((1001, ROW_PAD), jnp.float32),
            pltpu.VMEM((_CHUNK, ROW_PAD), jnp.float32),
            pltpu.VMEM((_CHUNK, ROW_PAD), jnp.float32),
            pltpu.VMEM((_CHUNK, ROW_PAD), jnp.float32),
            pltpu.VMEM((_CHUNK, ROW_PAD), jnp.float32),
            pltpu.VMEM((EMBED_DIM, _CHUNK), jnp.float32),
            pltpu.VMEM((EMBED_DIM, _CHUNK), jnp.float32),
            pltpu.SemaphoreType.DMA,
            pltpu.SemaphoreType.DMA,
            pltpu.SemaphoreType.DMA,
            pltpu.SemaphoreType.DMA,
            pltpu.SemaphoreType.DMA,
            pltpu.SemaphoreType.DMA,
        ],
    )(_gather_kernel)
    return jnp.transpose(kern(item_ids, table_pad))


def kernel(item_ids, embedding_table):
    return _lookup(item_ids.astype(jnp.int32), embedding_table)

# --- scband reference (transcript-rebuilt; emitter-appended) ---
"""Pipeline reference for scband-item-model-9251359555950 (READ-ONLY COPY).

The authoritative reference and input builder live on the scoring server;
editing this copy changes nothing except your own understanding.
"""

import jax, jax.numpy as jnp
import numpy as np

VOCAB = 1001  # len(lookup) + 1 (index 0 reserved for OOV)
EMBED_DIM = 64
BATCH = 16384

def setup_inputs(seed: int = 0) -> dict:
    key = jax.random.key(seed)
    k1, k2 = jax.random.split(key)
    # item_ids are assumed to already be mapped to table indices (0 = OOV slot,
    # 1..1000 = known items), mirroring the python-dict lookup in the torch model.
    item_ids = jax.random.randint(k1, (BATCH,), 0, VOCAB)
    embedding_table = jax.random.normal(k2, (VOCAB, EMBED_DIM), dtype=jnp.float32)
    return {"item_ids": item_ids, "embedding_table": embedding_table}

def reference(item_ids, embedding_table):
    # nn.Embedding forward == row gather from the table
    return jnp.take(embedding_table, item_ids, axis=0)

if __name__ == "__main__":
    import jax
    _d = setup_inputs()
    print(jax.jit(kernel)(*tuple(_d.values())))

</pallas_src>

<mosaic_0001>
#map = affine_map<(d0, d1) -> (0)>
#map1 = affine_map<(d0, d1) -> (0, 0)>
module attributes {stable_mosaic.version = 14 : i64} {
  func.func @_gather_kernel(%arg0: i32, %arg1: i32, %arg2: memref<16384xi32, #tpu.memory_space<hbm>>, %arg3: memref<1001x128xf32, #tpu.memory_space<hbm>>, %arg4: memref<64x16384xf32, #tpu.memory_space<hbm>>, %arg5: memref<512xi32, #tpu.memory_space<vmem>>, %arg6: memref<1001x128xf32, #tpu.memory_space<vmem_shared>>, %arg7: memref<128x128xf32, #tpu.memory_space<vmem>>, %arg8: memref<128x128xf32, #tpu.memory_space<vmem>>, %arg9: memref<128x128xf32, #tpu.memory_space<vmem>>, %arg10: memref<128x128xf32, #tpu.memory_space<vmem>>, %arg11: memref<64x128xf32, #tpu.memory_space<vmem>>, %arg12: memref<64x128xf32, #tpu.memory_space<vmem>>, %arg13: memref<!tpu.dma_semaphore, #tpu.memory_space<semaphore_mem>>, %arg14: memref<!tpu.dma_semaphore, #tpu.memory_space<semaphore_mem>>, %arg15: memref<!tpu.dma_semaphore, #tpu.memory_space<semaphore_mem>>, %arg16: memref<!tpu.dma_semaphore, #tpu.memory_space<semaphore_mem>>, %arg17: memref<!tpu.dma_semaphore, #tpu.memory_space<semaphore_mem>>, %arg18: memref<!tpu.dma_semaphore, #tpu.memory_space<semaphore_mem>>) attributes {dimension_semantics = [#tpu.dimension_semantics<core_parallel>, #tpu.dimension_semantics<subcore_parallel>], iteration_bounds = array<i64: 2, 16>, scalar_prefetch = 0 : i64, scratch_operands = 14 : i64, tpu.core_type = #tpu.core_type<sc_vector_subcore>, window_params = [{transform_indices = #map}, {transform_indices = #map1}, {transform_indices = #map1}]} {
    %mul3A = arith.constant 2 : i32
    %mul3A_0 = arith.muli %arg1, %mul3A : i32
    %add3A = arith.addi %mul3A_0, %arg0 : i32
    %mul3A_1 = arith.constant 512 : i32
    %mul3A_2 = arith.muli %add3A, %mul3A_1 : i32
    %eq3A = arith.constant 0 : i32
    %eq3A_3 = arith.cmpi eq, %arg1, %eq3A : i32
    %convert_element_type3A = arith.extui %eq3A_3 : i1 to i32
    %cond3A = arith.constant 0 : i32
    %cond3A_4 = arith.cmpi ne, %convert_element_type3A, %cond3A : i32
    scf.if %cond3A_4 {
      "tpu.region"() ({
        %run_scoped3A = tpu.sem_alloc : memref<!tpu.dma_semaphore, #tpu.memory_space<semaphore_mem>>
        %dma_start3A_194 = arith.constant 0 : i32
        %dma_start3A_195 = arith.constant 0 : i32
        %dma_start3A_196 = tpu.memref_slice %arg6[%dma_start3A_194, %dma_start3A_195] : memref<1001x128xf32, #tpu.memory_space<vmem_shared>> -> memref<504x128xf32, #tpu.memory_space<vmem_shared>>
        %dma_start3A_197 = arith.constant 0 : i32
        %dma_start3A_198 = arith.constant 0 : i32
        %dma_start3A_199 = tpu.memref_slice %arg3[%dma_start3A_197, %dma_start3A_198] : memref<1001x128xf32, #tpu.memory_space<hbm>> -> memref<504x128xf32, #tpu.memory_space<hbm>>
        tpu.enqueue_dma source(%dma_start3A_199 : memref<504x128xf32, #tpu.memory_space<hbm>>) target(%dma_start3A_196 : memref<504x128xf32, #tpu.memory_space<vmem_shared>>) target_semaphore(%run_scoped3A : memref<!tpu.dma_semaphore, #tpu.memory_space<semaphore_mem>>)
        %dma_wait3A_200 = arith.constant 0 : i32
        %dma_wait3A_201 = arith.constant 0 : i32
        %dma_wait3A_202 = tpu.memref_slice %arg6[%dma_wait3A_200, %dma_wait3A_201] : memref<1001x128xf32, #tpu.memory_space<vmem_shared>> -> memref<504x128xf32, #tpu.memory_space<vmem_shared>>
        %dma_wait3A_203 = arith.constant 0 : i32
        %dma_wait3A_204 = arith.constant 0 : i32
        %dma_wait3A_205 = tpu.memref_slice %arg3[%dma_wait3A_203, %dma_wait3A_204] : memref<1001x128xf32, #tpu.memory_space<hbm>> -> memref<504x128xf32, #tpu.memory_space<hbm>>
        tpu.wait_dma2 semaphore(%run_scoped3A : memref<!tpu.dma_semaphore, #tpu.memory_space<semaphore_mem>>) src(%dma_wait3A_205 : memref<504x128xf32, #tpu.memory_space<hbm>>) dst(%dma_wait3A_202 : memref<504x128xf32, #tpu.memory_space<vmem_shared>>)
        tpu.yield
      }) : () -> ()
    } else {
    }
    %eq3A_5 = arith.constant 8 : i32
    %eq3A_6 = arith.cmpi eq, %arg1, %eq3A_5 : i32
    %convert_element_type3A_7 = arith.extui %eq3A_6 : i1 to i32
    %cond3A_8 = arith.constant 0 : i32
    %cond3A_9 = arith.cmpi ne, %convert_element_type3A_7, %cond3A_8 : i32
    scf.if %cond3A_9 {
      "tpu.region"() ({
        %run_scoped3A = tpu.sem_alloc : memref<!tpu.dma_semaphore, #tpu.memory_space<semaphore_mem>>
        %dma_start3A_194 = arith.constant 504 : i32
        %dma_start3A_195 = arith.constant 0 : i32
        %dma_start3A_196 = tpu.memref_slice %arg6[%dma_start3A_194, %dma_start3A_195] : memref<1001x128xf32, #tpu.memory_space<vmem_shared>> -> memref<497x128xf32, #tpu.memory_space<vmem_shared>>
        %dma_start3A_197 = arith.constant 504 : i32
        %dma_start3A_198 = arith.constant 0 : i32
        %dma_start3A_199 = tpu.memref_slice %arg3[%dma_start3A_197, %dma_start3A_198] : memref<1001x128xf32, #tpu.memory_space<hbm>> -> memref<497x128xf32, #tpu.memory_space<hbm>>
        tpu.enqueue_dma source(%dma_start3A_199 : memref<497x128xf32, #tpu.memory_space<hbm>>) target(%dma_start3A_196 : memref<497x128xf32, #tpu.memory_space<vmem_shared>>) target_semaphore(%run_scoped3A : memref<!tpu.dma_semaphore, #tpu.memory_space<semaphore_mem>>)
        %dma_wait3A_200 = arith.constant 504 : i32
        %dma_wait3A_201 = arith.constant 0 : i32
        %dma_wait3A_202 = tpu.memref_slice %arg6[%dma_wait3A_200, %dma_wait3A_201] : memref<1001x128xf32, #tpu.memory_space<vmem_shared>> -> memref<497x128xf32, #tpu.memory_space<vmem_shared>>
        %dma_wait3A_203 = arith.constant 504 : i32
        %dma_wait3A_204 = arith.constant 0 : i32
        %dma_wait3A_205 = tpu.memref_slice %arg3[%dma_wait3A_203, %dma_wait3A_204] : memref<1001x128xf32, #tpu.memory_space<hbm>> -> memref<497x128xf32, #tpu.memory_space<hbm>>
        tpu.wait_dma2 semaphore(%run_scoped3A : memref<!tpu.dma_semaphore, #tpu.memory_space<semaphore_mem>>) src(%dma_wait3A_205 : memref<497x128xf32, #tpu.memory_space<hbm>>) dst(%dma_wait3A_202 : memref<497x128xf32, #tpu.memory_space<vmem_shared>>)
        tpu.yield
      }) : () -> ()
    } else {
    }
    "tpu.region"() ({
      %run_scoped3A = tpu.sem_alloc : memref<!tpu.dma_semaphore, #tpu.memory_space<semaphore_mem>>
      %dma_start3A_194 = tpu.memref_slice %arg2[%mul3A_2] : memref<16384xi32, #tpu.memory_space<hbm>> -> memref<512xi32, #tpu.memory_space<hbm>>
      %dma_start3A_195 = tpu.memref_slice %arg2[%mul3A_2] : memref<16384xi32, #tpu.memory_space<hbm>> -> memref<512xi32, #tpu.memory_space<hbm>>
      tpu.enqueue_dma source(%dma_start3A_195 : memref<512xi32, #tpu.memory_space<hbm>>) target(%arg5 : memref<512xi32, #tpu.memory_space<vmem>>) target_semaphore(%run_scoped3A : memref<!tpu.dma_semaphore, #tpu.memory_space<semaphore_mem>>)
      %dma_wait3A_196 = tpu.memref_slice %arg2[%mul3A_2] : memref<16384xi32, #tpu.memory_space<hbm>> -> memref<512xi32, #tpu.memory_space<hbm>>
      %dma_wait3A_197 = tpu.memref_slice %arg2[%mul3A_2] : memref<16384xi32, #tpu.memory_space<hbm>> -> memref<512xi32, #tpu.memory_space<hbm>>
      tpu.wait_dma2 semaphore(%run_scoped3A : memref<!tpu.dma_semaphore, #tpu.memory_space<semaphore_mem>>) src(%dma_wait3A_197 : memref<512xi32, #tpu.memory_space<hbm>>) dst(%arg5 : memref<512xi32, #tpu.memory_space<vmem>>)
      tpu.yield
    }) : () -> ()
    %dma_start3A = arith.constant 0 : i32
    %dma_start3A_10 = tpu.memref_slice %arg5[%dma_start3A] : memref<512xi32, #tpu.memory_space<vmem>> -> memref<128xi32, #tpu.memory_space<vmem>>
    %dma_start3A_11 = arith.constant 0 : i32
    %dma_start3A_12 = arith.constant 0 : i32
    %dma_start3A_13 = tpu.memref_slice %arg3[%dma_start3A_11, %dma_start3A_12] : memref<1001x128xf32, #tpu.memory_space<hbm>> -> memref<1001x128xf32, #tpu.memory_space<hbm>>
    tpu.enqueue_indirect_dma source(%dma_start3A_13 : memref<1001x128xf32, #tpu.memory_space<hbm>>) target(%arg7 : memref<128x128xf32, #tpu.memory_space<vmem>>) offsets(%dma_start3A_10 : memref<128xi32, #tpu.memory_space<vmem>>) semaphore(%arg13 : memref<!tpu.dma_semaphore, #tpu.memory_space<semaphore_mem>>)
    %barrier3A = arith.constant 0 : index
    tpu.barrier barrier_id(%barrier3A)
    %dma_start3A_14 = arith.constant 128 : i32
    %dma_start3A_15 = tpu.memref_slice %arg5[%dma_start3A_14] : memref<512xi32, #tpu.memory_space<vmem>> -> memref<128xi32, #tpu.memory_space<vmem>>
    %dma_start3A_16 = arith.constant 0 : i32
    %dma_start3A_17 = arith.constant 0 : i32
    %dma_start3A_18 = tpu.memref_slice %arg6[%dma_start3A_16, %dma_start3A_17] : memref<1001x128xf32, #tpu.memory_space<vmem_shared>> -> memref<1001x128xf32, #tpu.memory_space<vmem_shared>>
    tpu.enqueue_indirect_dma source(%dma_start3A_18 : memref<1001x128xf32, #tpu.memory_space<vmem_shared>>) target(%arg8 : memref<128x128xf32, #tpu.memory_space<vmem>>) offsets(%dma_start3A_15 : memref<128xi32, #tpu.memory_space<vmem>>) semaphore(%arg14 : memref<!tpu.dma_semaphore, #tpu.memory_space<semaphore_mem>>)
    %dma_start3A_19 = arith.constant 256 : i32
    %dma_start3A_20 = tpu.memref_slice %arg5[%dma_start3A_19] : memref<512xi32, #tpu.memory_space<vmem>> -> memref<128xi32, #tpu.memory_space<vmem>>
    %dma_start3A_21 = arith.constant 0 : i32
    %dma_start3A_22 = arith.constant 0 : i32
    %dma_start3A_23 = tpu.memref_slice %arg6[%dma_start3A_21, %dma_start3A_22] : memref<1001x128xf32, #tpu.memory_space<vmem_shared>> -> memref<1001x128xf32, #tpu.memory_space<vmem_shared>>
    tpu.enqueue_indirect_dma source(%dma_start3A_23 : memref<1001x128xf32, #tpu.memory_space<vmem_shared>>) target(%arg9 : memref<128x128xf32, #tpu.memory_space<vmem>>) offsets(%dma_start3A_20 : memref<128xi32, #tpu.memory_space<vmem>>) semaphore(%arg15 : memref<!tpu.dma_semaphore, #tpu.memory_space<semaphore_mem>>)
    %dma_start3A_24 = arith.constant 384 : i32
    %dma_start3A_25 = tpu.memref_slice %arg5[%dma_start3A_24] : memref<512xi32, #tpu.memory_space<vmem>> -> memref<128xi32, #tpu.memory_space<vmem>>
    %dma_start3A_26 = arith.constant 0 : i32
    %dma_start3A_27 = arith.constant 0 : i32
    %dma_start3A_28 = tpu.memref_slice %arg6[%dma_start3A_26, %dma_start3A_27] : memref<1001x128xf32, #tpu.memory_space<vmem_shared>> -> memref<1001x128xf32, #tpu.memory_space<vmem_shared>>
    tpu.enqueue_indirect_dma source(%dma_start3A_28 : memref<1001x128xf32, #tpu.memory_space<vmem_shared>>) target(%arg10 : memref<128x128xf32, #tpu.memory_space<vmem>>) offsets(%dma_start3A_25 : memref<128xi32, #tpu.memory_space<vmem>>) semaphore(%arg16 : memref<!tpu.dma_semaphore, #tpu.memory_space<semaphore_mem>>)
    %iota3A = tpu.iota {dimensions = array<i32: 0>} : vector<16xi32>
    %add3A_29 = arith.constant 0 : i32
    %add3A_30 = vector.broadcast %add3A_29 : i32 to vector<16xi32>
    %add3A_31 = arith.addi %iota3A, %add3A_30 : vector<16xi32>
    %and3A = arith.constant 15 : i32
    %and3A_32 = vector.broadcast %and3A : i32 to vector<16xi32>
    %and3A_33 = arith.andi %add3A_31, %and3A_32 : vector<16xi32>
    %add3A_34 = arith.constant 1 : i32
    %add3A_35 = vector.broadcast %add3A_34 : i32 to vector<16xi32>
    %add3A_36 = arith.addi %iota3A, %add3A_35 : vector<16xi32>
    %and3A_37 = arith.constant 15 : i32
    %and3A_38 = vector.broadcast %and3A_37 : i32 to vector<16xi32>
    %and3A_39 = arith.andi %add3A_36, %and3A_38 : vector<16xi32>
    %add3A_40 = arith.constant 2 : i32
    %add3A_41 = vector.broadcast %add3A_40 : i32 to vector<16xi32>
    %add3A_42 = arith.addi %iota3A, %add3A_41 : vector<16xi32>
    %and3A_43 = arith.constant 15 : i32
    %and3A_44 = vector.broadcast %and3A_43 : i32 to vector<16xi32>
    %and3A_45 = arith.andi %add3A_42, %and3A_44 : vector<16xi32>
    %add3A_46 = arith.constant 3 : i32
    %add3A_47 = vector.broadcast %add3A_46 : i32 to vector<16xi32>
    %add3A_48 = arith.addi %iota3A, %add3A_47 : vector<16xi32>
    %and3A_49 = arith.constant 15 : i32
    %and3A_50 = vector.broadcast %and3A_49 : i32 to vector<16xi32>
    %and3A_51 = arith.andi %add3A_48, %and3A_50 : vector<16xi32>
    %add3A_52 = arith.constant 4 : i32
    %add3A_53 = vector.broadcast %add3A_52 : i32 to vector<16xi32>
    %add3A_54 = arith.addi %iota3A, %add3A_53 : vector<16xi32>
    %and3A_55 = arith.constant 15 : i32
    %and3A_56 = vector.broadcast %and3A_55 : i32 to vector<16xi32>
    %and3A_57 = arith.andi %add3A_54, %and3A_56 : vector<16xi32>
    %add3A_58 = arith.constant 5 : i32
    %add3A_59 = vector.broadcast %add3A_58 : i32 to vector<16xi32>
    %add3A_60 = arith.addi %iota3A, %add3A_59 : vector<16xi32>
    %and3A_61 = arith.constant 15 : i32
    %and3A_62 = vector.broadcast %and3A_61 : i32 to vector<16xi32>
    %and3A_63 = arith.andi %add3A_60, %and3A_62 : vector<16xi32>
    %add3A_64 = arith.constant 6 : i32
    %add3A_65 = vector.broadcast %add3A_64 : i32 to vector<16xi32>
    %add3A_66 = arith.addi %iota3A, %add3A_65 : vector<16xi32>
    %and3A_67 = arith.constant 15 : i32
    %and3A_68 = vector.broadcast %and3A_67 : i32 to vector<16xi32>
    %and3A_69 = arith.andi %add3A_66, %and3A_68 : vector<16xi32>
    %add3A_70 = arith.constant 7 : i32
    %add3A_71 = vector.broadcast %add3A_70 : i32 to vector<16xi32>
    %add3A_72 = arith.addi %iota3A, %add3A_71 : vector<16xi32>
    %and3A_73 = arith.constant 15 : i32
    %and3A_74 = vector.broadcast %and3A_73 : i32 to vector<16xi32>
    %and3A_75 = arith.andi %add3A_72, %and3A_74 : vector<16xi32>
    %add3A_76 = arith.constant 8 : i32
    %add3A_77 = vector.broadcast %add3A_76 : i32 to vector<16xi32>
    %add3A_78 = arith.addi %iota3A, %add3A_77 : vector<16xi32>
    %and3A_79 = arith.constant 15 : i32
    %and3A_80 = vector.broadcast %and3A_79 : i32 to vector<16xi32>
    %and3A_81 = arith.andi %add3A_78, %and3A_80 : vector<16xi32>
    %add3A_82 = arith.constant 9 : i32
    %add3A_83 = vector.broadcast %add3A_82 : i32 to vector<16xi32>
    %add3A_84 = arith.addi %iota3A, %add3A_83 : vector<16xi32>
    %and3A_85 = arith.constant 15 : i32
    %and3A_86 = vector.broadcast %and3A_85 : i32 to vector<16xi32>
    %and3A_87 = arith.andi %add3A_84, %and3A_86 : vector<16xi32>
    %add3A_88 = arith.constant 10 : i32
    %add3A_89 = vector.broadcast %add3A_88 : i32 to vector<16xi32>
    %add3A_90 = arith.addi %iota3A, %add3A_89 : vector<16xi32>
    %and3A_91 = arith.constant 15 : i32
    %and3A_92 = vector.broadcast %and3A_91 : i32 to vector<16xi32>
    %and3A_93 = arith.andi %add3A_90, %and3A_92 : vector<16xi32>
    %add3A_94 = arith.constant 11 : i32
    %add3A_95 = vector.broadcast %add3A_94 : i32 to vector<16xi32>
    %add3A_96 = arith.addi %iota3A, %add3A_95 : vector<16xi32>
    %and3A_97 = arith.constant 15 : i32
    %and3A_98 = vector.broadcast %and3A_97 : i32 to vector<16xi32>
    %and3A_99 = arith.andi %add3A_96, %and3A_98 : vector<16xi32>
    %add3A_100 = arith.constant 12 : i32
    %add3A_101 = vector.broadcast %add3A_100 : i32 to vector<16xi32>
    %add3A_102 = arith.addi %iota3A, %add3A_101 : vector<16xi32>
    %and3A_103 = arith.constant 15 : i32
    %and3A_104 = vector.broadcast %and3A_103 : i32 to vector<16xi32>
    %and3A_105 = arith.andi %add3A_102, %and3A_104 : vector<16xi32>
    %add3A_106 = arith.constant 13 : i32
    %add3A_107 = vector.broadcast %add3A_106 : i32 to vector<16xi32>
    %add3A_108 = arith.addi %iota3A, %add3A_107 : vector<16xi32>
    %and3A_109 = arith.constant 15 : i32
    %and3A_110 = vector.broadcast %and3A_109 : i32 to vector<16xi32>
    %and3A_111 = arith.andi %add3A_108, %and3A_110 : vector<16xi32>
    %add3A_112 = arith.constant 14 : i32
    %add3A_113 = vector.broadcast %add3A_112 : i32 to vector<16xi32>
    %add3A_114 = arith.addi %iota3A, %add3A_113 : vector<16xi32>
    %and3A_115 = arith.constant 15 : i32
    %and3A_116 = vector.broadcast %and3A_115 : i32 to vector<16xi32>
    %and3A_117 = arith.andi %add3A_114, %and3A_116 : vector<16xi32>
    %add3A_118 = arith.constant 15 : i32
    %add3A_119 = vector.broadcast %add3A_118 : i32 to vector<16xi32>
    %add3A_120 = arith.addi %iota3A, %add3A_119 : vector<16xi32>
    %and3A_121 = arith.constant 15 : i32
    %and3A_122 = vector.broadcast %and3A_121 : i32 to vector<16xi32>
    %and3A_123 = arith.andi %add3A_120, %and3A_122 : vector<16xi32>
    %dma_wait3A = arith.constant 0 : i32
    %dma_wait3A_124 = tpu.memref_slice %arg5[%dma_wait3A] : memref<512xi32, #tpu.memory_space<vmem>> -> memref<128xi32, #tpu.memory_space<vmem>>
    %dma_wait3A_125 = arith.constant 0 : i32
    %dma_wait3A_126 = arith.constant 0 : i32
    %dma_wait3A_127 = tpu.memref_slice %arg3[%dma_wait3A_125, %dma_wait3A_126] : memref<1001x128xf32, #tpu.memory_space<hbm>> -> memref<1001x128xf32, #tpu.memory_space<hbm>>
    tpu.wait_indirect_dma semaphore(%arg13 : memref<!tpu.dma_semaphore, #tpu.memory_space<semaphore_mem>>) src(%dma_wait3A_127 : memref<1001x128xf32, #tpu.memory_space<hbm>>) dst(%arg7 : memref<128x128xf32, #tpu.memory_space<vmem>>)
    %parallel_loop3A = arith.constant 0 : i32
    %parallel_loop3A_128 = arith.constant 32 : i32
    %parallel_loop3A_129 = arith.constant 1 : i32
    scf.for %parallel_loop3A_194 = %parallel_loop3A to %parallel_loop3A_128 step %parallel_loop3A_129  : i32 {
      %parallel_loop3A_195 = arith.constant 4 : i32
      %parallel_loop3A_196 = arith.constant 0 : i32
      %parallel_loop3A_197 = arith.cmpi eq, %parallel_loop3A_195, %parallel_loop3A_196 : i32
      %parallel_loop3A_198 = arith.constant 1 : i32
      %parallel_loop3A_199 = arith.select %parallel_loop3A_197, %parallel_loop3A_198, %parallel_loop3A_195 : i32
      %parallel_loop3A_200 = arith.remsi %parallel_loop3A_194, %parallel_loop3A_199 : i32
      %parallel_loop3A_201 = arith.constant 0 : i32
      %parallel_loop3A_202 = arith.cmpi ne, %parallel_loop3A_200, %parallel_loop3A_201 : i32
      %parallel_loop3A_203 = arith.constant 0 : i32
      %parallel_loop3A_204 = arith.cmpi slt, %parallel_loop3A_200, %parallel_loop3A_203 : i32
      %parallel_loop3A_205 = arith.constant 0 : i32
      %parallel_loop3A_206 = arith.cmpi slt, %parallel_loop3A_199, %parallel_loop3A_205 : i32
      %parallel_loop3A_207 = arith.xori %parallel_loop3A_204, %parallel_loop3A_206 : i1
      %parallel_loop3A_208 = arith.andi %parallel_loop3A_207, %parallel_loop3A_202 : i1
      %parallel_loop3A_209 = arith.addi %parallel_loop3A_200, %parallel_loop3A_199 : i32
      %parallel_loop3A_210 = arith.select %parallel_loop3A_208, %parallel_loop3A_209, %parallel_loop3A_200 : i32
      %parallel_loop3A_211 = arith.constant 16 : i32
      %parallel_loop3A_212 = arith.muli %parallel_loop3A_210, %parallel_loop3A_211 : i32
      %parallel_loop3A_213 = arith.constant 4 : i32
      %parallel_loop3A_214 = arith.divsi %parallel_loop3A_194, %parallel_loop3A_213 : i32
      %parallel_loop3A_215 = arith.constant 0 : i32
      %parallel_loop3A_216 = arith.cmpi sgt, %parallel_loop3A_194, %parallel_loop3A_215 : i32
      %parallel_loop3A_217 = arith.extui %parallel_loop3A_216 : i1 to i32
      %parallel_loop3A_218 = arith.constant 0 : i32
      %parallel_loop3A_219 = arith.cmpi slt, %parallel_loop3A_194, %parallel_loop3A_218 : i32
      %parallel_loop3A_220 = arith.extui %parallel_loop3A_219 : i1 to i32
      %parallel_loop3A_221 = arith.subi %parallel_loop3A_217, %parallel_loop3A_220 : i32
      %parallel_loop3A_222 = arith.constant 0 : i32
      %parallel_loop3A_223 = arith.cmpi sgt, %parallel_loop3A_213, %parallel_loop3A_222 : i32
      %parallel_loop3A_224 = arith.extui %parallel_loop3A_223 : i1 to i32
      %parallel_loop3A_225 = arith.constant 0 : i32
      %parallel_loop3A_226 = arith.cmpi slt, %parallel_loop3A_213, %parallel_loop3A_225 : i32
      %parallel_loop3A_227 = arith.extui %parallel_loop3A_226 : i1 to i32
      %parallel_loop3A_228 = arith.subi %parallel_loop3A_224, %parallel_loop3A_227 : i32
      %parallel_loop3A_229 = arith.cmpi ne, %parallel_loop3A_221, %parallel_loop3A_228 : i32
      %parallel_loop3A_230 = arith.remsi %parallel_loop3A_194, %parallel_loop3A_213 : i32
      %parallel_loop3A_231 = arith.constant 0 : i32
      %parallel_loop3A_232 = arith.cmpi ne, %parallel_loop3A_230, %parallel_loop3A_231 : i32
      %parallel_loop3A_233 = arith.andi %parallel_loop3A_229, %parallel_loop3A_232 : i1
      %parallel_loop3A_234 = arith.constant 1 : i32
      %parallel_loop3A_235 = arith.subi %parallel_loop3A_214, %parallel_loop3A_234 : i32
      %parallel_loop3A_236 = arith.select %parallel_loop3A_233, %parallel_loop3A_235, %parallel_loop3A_214 : i32
      %parallel_loop3A_237 = arith.constant 16 : i32
      %parallel_loop3A_238 = arith.muli %parallel_loop3A_236, %parallel_loop3A_237 : i32
      %parallel_loop3A_239 = vector.broadcast %parallel_loop3A_238 : i32 to vector<16xi32>
      %parallel_loop3A_240 = arith.addi %iota3A, %parallel_loop3A_239 : vector<16xi32>
      %parallel_loop3A_241 = vector.broadcast %parallel_loop3A_212 : i32 to vector<16xi32>
      %parallel_loop3A_242 = arith.addi %and3A_33, %parallel_loop3A_241 : vector<16xi32>
      %parallel_loop3A_243 = tpu.vector_load_idx %arg7[%parallel_loop3A_240, %parallel_loop3A_242] : memref<128x128xf32, #tpu.memory_space<vmem>>[vector<16xi32>, vector<16xi32>], vector<16xf32>,
      tpu.vector_store_idx %arg11[%parallel_loop3A_242, %parallel_loop3A_240], %parallel_loop3A_243 : memref<64x128xf32, #tpu.memory_space<vmem>>[vector<16xi32>, vector<16xi32>], vector<16xf32>,
      %parallel_loop3A_244 = vector.broadcast %parallel_loop3A_212 : i32 to vector<16xi32>
      %parallel_loop3A_245 = arith.addi %and3A_39, %parallel_loop3A_244 : vector<16xi32>
      %parallel_loop3A_246 = tpu.vector_load_idx %arg7[%parallel_loop3A_240, %parallel_loop3A_245] : memref<128x128xf32, #tpu.memory_space<vmem>>[vector<16xi32>, vector<16xi32>], vector<16xf32>,
      tpu.vector_store_idx %arg11[%parallel_loop3A_245, %parallel_loop3A_240], %parallel_loop3A_246 : memref<64x128xf32, #tpu.memory_space<vmem>>[vector<16xi32>, vector<16xi32>], vector<16xf32>,
      %parallel_loop3A_247 = vector.broadcast %parallel_loop3A_212 : i32 to vector<16xi32>
      %parallel_loop3A_248 = arith.addi %and3A_45, %parallel_loop3A_247 : vector<16xi32>
      %parallel_loop3A_249 = tpu.vector_load_idx %arg7[%parallel_loop3A_240, %parallel_loop3A_248] : memref<128x128xf32, #tpu.memory_space<vmem>>[vector<16xi32>, vector<16xi32>], vector<16xf32>,
      tpu.vector_store_idx %arg11[%parallel_loop3A_248, %parallel_loop3A_240], %parallel_loop3A_249 : memref<64x128xf32, #tpu.memory_space<vmem>>[vector<16xi32>, vector<16xi32>], vector<16xf32>,
      %parallel_loop3A_250 = vector.broadcast %parallel_loop3A_212 : i32 to vector<16xi32>
      %parallel_loop3A_251 = arith.addi %and3A_51, %parallel_loop3A_250 : vector<16xi32>
      %parallel_loop3A_252 = tpu.vector_load_idx %arg7[%parallel_loop3A_240, %parallel_loop3A_251] : memref<128x128xf32, #tpu.memory_space<vmem>>[vector<16xi32>, vector<16xi32>], vector<16xf32>,
      tpu.vector_store_idx %arg11[%parallel_loop3A_251, %parallel_loop3A_240], %parallel_loop3A_252 : memref<64x128xf32, #tpu.memory_space<vmem>>[vector<16xi32>, vector<16xi32>], vector<16xf32>,
      %parallel_loop3A_253 = vector.broadcast %parallel_loop3A_212 : i32 to vector<16xi32>
      %parallel_loop3A_254 = arith.addi %and3A_57, %parallel_loop3A_253 : vector<16xi32>
      %parallel_loop3A_255 = tpu.vector_load_idx %arg7[%parallel_loop3A_240, %parallel_loop3A_254] : memref<128x128xf32, #tpu.memory_space<vmem>>[vector<16xi32>, vector<16xi32>], vector<16xf32>,
      tpu.vector_store_idx %arg11[%parallel_loop3A_254, %parallel_loop3A_240], %parallel_loop3A_255 : memref<64x128xf32, #tpu.memory_space<vmem>>[vector<16xi32>, vector<16xi32>], vector<16xf32>,
      %parallel_loop3A_256 = vector.broadcast %parallel_loop3A_212 : i32 to vector<16xi32>
      %parallel_loop3A_257 = arith.addi %and3A_63, %parallel_loop3A_256 : vector<16xi32>
      %parallel_loop3A_258 = tpu.vector_load_idx %arg7[%parallel_loop3A_240, %parallel_loop3A_257] : memref<128x128xf32, #tpu.memory_space<vmem>>[vector<16xi32>, vector<16xi32>], vector<16xf32>,
      tpu.vector_store_idx %arg11[%parallel_loop3A_257, %parallel_loop3A_240], %parallel_loop3A_258 : memref<64x128xf32, #tpu.memory_space<vmem>>[vector<16xi32>, vector<16xi32>], vector<16xf32>,
      %parallel_loop3A_259 = vector.broadcast %parallel_loop3A_212 : i32 to vector<16xi32>
      %parallel_loop3A_260 = arith.addi %and3A_69, %parallel_loop3A_259 : vector<16xi32>
      %parallel_loop3A_261 = tpu.vector_load_idx %arg7[%parallel_loop3A_240, %parallel_loop3A_260] : memref<128x128xf32, #tpu.memory_space<vmem>>[vector<16xi32>, vector<16xi32>], vector<16xf32>,
      tpu.vector_store_idx %arg11[%parallel_loop3A_260, %parallel_loop3A_240], %parallel_loop3A_261 : memref<64x128xf32, #tpu.memory_space<vmem>>[vector<16xi32>, vector<16xi32>], vector<16xf32>,
      %parallel_loop3A_262 = vector.broadcast %parallel_loop3A_212 : i32 to vector<16xi32>
      %parallel_loop3A_263 = arith.addi %and3A_75, %parallel_loop3A_262 : vector<16xi32>
      %parallel_loop3A_264 = tpu.vector_load_idx %arg7[%parallel_loop3A_240, %parallel_loop3A_263] : memref<128x128xf32, #tpu.memory_space<vmem>>[vector<16xi32>, vector<16xi32>], vector<16xf32>,
      tpu.vector_store_idx %arg11[%parallel_loop3A_263, %parallel_loop3A_240], %parallel_loop3A_264 : memref<64x128xf32, #tpu.memory_space<vmem>>[vector<16xi32>, vector<16xi32>], vector<16xf32>,
      %parallel_loop3A_265 = vector.broadcast %parallel_loop3A_212 : i32 to vector<16xi32>
      %parallel_loop3A_266 = arith.addi %and3A_81, %parallel_loop3A_265 : vector<16xi32>
      %parallel_loop3A_267 = tpu.vector_load_idx %arg7[%parallel_loop3A_240, %parallel_loop3A_266] : memref<128x128xf32, #tpu.memory_space<vmem>>[vector<16xi32>, vector<16xi32>], vector<16xf32>,
      tpu.vector_store_idx %arg11[%parallel_loop3A_266, %parallel_loop3A_240], %parallel_loop3A_267 : memref<64x128xf32, #tpu.memory_space<vmem>>[vector<16xi32>, vector<16xi32>], vector<16xf32>,
      %parallel_loop3A_268 = vector.broadcast %parallel_loop3A_212 : i32 to vector<16xi32>
      %parallel_loop3A_269 = arith.addi %and3A_87, %parallel_loop3A_268 : vector<16xi32>
      %parallel_loop3A_270 = tpu.vector_load_idx %arg7[%parallel_loop3A_240, %parallel_loop3A_269] : memref<128x128xf32, #tpu.memory_space<vmem>>[vector<16xi32>, vector<16xi32>], vector<16xf32>,
      tpu.vector_store_idx %arg11[%parallel_loop3A_269, %parallel_loop3A_240], %parallel_loop3A_270 : memref<64x128xf32, #tpu.memory_space<vmem>>[vector<16xi32>, vector<16xi32>], vector<16xf32>,
      %parallel_loop3A_271 = vector.broadcast %parallel_loop3A_212 : i32 to vector<16xi32>
      %parallel_loop3A_272 = arith.addi %and3A_93, %parallel_loop3A_271 : vector<16xi32>
      %parallel_loop3A_273 = tpu.vector_load_idx %arg7[%parallel_loop3A_240, %parallel_loop3A_272] : memref<128x128xf32, #tpu.memory_space<vmem>>[vector<16xi32>, vector<16xi32>], vector<16xf32>,
      tpu.vector_store_idx %arg11[%parallel_loop3A_272, %parallel_loop3A_240], %parallel_loop3A_273 : memref<64x128xf32, #tpu.memory_space<vmem>>[vector<16xi32>, vector<16xi32>], vector<16xf32>,
      %parallel_loop3A_274 = vector.broadcast %parallel_loop3A_212 : i32 to vector<16xi32>
      %parallel_loop3A_275 = arith.addi %and3A_99, %parallel_loop3A_274 : vector<16xi32>
      %parallel_loop3A_276 = tpu.vector_load_idx %arg7[%parallel_loop3A_240, %parallel_loop3A_275] : memref<128x128xf32, #tpu.memory_space<vmem>>[vector<16xi32>, vector<16xi32>], vector<16xf32>,
      tpu.vector_store_idx %arg11[%parallel_loop3A_275, %parallel_loop3A_240], %parallel_loop3A_276 : memref<64x128xf32, #tpu.memory_space<vmem>>[vector<16xi32>, vector<16xi32>], vector<16xf32>,
      %parallel_loop3A_277 = vector.broadcast %parallel_loop3A_212 : i32 to vector<16xi32>
      %parallel_loop3A_278 = arith.addi %and3A_105, %parallel_loop3A_277 : vector<16xi32>
      %parallel_loop3A_279 = tpu.vector_load_idx %arg7[%parallel_loop3A_240, %parallel_loop3A_278] : memref<128x128xf32, #tpu.memory_space<vmem>>[vector<16xi32>, vector<16xi32>], vector<16xf32>,
      tpu.vector_store_idx %arg11[%parallel_loop3A_278, %parallel_loop3A_240], %parallel_loop3A_279 : memref<64x128xf32, #tpu.memory_space<vmem>>[vector<16xi32>, vector<16xi32>], vector<16xf32>,
      %parallel_loop3A_280 = vector.broadcast %parallel_loop3A_212 : i32 to vector<16xi32>
      %parallel_loop3A_281 = arith.addi %and3A_111, %parallel_loop3A_280 : vector<16xi32>
      %parallel_loop3A_282 = tpu.vector_load_idx %arg7[%parallel_loop3A_240, %parallel_loop3A_281] : memref<128x128xf32, #tpu.memory_space<vmem>>[vector<16xi32>, vector<16xi32>], vector<16xf32>,
      tpu.vector_store_idx %arg11[%parallel_loop3A_281, %parallel_loop3A_240], %parallel_loop3A_282 : memref<64x128xf32, #tpu.memory_space<vmem>>[vector<16xi32>, vector<16xi32>], vector<16xf32>,
      %parallel_loop3A_283 = vector.broadcast %parallel_loop3A_212 : i32 to vector<16xi32>
      %parallel_loop3A_284 = arith.addi %and3A_117, %parallel_loop3A_283 : vector<16xi32>
      %parallel_loop3A_285 = tpu.vector_load_idx %arg7[%parallel_loop3A_240, %parallel_loop3A_284] : memref<128x128xf32, #tpu.memory_space<vmem>>[vector<16xi32>, vector<16xi32>], vector<16xf32>,
      tpu.vector_store_idx %arg11[%parallel_loop3A_284, %parallel_loop3A_240], %parallel_loop3A_285 : memref<64x128xf32, #tpu.memory_space<vmem>>[vector<16xi32>, vector<16xi32>], vector<16xf32>,
      %parallel_loop3A_286 = vector.broadcast %parallel_loop3A_212 : i32 to vector<16xi32>
      %parallel_loop3A_287 = arith.addi %and3A_123, %parallel_loop3A_286 : vector<16xi32>
      %parallel_loop3A_288 = tpu.vector_load_idx %arg7[%parallel_loop3A_240, %parallel_loop3A_287] : memref<128x128xf32, #tpu.memory_space<vmem>>[vector<16xi32>, vector<16xi32>], vector<16xf32>,
      tpu.vector_store_idx %arg11[%parallel_loop3A_287, %parallel_loop3A_240], %parallel_loop3A_288 : memref<64x128xf32, #tpu.memory_space<vmem>>[vector<16xi32>, vector<16xi32>], vector<16xf32>,
    } {sc.loop_unroll_factor = 2 : i64, sc.parallel_access}
    %add3A_130 = arith.constant 0 : i32
    %add3A_131 = arith.addi %mul3A_2, %add3A_130 : i32
    %dma_start3A_132 = arith.constant 0 : i32
    %dma_start3A_133 = tpu.memref_slice %arg4[%dma_start3A_132, %add3A_131] : memref<64x16384xf32, #tpu.memory_space<hbm>> -> memref<64x128xf32, #tpu.memory_space<hbm>>
    %dma_start3A_134 = arith.constant 0 : i32
    %dma_start3A_135 = tpu.memref_slice %arg4[%dma_start3A_134, %add3A_131] : memref<64x16384xf32, #tpu.memory_space<hbm>> -> memref<64x128xf32, #tpu.memory_space<hbm>>
    tpu.enqueue_dma source(%arg11 : memref<64x128xf32, #tpu.memory_space<vmem>>) target(%dma_start3A_135 : memref<64x128xf32, #tpu.memory_space<hbm>>) target_semaphore(%arg17 : memref<!tpu.dma_semaphore, #tpu.memory_space<semaphore_mem>>)
    %dma_wait3A_136 = arith.constant 128 : i32
    %dma_wait3A_137 = tpu.memref_slice %arg5[%dma_wait3A_136] : memref<512xi32, #tpu.memory_space<vmem>> -> memref<128xi32, #tpu.memory_space<vmem>>
    %dma_wait3A_138 = arith.constant 0 : i32
    %dma_wait3A_139 = arith.constant 0 : i32
    %dma_wait3A_140 = tpu.memref_slice %arg6[%dma_wait3A_138, %dma_wait3A_139] : memref<1001x128xf32, #tpu.memory_space<vmem_shared>> -> memref<1001x128xf32, #tpu.memory_space<vmem_shared>>
    tpu.wait_indirect_dma semaphore(%arg14 : memref<!tpu.dma_semaphore, #tpu.memory_space<semaphore_mem>>) src(%dma_wait3A_140 : memref<1001x128xf32, #tpu.memory_space<vmem_shared>>) dst(%arg8 : memref<128x128xf32, #tpu.memory_space<vmem>>)
    %parallel_loop3A_141 = arith.constant 0 : i32
    %parallel_loop3A_142 = arith.constant 32 : i32
    %parallel_loop3A_143 = arith.constant 1 : i32
    scf.for %parallel_loop3A_194 = %parallel_loop3A_141 to %parallel_loop3A_142 step %parallel_loop3A_143  : i32 {
      %parallel_loop3A_195 = arith.constant 4 : i32
      %parallel_loop3A_196 = arith.constant 0 : i32
      %parallel_loop3A_197 = arith.cmpi eq, %parallel_loop3A_195, %parallel_loop3A_196 : i32
      %parallel_loop3A_198 = arith.constant 1 : i32
      %parallel_loop3A_199 = arith.select %parallel_loop3A_197, %parallel_loop3A_198, %parallel_loop3A_195 : i32
      %parallel_loop3A_200 = arith.remsi %parallel_loop3A_194, %parallel_loop3A_199 : i32
      %parallel_loop3A_201 = arith.constant 0 : i32
      %parallel_loop3A_202 = arith.cmpi ne, %parallel_loop3A_200, %parallel_loop3A_201 : i32
      %parallel_loop3A_203 = arith.constant 0 : i32
      %parallel_loop3A_204 = arith.cmpi slt, %parallel_loop3A_200, %parallel_loop3A_203 : i32
      %parallel_loop3A_205 = arith.constant 0 : i32
      %parallel_loop3A_206 = arith.cmpi slt, %parallel_loop3A_199, %parallel_loop3A_205 : i32
      %parallel_loop3A_207 = arith.xori %parallel_loop3A_204, %parallel_loop3A_206 : i1
      %parallel_loop3A_208 = arith.andi %parallel_loop3A_207, %parallel_loop3A_202 : i1
      %parallel_loop3A_209 = arith.addi %parallel_loop3A_200, %parallel_loop3A_199 : i32
      %parallel_loop3A_210 = arith.select %parallel_loop3A_208, %parallel_loop3A_209, %parallel_loop3A_200 : i32
      %parallel_loop3A_211 = arith.constant 16 : i32
      %parallel_loop3A_212 = arith.muli %parallel_loop3A_210, %parallel_loop3A_211 : i32
      %parallel_loop3A_213 = arith.constant 4 : i32
      %parallel_loop3A_214 = arith.divsi %parallel_loop3A_194, %parallel_loop3A_213 : i32
      %parallel_loop3A_215 = arith.constant 0 : i32
      %parallel_loop3A_216 = arith.cmpi sgt, %parallel_loop3A_194, %parallel_loop3A_215 : i32
      %parallel_loop3A_217 = arith.extui %parallel_loop3A_216 : i1 to i32
      %parallel_loop3A_218 = arith.constant 0 : i32
      %parallel_loop3A_219 = arith.cmpi slt, %parallel_loop3A_194, %parallel_loop3A_218 : i32
      %parallel_loop3A_220 = arith.extui %parallel_loop3A_219 : i1 to i32
      %parallel_loop3A_221 = arith.subi %parallel_loop3A_217, %parallel_loop3A_220 : i32
      %parallel_loop3A_222 = arith.constant 0 : i32
      %parallel_loop3A_223 = arith.cmpi sgt, %parallel_loop3A_213, %parallel_loop3A_222 : i32
      %parallel_loop3A_224 = arith.extui %parallel_loop3A_223 : i1 to i32
      %parallel_loop3A_225 = arith.constant 0 : i32
      %parallel_loop3A_226 = arith.cmpi slt, %parallel_loop3A_213, %parallel_loop3A_225 : i32
      %parallel_loop3A_227 = arith.extui %parallel_loop3A_226 : i1 to i32
      %parallel_loop3A_228 = arith.subi %parallel_loop3A_224, %parallel_loop3A_227 : i32
      %parallel_loop3A_229 = arith.cmpi ne, %parallel_loop3A_221, %parallel_loop3A_228 : i32
      %parallel_loop3A_230 = arith.remsi %parallel_loop3A_194, %parallel_loop3A_213 : i32
      %parallel_loop3A_231 = arith.constant 0 : i32
      %parallel_loop3A_232 = arith.cmpi ne, %parallel_loop3A_230, %parallel_loop3A_231 : i32
      %parallel_loop3A_233 = arith.andi %parallel_loop3A_229, %parallel_loop3A_232 : i1
      %parallel_loop3A_234 = arith.constant 1 : i32
      %parallel_loop3A_235 = arith.subi %parallel_loop3A_214, %parallel_loop3A_234 : i32
      %parallel_loop3A_236 = arith.select %parallel_loop3A_233, %parallel_loop3A_235, %parallel_loop3A_214 : i32
      %parallel_loop3A_237 = arith.constant 16 : i32
      %parallel_loop3A_238 = arith.muli %parallel_loop3A_236, %parallel_loop3A_237 : i32
      %parallel_loop3A_239 = vector.broadcast %parallel_loop3A_238 : i32 to vector<16xi32>
      %parallel_loop3A_240 = arith.addi %iota3A, %parallel_loop3A_239 : vector<16xi32>
      %parallel_loop3A_241 = vector.broadcast %parallel_loop3A_212 : i32 to vector<16xi32>
      %parallel_loop3A_242 = arith.addi %and3A_33, %parallel_loop3A_241 : vector<16xi32>
      %parallel_loop3A_243 = tpu.vector_load_idx %arg8[%parallel_loop3A_240, %parallel_loop3A_242] : memref<128x128xf32, #tpu.memory_space<vmem>>[vector<16xi32>, vector<16xi32>], vector<16xf32>,
      tpu.vector_store_idx %arg12[%parallel_loop3A_242, %parallel_loop3A_240], %parallel_loop3A_243 : memref<64x128xf32, #tpu.memory_space<vmem>>[vector<16xi32>, vector<16xi32>], vector<16xf32>,
      %parallel_loop3A_244 = vector.broadcast %parallel_loop3A_212 : i32 to vector<16xi32>
      %parallel_loop3A_245 = arith.addi %and3A_39, %parallel_loop3A_244 : vector<16xi32>
      %parallel_loop3A_246 = tpu.vector_load_idx %arg8[%parallel_loop3A_240, %parallel_loop3A_245] : memref<128x128xf32, #tpu.memory_space<vmem>>[vector<16xi32>, vector<16xi32>], vector<16xf32>,
      tpu.vector_store_idx %arg12[%parallel_loop3A_245, %parallel_loop3A_240], %parallel_loop3A_246 : memref<64x128xf32, #tpu.memory_space<vmem>>[vector<16xi32>, vector<16xi32>], vector<16xf32>,
      %parallel_loop3A_247 = vector.broadcast %parallel_loop3A_212 : i32 to vector<16xi32>
      %parallel_loop3A_248 = arith.addi %and3A_45, %parallel_loop3A_247 : vector<16xi32>
      %parallel_loop3A_249 = tpu.vector_load_idx %arg8[%parallel_loop3A_240, %parallel_loop3A_248] : memref<128x128xf32, #tpu.memory_space<vmem>>[vector<16xi32>, vector<16xi32>], vector<16xf32>,
      tpu.vector_store_idx %arg12[%parallel_loop3A_248, %parallel_loop3A_240], %parallel_loop3A_249 : memref<64x128xf32, #tpu.memory_space<vmem>>[vector<16xi32>, vector<16xi32>], vector<16xf32>,
      %parallel_loop3A_250 = vector.broadcast %parallel_loop3A_212 : i32 to vector<16xi32>
      %parallel_loop3A_251 = arith.addi %and3A_51, %parallel_loop3A_250 : vector<16xi32>
      %parallel_loop3A_252 = tpu.vector_load_idx %arg8[%parallel_loop3A_240, %parallel_loop3A_251] : memref<128x128xf32, #tpu.memory_space<vmem>>[vector<16xi32>, vector<16xi32>], vector<16xf32>,
      tpu.vector_store_idx %arg12[%parallel_loop3A_251, %parallel_loop3A_240], %parallel_loop3A_252 : memref<64x128xf32, #tpu.memory_space<vmem>>[vector<16xi32>, vector<16xi32>], vector<16xf32>,
      %parallel_loop3A_253 = vector.broadcast %parallel_loop3A_212 : i32 to vector<16xi32>
      %parallel_loop3A_254 = arith.addi %and3A_57, %parallel_loop3A_253 : vector<16xi32>
      %parallel_loop3A_255 = tpu.vector_load_idx %arg8[%parallel_loop3A_240, %parallel_loop3A_254] : memref<128x128xf32, #tpu.memory_space<vmem>>[vector<16xi32>, vector<16xi32>], vector<16xf32>,
      tpu.vector_store_idx %arg12[%parallel_loop3A_254, %parallel_loop3A_240], %parallel_loop3A_255 : memref<64x128xf32, #tpu.memory_space<vmem>>[vector<16xi32>, vector<16xi32>], vector<16xf32>,
      %parallel_loop3A_256 = vector.broadcast %parallel_loop3A_212 : i32 to vector<16xi32>
      %parallel_loop3A_257 = arith.addi %and3A_63, %parallel_loop3A_256 : vector<16xi32>
      %parallel_loop3A_258 = tpu.vector_load_idx %arg8[%parallel_loop3A_240, %parallel_loop3A_257] : memref<128x128xf32, #tpu.memory_space<vmem>>[vector<16xi32>, vector<16xi32>], vector<16xf32>,
      tpu.vector_store_idx %arg12[%parallel_loop3A_257, %parallel_loop3A_240], %parallel_loop3A_258 : memref<64x128xf32, #tpu.memory_space<vmem>>[vector<16xi32>, vector<16xi32>], vector<16xf32>,
      %parallel_loop3A_259 = vector.broadcast %parallel_loop3A_212 : i32 to vector<16xi32>
      %parallel_loop3A_260 = arith.addi %and3A_69, %parallel_loop3A_259 : vector<16xi32>
      %parallel_loop3A_261 = tpu.vector_load_idx %arg8[%parallel_loop3A_240, %parallel_loop3A_260] : memref<128x128xf32, #tpu.memory_space<vmem>>[vector<16xi32>, vector<16xi32>], vector<16xf32>,
      tpu.vector_store_idx %arg12[%parallel_loop3A_260, %parallel_loop3A_240], %parallel_loop3A_261 : memref<64x128xf32, #tpu.memory_space<vmem>>[vector<16xi32>, vector<16xi32>], vector<16xf32>,
      %parallel_loop3A_262 = vector.broadcast %parallel_loop3A_212 : i32 to vector<16xi32>
      %parallel_loop3A_263 = arith.addi %and3A_75, %parallel_loop3A_262 : vector<16xi32>
      %parallel_loop3A_264 = tpu.vector_load_idx %arg8[%parallel_loop3A_240, %parallel_loop3A_263] : memref<128x128xf32, #tpu.memory_space<vmem>>[vector<16xi32>, vector<16xi32>], vector<16xf32>,
      tpu.vector_store_idx %arg12[%parallel_loop3A_263, %parallel_loop3A_240], %parallel_loop3A_264 : memref<64x128xf32, #tpu.memory_space<vmem>>[vector<16xi32>, vector<16xi32>], vector<16xf32>,
      %parallel_loop3A_265 = vector.broadcast %parallel_loop3A_212 : i32 to vector<16xi32>
      %parallel_loop3A_266 = arith.addi %and3A_81, %parallel_loop3A_265 : vector<16xi32>
      %parallel_loop3A_267 = tpu.vector_load_idx %arg8[%parallel_loop3A_240, %parallel_loop3A_266] : memref<128x128xf32, #tpu.memory_space<vmem>>[vector<16xi32>, vector<16xi32>], vector<16xf32>,
      tpu.vector_store_idx %arg12[%parallel_loop3A_266, %parallel_loop3A_240], %parallel_loop3A_267 : memref<64x128xf32, #tpu.memory_space<vmem>>[vector<16xi32>, vector<16xi32>], vector<16xf32>,
      %parallel_loop3A_268 = vector.broadcast %parallel_loop3A_212 : i32 to vector<16xi32>
      %parallel_loop3A_269 = arith.addi %and3A_87, %parallel_loop3A_268 : vector<16xi32>
      %parallel_loop3A_270 = tpu.vector_load_idx %arg8[%parallel_loop3A_240, %parallel_loop3A_269] : memref<128x128xf32, #tpu.memory_space<vmem>>[vector<16xi32>, vector<16xi32>], vector<16xf32>,
      tpu.vector_store_idx %arg12[%parallel_loop3A_269, %parallel_loop3A_240], %parallel_loop3A_270 : memref<64x128xf32, #tpu.memory_space<vmem>>[vector<16xi32>, vector<16xi32>], vector<16xf32>,
      %parallel_loop3A_271 = vector.broadcast %parallel_loop3A_212 : i32 to vector<16xi32>
      %parallel_loop3A_272 = arith.addi %and3A_93, %parallel_loop3A_271 : vector<16xi32>
      %parallel_loop3A_273 = tpu.vector_load_idx %arg8[%parallel_loop3A_240, %parallel_loop3A_272] : memref<128x128xf32, #tpu.memory_space<vmem>>[vector<16xi32>, vector<16xi32>], vector<16xf32>,
      tpu.vector_store_idx %arg12[%parallel_loop3A_272, %parallel_loop3A_240], %parallel_loop3A_273 : memref<64x128xf32, #tpu.memory_space<vmem>>[vector<16xi32>, vector<16xi32>], vector<16xf32>,
      %parallel_loop3A_274 = vector.broadcast %parallel_loop3A_212 : i32 to vector<16xi32>
      %parallel_loop3A_275 = arith.addi %and3A_99, %parallel_loop3A_274 : vector<16xi32>
      %parallel_loop3A_276 = tpu.vector_load_idx %arg8[%parallel_loop3A_240, %parallel_loop3A_275] : memref<128x128xf32, #tpu.memory_space<vmem>>[vector<16xi32>, vector<16xi32>], vector<16xf32>,
      tpu.vector_store_idx %arg12[%parallel_loop3A_275, %parallel_loop3A_240], %parallel_loop3A_276 : memref<64x128xf32, #tpu.memory_space<vmem>>[vector<16xi32>, vector<16xi32>], vector<16xf32>,
      %parallel_loop3A_277 = vector.broadcast %parallel_loop3A_212 : i32 to vector<16xi32>
      %parallel_loop3A_278 = arith.addi %and3A_105, %parallel_loop3A_277 : vector<16xi32>
      %parallel_loop3A_279 = tpu.vector_load_idx %arg8[%parallel_loop3A_240, %parallel_loop3A_278] : memref<128x128xf32, #tpu.memory_space<vmem>>[vector<16xi32>, vector<16xi32>], vector<16xf32>,
      tpu.vector_store_idx %arg12[%parallel_loop3A_278, %parallel_loop3A_240], %parallel_loop3A_279 : memref<64x128xf32, #tpu.memory_space<vmem>>[vector<16xi32>, vector<16xi32>], vector<16xf32>,
      %parallel_loop3A_280 = vector.broadcast %parallel_loop3A_212 : i32 to vector<16xi32>
      %parallel_loop3A_281 = arith.addi %and3A_111, %parallel_loop3A_280 : vector<16xi32>
      %parallel_loop3A_282 = tpu.vector_load_idx %arg8[%parallel_loop3A_240, %parallel_loop3A_281] : memref<128x128xf32, #tpu.memory_space<vmem>>[vector<16xi32>, vector<16xi32>], vector<16xf32>,
      tpu.vector_store_idx %arg12[%parallel_loop3A_281, %parallel_loop3A_240], %parallel_loop3A_282 : memref<64x128xf32, #tpu.memory_space<vmem>>[vector<16xi32>, vector<16xi32>], vector<16xf32>,
      %parallel_loop3A_283 = vector.broadcast %parallel_loop3A_212 : i32 to vector<16xi32>
      %parallel_loop3A_284 = arith.addi %and3A_117, %parallel_loop3A_283 : vector<16xi32>
      %parallel_loop3A_285 = tpu.vector_load_idx %arg8[%parallel_loop3A_240, %parallel_loop3A_284] : memref<128x128xf32, #tpu.memory_space<vmem>>[vector<16xi32>, vector<16xi32>], vector<16xf32>,
      tpu.vector_store_idx %arg12[%parallel_loop3A_284, %parallel_loop3A_240], %parallel_loop3A_285 : memref<64x128xf32, #tpu.memory_space<vmem>>[vector<16xi32>, vector<16xi32>], vector<16xf32>,
      %parallel_loop3A_286 = vector.broadcast %parallel_loop3A_212 : i32 to vector<16xi32>
      %parallel_loop3A_287 = arith.addi %and3A_123, %parallel_loop3A_286 : vector<16xi32>
      %parallel_loop3A_288 = tpu.vector_load_idx %arg8[%parallel_loop3A_240, %parallel_loop3A_287] : memref<128x128xf32, #tpu.memory_space<vmem>>[vector<16xi32>, vector<16xi32>], vector<16xf32>,
      tpu.vector_store_idx %arg12[%parallel_loop3A_287, %parallel_loop3A_240], %parallel_loop3A_288 : memref<64x128xf32, #tpu.memory_space<vmem>>[vector<16xi32>, vector<16xi32>], vector<16xf32>,
    } {sc.loop_unroll_factor = 2 : i64, sc.parallel_access}
    %add3A_144 = arith.constant 128 : i32
    %add3A_145 = arith.addi %mul3A_2, %add3A_144 : i32
    %dma_start3A_146 = arith.constant 0 : i32
    %dma_start3A_147 = tpu.memref_slice %arg4[%dma_start3A_146, %add3A_145] : memref<64x16384xf32, #tpu.memory_space<hbm>> -> memref<64x128xf32, #tpu.memory_space<hbm>>
    %dma_start3A_148 = arith.constant 0 : i32
    %dma_start3A_149 = tpu.memref_slice %arg4[%dma_start3A_148, %add3A_145] : memref<64x16384xf32, #tpu.memory_space<hbm>> -> memref<64x128xf32, #tpu.memory_space<hbm>>
    tpu.enqueue_dma source(%arg12 : memref<64x128xf32, #tpu.memory_space<vmem>>) target(%dma_start3A_149 : memref<64x128xf32, #tpu.memory_space<hbm>>) target_semaphore(%arg18 : memref<!tpu.dma_semaphore, #tpu.memory_space<semaphore_mem>>)
    %dma_wait3A_150 = arith.constant 256 : i32
    %dma_wait3A_151 = tpu.memref_slice %arg5[%dma_wait3A_150] : memref<512xi32, #tpu.memory_space<vmem>> -> memref<128xi32, #tpu.memory_space<vmem>>
    %dma_wait3A_152 = arith.constant 0 : i32
    %dma_wait3A_153 = arith.constant 0 : i32
    %dma_wait3A_154 = tpu.memref_slice %arg6[%dma_wait3A_152, %dma_wait3A_153] : memref<1001x128xf32, #tpu.memory_space<vmem_shared>> -> memref<1001x128xf32, #tpu.memory_space<vmem_shared>>
    tpu.wait_indirect_dma semaphore(%arg15 : memref<!tpu.dma_semaphore, #tpu.memory_space<semaphore_mem>>) src(%dma_wait3A_154 : memref<1001x128xf32, #tpu.memory_space<vmem_shared>>) dst(%arg9 : memref<128x128xf32, #tpu.memory_space<vmem>>)
    %dma_wait3A_155 = arith.constant 0 : i32
    %dma_wait3A_156 = tpu.memref_slice %arg4[%dma_wait3A_155, %add3A_131] : memref<64x16384xf32, #tpu.memory_space<hbm>> -> memref<64x128xf32, #tpu.memory_space<hbm>>
    %dma_wait3A_157 = arith.constant 0 : i32
    %dma_wait3A_158 = tpu.memref_slice %arg4[%dma_wait3A_157, %add3A_131] : memref<64x16384xf32, #tpu.memory_space<hbm>> -> memref<64x128xf32, #tpu.memory_space<hbm>>
    tpu.wait_dma2 semaphore(%arg17 : memref<!tpu.dma_semaphore, #tpu.memory_space<semaphore_mem>>) src(%arg11 : memref<64x128xf32, #tpu.memory_space<vmem>>) dst(%dma_wait3A_158 : memref<64x128xf32, #tpu.memory_space<hbm>>)
    %parallel_loop3A_159 = arith.constant 0 : i32
    %parallel_loop3A_160 = arith.constant 32 : i32
    %parallel_loop3A_161 = arith.constant 1 : i32
    scf.for %parallel_loop3A_194 = %parallel_loop3A_159 to %parallel_loop3A_160 step %parallel_loop3A_161  : i32 {
      %parallel_loop3A_195 = arith.constant 4 : i32
      %parallel_loop3A_196 = arith.constant 0 : i32
      %parallel_loop3A_197 = arith.cmpi eq, %parallel_loop3A_195, %parallel_loop3A_196 : i32
      %parallel_loop3A_198 = arith.constant 1 : i32
      %parallel_loop3A_199 = arith.select %parallel_loop3A_197, %parallel_loop3A_198, %parallel_loop3A_195 : i32
      %parallel_loop3A_200 = arith.remsi %parallel_loop3A_194, %parallel_loop3A_199 : i32
      %parallel_loop3A_201 = arith.constant 0 : i32
      %parallel_loop3A_202 = arith.cmpi ne, %parallel_loop3A_200, %parallel_loop3A_201 : i32
      %parallel_loop3A_203 = arith.constant 0 : i32
      %parallel_loop3A_204 = arith.cmpi slt, %parallel_loop3A_200, %parallel_loop3A_203 : i32
      %parallel_loop3A_205 = arith.constant 0 : i32
      %parallel_loop3A_206 = arith.cmpi slt, %parallel_loop3A_199, %parallel_loop3A_205 : i32
      %parallel_loop3A_207 = arith.xori %parallel_loop3A_204, %parallel_loop3A_206 : i1
      %parallel_loop3A_208 = arith.andi %parallel_loop3A_207, %parallel_loop3A_202 : i1
      %parallel_loop3A_209 = arith.addi %parallel_loop3A_200, %parallel_loop3A_199 : i32
      %parallel_loop3A_210 = arith.select %parallel_loop3A_208, %parallel_loop3A_209, %parallel_loop3A_200 : i32
      %parallel_loop3A_211 = arith.constant 16 : i32
      %parallel_loop3A_212 = arith.muli %parallel_loop3A_210, %parallel_loop3A_211 : i32
      %parallel_loop3A_213 = arith.constant 4 : i32
      %parallel_loop3A_214 = arith.divsi %parallel_loop3A_194, %parallel_loop3A_213 : i32
      %parallel_loop3A_215 = arith.constant 0 : i32
      %parallel_loop3A_216 = arith.cmpi sgt, %parallel_loop3A_194, %parallel_loop3A_215 : i32
      %parallel_loop3A_217 = arith.extui %parallel_loop3A_216 : i1 to i32
      %parallel_loop3A_218 = arith.constant 0 : i32
      %parallel_loop3A_219 = arith.cmpi slt, %parallel_loop3A_194, %parallel_loop3A_218 : i32
      %parallel_loop3A_220 = arith.extui %parallel_loop3A_219 : i1 to i32
      %parallel_loop3A_221 = arith.subi %parallel_loop3A_217, %parallel_loop3A_220 : i32
      %parallel_loop3A_222 = arith.constant 0 : i32
      %parallel_loop3A_223 = arith.cmpi sgt, %parallel_loop3A_213, %parallel_loop3A_222 : i32
      %parallel_loop3A_224 = arith.extui %parallel_loop3A_223 : i1 to i32
      %parallel_loop3A_225 = arith.constant 0 : i32
      %parallel_loop3A_226 = arith.cmpi slt, %parallel_loop3A_213, %parallel_loop3A_225 : i32
      %parallel_loop3A_227 = arith.extui %parallel_loop3A_226 : i1 to i32
      %parallel_loop3A_228 = arith.subi %parallel_loop3A_224, %parallel_loop3A_227 : i32
      %parallel_loop3A_229 = arith.cmpi ne, %parallel_loop3A_221, %parallel_loop3A_228 : i32
      %parallel_loop3A_230 = arith.remsi %parallel_loop3A_194, %parallel_loop3A_213 : i32
      %parallel_loop3A_231 = arith.constant 0 : i32
      %parallel_loop3A_232 = arith.cmpi ne, %parallel_loop3A_230, %parallel_loop3A_231 : i32
      %parallel_loop3A_233 = arith.andi %parallel_loop3A_229, %parallel_loop3A_232 : i1
      %parallel_loop3A_234 = arith.constant 1 : i32
      %parallel_loop3A_235 = arith.subi %parallel_loop3A_214, %parallel_loop3A_234 : i32
      %parallel_loop3A_236 = arith.select %parallel_loop3A_233, %parallel_loop3A_235, %parallel_loop3A_214 : i32
      %parallel_loop3A_237 = arith.constant 16 : i32
      %parallel_loop3A_238 = arith.muli %parallel_loop3A_236, %parallel_loop3A_237 : i32
      %parallel_loop3A_239 = vector.broadcast %parallel_loop3A_238 : i32 to vector<16xi32>
      %parallel_loop3A_240 = arith.addi %iota3A, %parallel_loop3A_239 : vector<16xi32>
      %parallel_loop3A_241 = vector.broadcast %parallel_loop3A_212 : i32 to vector<16xi32>
      %parallel_loop3A_242 = arith.addi %and3A_33, %parallel_loop3A_241 : vector<16xi32>
      %parallel_loop3A_243 = tpu.vector_load_idx %arg9[%parallel_loop3A_240, %parallel_loop3A_242] : memref<128x128xf32, #tpu.memory_space<vmem>>[vector<16xi32>, vector<16xi32>], vector<16xf32>,
      tpu.vector_store_idx %arg11[%parallel_loop3A_242, %parallel_loop3A_240], %parallel_loop3A_243 : memref<64x128xf32, #tpu.memory_space<vmem>>[vector<16xi32>, vector<16xi32>], vector<16xf32>,
      %parallel_loop3A_244 = vector.broadcast %parallel_loop3A_212 : i32 to vector<16xi32>
      %parallel_loop3A_245 = arith.addi %and3A_39, %parallel_loop3A_244 : vector<16xi32>
      %parallel_loop3A_246 = tpu.vector_load_idx %arg9[%parallel_loop3A_240, %parallel_loop3A_245] : memref<128x128xf32, #tpu.memory_space<vmem>>[vector<16xi32>, vector<16xi32>], vector<16xf32>,
      tpu.vector_store_idx %arg11[%parallel_loop3A_245, %parallel_loop3A_240], %parallel_loop3A_246 : memref<64x128xf32, #tpu.memory_space<vmem>>[vector<16xi32>, vector<16xi32>], vector<16xf32>,
      %parallel_loop3A_247 = vector.broadcast %parallel_loop3A_212 : i32 to vector<16xi32>
      %parallel_loop3A_248 = arith.addi %and3A_45, %parallel_loop3A_247 : vector<16xi32>
      %parallel_loop3A_249 = tpu.vector_load_idx %arg9[%parallel_loop3A_240, %parallel_loop3A_248] : memref<128x128xf32, #tpu.memory_space<vmem>>[vector<16xi32>, vector<16xi32>], vector<16xf32>,
      tpu.vector_store_idx %arg11[%parallel_loop3A_248, %parallel_loop3A_240], %parallel_loop3A_249 : memref<64x128xf32, #tpu.memory_space<vmem>>[vector<16xi32>, vector<16xi32>], vector<16xf32>,
      %parallel_loop3A_250 = vector.broadcast %parallel_loop3A_212 : i32 to vector<16xi32>
      %parallel_loop3A_251 = arith.addi %and3A_51, %parallel_loop3A_250 : vector<16xi32>
      %parallel_loop3A_252 = tpu.vector_load_idx %arg9[%parallel_loop3A_240, %parallel_loop3A_251] : memref<128x128xf32, #tpu.memory_space<vmem>>[vector<16xi32>, vector<16xi32>], vector<16xf32>,
      tpu.vector_store_idx %arg11[%parallel_loop3A_251, %parallel_loop3A_240], %parallel_loop3A_252 : memref<64x128xf32, #tpu.memory_space<vmem>>[vector<16xi32>, vector<16xi32>], vector<16xf32>,
      %parallel_loop3A_253 = vector.broadcast %parallel_loop3A_212 : i32 to vector<16xi32>
      %parallel_loop3A_254 = arith.addi %and3A_57, %parallel_loop3A_253 : vector<16xi32>
      %parallel_loop3A_255 = tpu.vector_load_idx %arg9[%parallel_loop3A_240, %parallel_loop3A_254] : memref<128x128xf32, #tpu.memory_space<vmem>>[vector<16xi32>, vector<16xi32>], vector<16xf32>,
      tpu.vector_store_idx %arg11[%parallel_loop3A_254, %parallel_loop3A_240], %parallel_loop3A_255 : memref<64x128xf32, #tpu.memory_space<vmem>>[vector<16xi32>, vector<16xi32>], vector<16xf32>,
      %parallel_loop3A_256 = vector.broadcast %parallel_loop3A_212 : i32 to vector<16xi32>
      %parallel_loop3A_257 = arith.addi %and3A_63, %parallel_loop3A_256 : vector<16xi32>
      %parallel_loop3A_258 = tpu.vector_load_idx %arg9[%parallel_loop3A_240, %parallel_loop3A_257] : memref<128x128xf32, #tpu.memory_space<vmem>>[vector<16xi32>, vector<16xi32>], vector<16xf32>,
      tpu.vector_store_idx %arg11[%parallel_loop3A_257, %parallel_loop3A_240], %parallel_loop3A_258 : memref<64x128xf32, #tpu.memory_space<vmem>>[vector<16xi32>, vector<16xi32>], vector<16xf32>,
      %parallel_loop3A_259 = vector.broadcast %parallel_loop3A_212 : i32 to vector<16xi32>
      %parallel_loop3A_260 = arith.addi %and3A_69, %parallel_loop3A_259 : vector<16xi32>
      %parallel_loop3A_261 = tpu.vector_load_idx %arg9[%parallel_loop3A_240, %parallel_loop3A_260] : memref<128x128xf32, #tpu.memory_space<vmem>>[vector<16xi32>, vector<16xi32>], vector<16xf32>,
      tpu.vector_store_idx %arg11[%parallel_loop3A_260, %parallel_loop3A_240], %parallel_loop3A_261 : memref<64x128xf32, #tpu.memory_space<vmem>>[vector<16xi32>, vector<16xi32>], vector<16xf32>,
      %parallel_loop3A_262 = vector.broadcast %parallel_loop3A_212 : i32 to vector<16xi32>
      %parallel_loop3A_263 = arith.addi %and3A_75, %parallel_loop3A_262 : vector<16xi32>
      %parallel_loop3A_264 = tpu.vector_load_idx %arg9[%parallel_loop3A_240, %parallel_loop3A_263] : memref<128x128xf32, #tpu.memory_space<vmem>>[vector<16xi32>, vector<16xi32>], vector<16xf32>,
      tpu.vector_store_idx %arg11[%parallel_loop3A_263, %parallel_loop3A_240], %parallel_loop3A_264 : memref<64x128xf32, #tpu.memory_space<vmem>>[vector<16xi32>, vector<16xi32>], vector<16xf32>,
      %parallel_loop3A_265 = vector.broadcast %parallel_loop3A_212 : i32 to vector<16xi32>
      %parallel_loop3A_266 = arith.addi %and3A_81, %parallel_loop3A_265 : vector<16xi32>
      %parallel_loop3A_267 = tpu.vector_load_idx %arg9[%parallel_loop3A_240, %parallel_loop3A_266] : memref<128x128xf32, #tpu.memory_space<vmem>>[vector<16xi32>, vector<16xi32>], vector<16xf32>,
      tpu.vector_store_idx %arg11[%parallel_loop3A_266, %parallel_loop3A_240], %parallel_loop3A_267 : memref<64x128xf32, #tpu.memory_space<vmem>>[vector<16xi32>, vector<16xi32>], vector<16xf32>,
      %parallel_loop3A_268 = vector.broadcast %parallel_loop3A_212 : i32 to vector<16xi32>
      %parallel_loop3A_269 = arith.addi %and3A_87, %parallel_loop3A_268 : vector<16xi32>
      %parallel_loop3A_270 = tpu.vector_load_idx %arg9[%parallel_loop3A_240, %parallel_loop3A_269] : memref<128x128xf32, #tpu.memory_space<vmem>>[vector<16xi32>, vector<16xi32>], vector<16xf32>,
      tpu.vector_store_idx %arg11[%parallel_loop3A_269, %parallel_loop3A_240], %parallel_loop3A_270 : memref<64x128xf32, #tpu.memory_space<vmem>>[vector<16xi32>, vector<16xi32>], vector<16xf32>,
      %parallel_loop3A_271 = vector.broadcast %parallel_loop3A_212 : i32 to vector<16xi32>
      %parallel_loop3A_272 = arith.addi %and3A_93, %parallel_loop3A_271 : vector<16xi32>
      %parallel_loop3A_273 = tpu.vector_load_idx %arg9[%parallel_loop3A_240, %parallel_loop3A_272] : memref<128x128xf32, #tpu.memory_space<vmem>>[vector<16xi32>, vector<16xi32>], vector<16xf32>,
      tpu.vector_store_idx %arg11[%parallel_loop3A_272, %parallel_loop3A_240], %parallel_loop3A_273 : memref<64x128xf32, #tpu.memory_space<vmem>>[vector<16xi32>, vector<16xi32>], vector<16xf32>,
      %parallel_loop3A_274 = vector.broadcast %parallel_loop3A_212 : i32 to vector<16xi32>
      %parallel_loop3A_275 = arith.addi %and3A_99, %parallel_loop3A_274 : vector<16xi32>
      %parallel_loop3A_276 = tpu.vector_load_idx %arg9[%parallel_loop3A_240, %parallel_loop3A_275] : memref<128x128xf32, #tpu.memory_space<vmem>>[vector<16xi32>, vector<16xi32>], vector<16xf32>,
      tpu.vector_store_idx %arg11[%parallel_loop3A_275, %parallel_loop3A_240], %parallel_loop3A_276 : memref<64x128xf32, #tpu.memory_space<vmem>>[vector<16xi32>, vector<16xi32>], vector<16xf32>,
      %parallel_loop3A_277 = vector.broadcast %parallel_loop3A_212 : i32 to vector<16xi32>
      %parallel_loop3A_278 = arith.addi %and3A_105, %parallel_loop3A_277 : vector<16xi32>
      %parallel_loop3A_279 = tpu.vector_load_idx %arg9[%parallel_loop3A_240, %parallel_loop3A_278] : memref<128x128xf32, #tpu.memory_space<vmem>>[vector<16xi32>, vector<16xi32>], vector<16xf32>,
      tpu.vector_store_idx %arg11[%parallel_loop3A_278, %parallel_loop3A_240], %parallel_loop3A_279 : memref<64x128xf32, #tpu.memory_space<vmem>>[vector<16xi32>, vector<16xi32>], vector<16xf32>,
      %parallel_loop3A_280 = vector.broadcast %parallel_loop3A_212 : i32 to vector<16xi32>
      %parallel_loop3A_281 = arith.addi %and3A_111, %parallel_loop3A_280 : vector<16xi32>
      %parallel_loop3A_282 = tpu.vector_load_idx %arg9[%parallel_loop3A_240, %parallel_loop3A_281] : memref<128x128xf32, #tpu.memory_space<vmem>>[vector<16xi32>, vector<16xi32>], vector<16xf32>,
      tpu.vector_store_idx %arg11[%parallel_loop3A_281, %parallel_loop3A_240], %parallel_loop3A_282 : memref<64x128xf32, #tpu.memory_space<vmem>>[vector<16xi32>, vector<16xi32>], vector<16xf32>,
      %parallel_loop3A_283 = vector.broadcast %parallel_loop3A_212 : i32 to vector<16xi32>
      %parallel_loop3A_284 = arith.addi %and3A_117, %parallel_loop3A_283 : vector<16xi32>
      %parallel_loop3A_285 = tpu.vector_load_idx %arg9[%parallel_loop3A_240, %parallel_loop3A_284] : memref<128x128xf32, #tpu.memory_space<vmem>>[vector<16xi32>, vector<16xi32>], vector<16xf32>,
      tpu.vector_store_idx %arg11[%parallel_loop3A_284, %parallel_loop3A_240], %parallel_loop3A_285 : memref<64x128xf32, #tpu.memory_space<vmem>>[vector<16xi32>, vector<16xi32>], vector<16xf32>,
      %parallel_loop3A_286 = vector.broadcast %parallel_loop3A_212 : i32 to vector<16xi32>
      %parallel_loop3A_287 = arith.addi %and3A_123, %parallel_loop3A_286 : vector<16xi32>
      %parallel_loop3A_288 = tpu.vector_load_idx %arg9[%parallel_loop3A_240, %parallel_loop3A_287] : memref<128x128xf32, #tpu.memory_space<vmem>>[vector<16xi32>, vector<16xi32>], vector<16xf32>,
      tpu.vector_store_idx %arg11[%parallel_loop3A_287, %parallel_loop3A_240], %parallel_loop3A_288 : memref<64x128xf32, #tpu.memory_space<vmem>>[vector<16xi32>, vector<16xi32>], vector<16xf32>,
    } {sc.loop_unroll_factor = 2 : i64, sc.parallel_access}
    %add3A_162 = arith.constant 256 : i32
    %add3A_163 = arith.addi %mul3A_2, %add3A_162 : i32
    %dma_start3A_164 = arith.constant 0 : i32
    %dma_start3A_165 = tpu.memref_slice %arg4[%dma_start3A_164, %add3A_163] : memref<64x16384xf32, #tpu.memory_space<hbm>> -> memref<64x128xf32, #tpu.memory_space<hbm>>
    %dma_start3A_166 = arith.constant 0 : i32
    %dma_start3A_167 = tpu.memref_slice %arg4[%dma_start3A_166, %add3A_163] : memref<64x16384xf32, #tpu.memory_space<hbm>> -> memref<64x128xf32, #tpu.memory_space<hbm>>
    tpu.enqueue_dma source(%arg11 : memref<64x128xf32, #tpu.memory_space<vmem>>) target(%dma_start3A_167 : memref<64x128xf32, #tpu.memory_space<hbm>>) target_semaphore(%arg17 : memref<!tpu.dma_semaphore, #tpu.memory_space<semaphore_mem>>)
    %dma_wait3A_168 = arith.constant 384 : i32
    %dma_wait3A_169 = tpu.memref_slice %arg5[%dma_wait3A_168] : memref<512xi32, #tpu.memory_space<vmem>> -> memref<128xi32, #tpu.memory_space<vmem>>
    %dma_wait3A_170 = arith.constant 0 : i32
    %dma_wait3A_171 = arith.constant 0 : i32
    %dma_wait3A_172 = tpu.memref_slice %arg6[%dma_wait3A_170, %dma_wait3A_171] : memref<1001x128xf32, #tpu.memory_space<vmem_shared>> -> memref<1001x128xf32, #tpu.memory_space<vmem_shared>>
    tpu.wait_indirect_dma semaphore(%arg16 : memref<!tpu.dma_semaphore, #tpu.memory_space<semaphore_mem>>) src(%dma_wait3A_172 : memref<1001x128xf32, #tpu.memory_space<vmem_shared>>) dst(%arg10 : memref<128x128xf32, #tpu.memory_space<vmem>>)
    %dma_wait3A_173 = arith.constant 0 : i32
    %dma_wait3A_174 = tpu.memref_slice %arg4[%dma_wait3A_173, %add3A_145] : memref<64x16384xf32, #tpu.memory_space<hbm>> -> memref<64x128xf32, #tpu.memory_space<hbm>>
    %dma_wait3A_175 = arith.constant 0 : i32
    %dma_wait3A_176 = tpu.memref_slice %arg4[%dma_wait3A_175, %add3A_145] : memref<64x16384xf32, #tpu.memory_space<hbm>> -> memref<64x128xf32, #tpu.memory_space<hbm>>
    tpu.wait_dma2 semaphore(%arg18 : memref<!tpu.dma_semaphore, #tpu.memory_space<semaphore_mem>>) src(%arg12 : memref<64x128xf32, #tpu.memory_space<vmem>>) dst(%dma_wait3A_176 : memref<64x128xf32, #tpu.memory_space<hbm>>)
    %parallel_loop3A_177 = arith.constant 0 : i32
    %parallel_loop3A_178 = arith.constant 32 : i32
    %parallel_loop3A_179 = arith.constant 1 : i32
    scf.for %parallel_loop3A_194 = %parallel_loop3A_177 to %parallel_loop3A_178 step %parallel_loop3A_179  : i32 {
      %parallel_loop3A_195 = arith.constant 4 : i32
      %parallel_loop3A_196 = arith.constant 0 : i32
      %parallel_loop3A_197 = arith.cmpi eq, %parallel_loop3A_195, %parallel_loop3A_196 : i32
      %parallel_loop3A_198 = arith.constant 1 : i32
      %parallel_loop3A_199 = arith.select %parallel_loop3A_197, %parallel_loop3A_198, %parallel_loop3A_195 : i32
      %parallel_loop3A_200 = arith.remsi %parallel_loop3A_194, %parallel_loop3A_199 : i32
      %parallel_loop3A_201 = arith.constant 0 : i32
      %parallel_loop3A_202 = arith.cmpi ne, %parallel_loop3A_200, %parallel_loop3A_201 : i32
      %parallel_loop3A_203 = arith.constant 0 : i32
      %parallel_loop3A_204 = arith.cmpi slt, %parallel_loop3A_200, %parallel_loop3A_203 : i32
      %parallel_loop3A_205 = arith.constant 0 : i32
      %parallel_loop3A_206 = arith.cmpi slt, %parallel_loop3A_199, %parallel_loop3A_205 : i32
      %parallel_loop3A_207 = arith.xori %parallel_loop3A_204, %parallel_loop3A_206 : i1
      %parallel_loop3A_208 = arith.andi %parallel_loop3A_207, %parallel_loop3A_202 : i1
      %parallel_loop3A_209 = arith.addi %parallel_loop3A_200, %parallel_loop3A_199 : i32
      %parallel_loop3A_210 = arith.select %parallel_loop3A_208, %parallel_loop3A_209, %parallel_loop3A_200 : i32
      %parallel_loop3A_211 = arith.constant 16 : i32
      %parallel_loop3A_212 = arith.muli %parallel_loop3A_210, %parallel_loop3A_211 : i32
      %parallel_loop3A_213 = arith.constant 4 : i32
      %parallel_loop3A_214 = arith.divsi %parallel_loop3A_194, %parallel_loop3A_213 : i32
      %parallel_loop3A_215 = arith.constant 0 : i32
      %parallel_loop3A_216 = arith.cmpi sgt, %parallel_loop3A_194, %parallel_loop3A_215 : i32
      %parallel_loop3A_217 = arith.extui %parallel_loop3A_216 : i1 to i32
      %parallel_loop3A_218 = arith.constant 0 : i32
      %parallel_loop3A_219 = arith.cmpi slt, %parallel_loop3A_194, %parallel_loop3A_218 : i32
      %parallel_loop3A_220 = arith.extui %parallel_loop3A_219 : i1 to i32
      %parallel_loop3A_221 = arith.subi %parallel_loop3A_217, %parallel_loop3A_220 : i32
      %parallel_loop3A_222 = arith.constant 0 : i32
      %parallel_loop3A_223 = arith.cmpi sgt, %parallel_loop3A_213, %parallel_loop3A_222 : i32
      %parallel_loop3A_224 = arith.extui %parallel_loop3A_223 : i1 to i32
      %parallel_loop3A_225 = arith.constant 0 : i32
      %parallel_loop3A_226 = arith.cmpi slt, %parallel_loop3A_213, %parallel_loop3A_225 : i32
      %parallel_loop3A_227 = arith.extui %parallel_loop3A_226 : i1 to i32
      %parallel_loop3A_228 = arith.subi %parallel_loop3A_224, %parallel_loop3A_227 : i32
      %parallel_loop3A_229 = arith.cmpi ne, %parallel_loop3A_221, %parallel_loop3A_228 : i32
      %parallel_loop3A_230 = arith.remsi %parallel_loop3A_194, %parallel_loop3A_213 : i32
      %parallel_loop3A_231 = arith.constant 0 : i32
      %parallel_loop3A_232 = arith.cmpi ne, %parallel_loop3A_230, %parallel_loop3A_231 : i32
      %parallel_loop3A_233 = arith.andi %parallel_loop3A_229, %parallel_loop3A_232 : i1
      %parallel_loop3A_234 = arith.constant 1 : i32
      %parallel_loop3A_235 = arith.subi %parallel_loop3A_214, %parallel_loop3A_234 : i32
      %parallel_loop3A_236 = arith.select %parallel_loop3A_233, %parallel_loop3A_235, %parallel_loop3A_214 : i32
      %parallel_loop3A_237 = arith.constant 16 : i32
      %parallel_loop3A_238 = arith.muli %parallel_loop3A_236, %parallel_loop3A_237 : i32
      %parallel_loop3A_239 = vector.broadcast %parallel_loop3A_238 : i32 to vector<16xi32>
      %parallel_loop3A_240 = arith.addi %iota3A, %parallel_loop3A_239 : vector<16xi32>
      %parallel_loop3A_241 = vector.broadcast %parallel_loop3A_212 : i32 to vector<16xi32>
      %parallel_loop3A_242 = arith.addi %and3A_33, %parallel_loop3A_241 : vector<16xi32>
      %parallel_loop3A_243 = tpu.vector_load_idx %arg10[%parallel_loop3A_240, %parallel_loop3A_242] : memref<128x128xf32, #tpu.memory_space<vmem>>[vector<16xi32>, vector<16xi32>], vector<16xf32>,
      tpu.vector_store_idx %arg12[%parallel_loop3A_242, %parallel_loop3A_240], %parallel_loop3A_243 : memref<64x128xf32, #tpu.memory_space<vmem>>[vector<16xi32>, vector<16xi32>], vector<16xf32>,
      %parallel_loop3A_244 = vector.broadcast %parallel_loop3A_212 : i32 to vector<16xi32>
      %parallel_loop3A_245 = arith.addi %and3A_39, %parallel_loop3A_244 : vector<16xi32>
      %parallel_loop3A_246 = tpu.vector_load_idx %arg10[%parallel_loop3A_240, %parallel_loop3A_245] : memref<128x128xf32, #tpu.memory_space<vmem>>[vector<16xi32>, vector<16xi32>], vector<16xf32>,
      tpu.vector_store_idx %arg12[%parallel_loop3A_245, %parallel_loop3A_240], %parallel_loop3A_246 : memref<64x128xf32, #tpu.memory_space<vmem>>[vector<16xi32>, vector<16xi32>], vector<16xf32>,
      %parallel_loop3A_247 = vector.broadcast %parallel_loop3A_212 : i32 to vector<16xi32>
      %parallel_loop3A_248 = arith.addi %and3A_45, %parallel_loop3A_247 : vector<16xi32>
      %parallel_loop3A_249 = tpu.vector_load_idx %arg10[%parallel_loop3A_240, %parallel_loop3A_248] : memref<128x128xf32, #tpu.memory_space<vmem>>[vector<16xi32>, vector<16xi32>], vector<16xf32>,
      tpu.vector_store_idx %arg12[%parallel_loop3A_248, %parallel_loop3A_240], %parallel_loop3A_249 : memref<64x128xf32, #tpu.memory_space<vmem>>[vector<16xi32>, vector<16xi32>], vector<16xf32>,
      %parallel_loop3A_250 = vector.broadcast %parallel_loop3A_212 : i32 to vector<16xi32>
      %parallel_loop3A_251 = arith.addi %and3A_51, %parallel_loop3A_250 : vector<16xi32>
      %parallel_loop3A_252 = tpu.vector_load_idx %arg10[%parallel_loop3A_240, %parallel_loop3A_251] : memref<128x128xf32, #tpu.memory_space<vmem>>[vector<16xi32>, vector<16xi32>], vector<16xf32>,
      tpu.vector_store_idx %arg12[%parallel_loop3A_251, %parallel_loop3A_240], %parallel_loop3A_252 : memref<64x128xf32, #tpu.memory_space<vmem>>[vector<16xi32>, vector<16xi32>], vector<16xf32>,
      %parallel_loop3A_253 = vector.broadcast %parallel_loop3A_212 : i32 to vector<16xi32>
      %parallel_loop3A_254 = arith.addi %and3A_57, %parallel_loop3A_253 : vector<16xi32>
      %parallel_loop3A_255 = tpu.vector_load_idx %arg10[%parallel_loop3A_240, %parallel_loop3A_254] : memref<128x128xf32, #tpu.memory_space<vmem>>[vector<16xi32>, vector<16xi32>], vector<16xf32>,
      tpu.vector_store_idx %arg12[%parallel_loop3A_254, %parallel_loop3A_240], %parallel_loop3A_255 : memref<64x128xf32, #tpu.memory_space<vmem>>[vector<16xi32>, vector<16xi32>], vector<16xf32>,
      %parallel_loop3A_256 = vector.broadcast %parallel_loop3A_212 : i32 to vector<16xi32>
      %parallel_loop3A_257 = arith.addi %and3A_63, %parallel_loop3A_256 : vector<16xi32>
      %parallel_loop3A_258 = tpu.vector_load_idx %arg10[%parallel_loop3A_240, %parallel_loop3A_257] : memref<128x128xf32, #tpu.memory_space<vmem>>[vector<16xi32>, vector<16xi32>], vector<16xf32>,
      tpu.vector_store_idx %arg12[%parallel_loop3A_257, %parallel_loop3A_240], %parallel_loop3A_258 : memref<64x128xf32, #tpu.memory_space<vmem>>[vector<16xi32>, vector<16xi32>], vector<16xf32>,
      %parallel_loop3A_259 = vector.broadcast %parallel_loop3A_212 : i32 to vector<16xi32>
      %parallel_loop3A_260 = arith.addi %and3A_69, %parallel_loop3A_259 : vector<16xi32>
      %parallel_loop3A_261 = tpu.vector_load_idx %arg10[%parallel_loop3A_240, %parallel_loop3A_260] : memref<128x128xf32, #tpu.memory_space<vmem>>[vector<16xi32>, vector<16xi32>], vector<16xf32>,
      tpu.vector_store_idx %arg12[%parallel_loop3A_260, %parallel_loop3A_240], %parallel_loop3A_261 : memref<64x128xf32, #tpu.memory_space<vmem>>[vector<16xi32>, vector<16xi32>], vector<16xf32>,
      %parallel_loop3A_262 = vector.broadcast %parallel_loop3A_212 : i32 to vector<16xi32>
      %parallel_loop3A_263 = arith.addi %and3A_75, %parallel_loop3A_262 : vector<16xi32>
      %parallel_loop3A_264 = tpu.vector_load_idx %arg10[%parallel_loop3A_240, %parallel_loop3A_263] : memref<128x128xf32, #tpu.memory_space<vmem>>[vector<16xi32>, vector<16xi32>], vector<16xf32>,
      tpu.vector_store_idx %arg12[%parallel_loop3A_263, %parallel_loop3A_240], %parallel_loop3A_264 : memref<64x128xf32, #tpu.memory_space<vmem>>[vector<16xi32>, vector<16xi32>], vector<16xf32>,
      %parallel_loop3A_265 = vector.broadcast %parallel_loop3A_212 : i32 to vector<16xi32>
      %parallel_loop3A_266 = arith.addi %and3A_81, %parallel_loop3A_265 : vector<16xi32>
      %parallel_loop3A_267 = tpu.vector_load_idx %arg10[%parallel_loop3A_240, %parallel_loop3A_266] : memref<128x128xf32, #tpu.memory_space<vmem>>[vector<16xi32>, vector<16xi32>], vector<16xf32>,
      tpu.vector_store_idx %arg12[%parallel_loop3A_266, %parallel_loop3A_240], %parallel_loop3A_267 : memref<64x128xf32, #tpu.memory_space<vmem>>[vector<16xi32>, vector<16xi32>], vector<16xf32>,
      %parallel_loop3A_268 = vector.broadcast %parallel_loop3A_212 : i32 to vector<16xi32>
      %parallel_loop3A_269 = arith.addi %and3A_87, %parallel_loop3A_268 : vector<16xi32>
      %parallel_loop3A_270 = tpu.vector_load_idx %arg10[%parallel_loop3A_240, %parallel_loop3A_269] : memref<128x128xf32, #tpu.memory_space<vmem>>[vector<16xi32>, vector<16xi32>], vector<16xf32>,
      tpu.vector_store_idx %arg12[%parallel_loop3A_269, %parallel_loop3A_240], %parallel_loop3A_270 : memref<64x128xf32, #tpu.memory_space<vmem>>[vector<16xi32>, vector<16xi32>], vector<16xf32>,
      %parallel_loop3A_271 = vector.broadcast %parallel_loop3A_212 : i32 to vector<16xi32>
      %parallel_loop3A_272 = arith.addi %and3A_93, %parallel_loop3A_271 : vector<16xi32>
      %parallel_loop3A_273 = tpu.vector_load_idx %arg10[%parallel_loop3A_240, %parallel_loop3A_272] : memref<128x128xf32, #tpu.memory_space<vmem>>[vector<16xi32>, vector<16xi32>], vector<16xf32>,
      tpu.vector_store_idx %arg12[%parallel_loop3A_272, %parallel_loop3A_240], %parallel_loop3A_273 : memref<64x128xf32, #tpu.memory_space<vmem>>[vector<16xi32>, vector<16xi32>], vector<16xf32>,
      %parallel_loop3A_274 = vector.broadcast %parallel_loop3A_212 : i32 to vector<16xi32>
      %parallel_loop3A_275 = arith.addi %and3A_99, %parallel_loop3A_274 : vector<16xi32>
      %parallel_loop3A_276 = tpu.vector_load_idx %arg10[%parallel_loop3A_240, %parallel_loop3A_275] : memref<128x128xf32, #tpu.memory_space<vmem>>[vector<16xi32>, vector<16xi32>], vector<16xf32>,
      tpu.vector_store_idx %arg12[%parallel_loop3A_275, %parallel_loop3A_240], %parallel_loop3A_276 : memref<64x128xf32, #tpu.memory_space<vmem>>[vector<16xi32>, vector<16xi32>], vector<16xf32>,
      %parallel_loop3A_277 = vector.broadcast %parallel_loop3A_212 : i32 to vector<16xi32>
      %parallel_loop3A_278 = arith.addi %and3A_105, %parallel_loop3A_277 : vector<16xi32>
      %parallel_loop3A_279 = tpu.vector_load_idx %arg10[%parallel_loop3A_240, %parallel_loop3A_278] : memref<128x128xf32, #tpu.memory_space<vmem>>[vector<16xi32>, vector<16xi32>], vector<16xf32>,
      tpu.vector_store_idx %arg12[%parallel_loop3A_278, %parallel_loop3A_240], %parallel_loop3A_279 : memref<64x128xf32, #tpu.memory_space<vmem>>[vector<16xi32>, vector<16xi32>], vector<16xf32>,
      %parallel_loop3A_280 = vector.broadcast %parallel_loop3A_212 : i32 to vector<16xi32>
      %parallel_loop3A_281 = arith.addi %and3A_111, %parallel_loop3A_280 : vector<16xi32>
      %parallel_loop3A_282 = tpu.vector_load_idx %arg10[%parallel_loop3A_240, %parallel_loop3A_281] : memref<128x128xf32, #tpu.memory_space<vmem>>[vector<16xi32>, vector<16xi32>], vector<16xf32>,
      tpu.vector_store_idx %arg12[%parallel_loop3A_281, %parallel_loop3A_240], %parallel_loop3A_282 : memref<64x128xf32, #tpu.memory_space<vmem>>[vector<16xi32>, vector<16xi32>], vector<16xf32>,
      %parallel_loop3A_283 = vector.broadcast %parallel_loop3A_212 : i32 to vector<16xi32>
      %parallel_loop3A_284 = arith.addi %and3A_117, %parallel_loop3A_283 : vector<16xi32>
      %parallel_loop3A_285 = tpu.vector_load_idx %arg10[%parallel_loop3A_240, %parallel_loop3A_284] : memref<128x128xf32, #tpu.memory_space<vmem>>[vector<16xi32>, vector<16xi32>], vector<16xf32>,
      tpu.vector_store_idx %arg12[%parallel_loop3A_284, %parallel_loop3A_240], %parallel_loop3A_285 : memref<64x128xf32, #tpu.memory_space<vmem>>[vector<16xi32>, vector<16xi32>], vector<16xf32>,
      %parallel_loop3A_286 = vector.broadcast %parallel_loop3A_212 : i32 to vector<16xi32>
      %parallel_loop3A_287 = arith.addi %and3A_123, %parallel_loop3A_286 : vector<16xi32>
      %parallel_loop3A_288 = tpu.vector_load_idx %arg10[%parallel_loop3A_240, %parallel_loop3A_287] : memref<128x128xf32, #tpu.memory_space<vmem>>[vector<16xi32>, vector<16xi32>], vector<16xf32>,
      tpu.vector_store_idx %arg12[%parallel_loop3A_287, %parallel_loop3A_240], %parallel_loop3A_288 : memref<64x128xf32, #tpu.memory_space<vmem>>[vector<16xi32>, vector<16xi32>], vector<16xf32>,
    } {sc.loop_unroll_factor = 2 : i64, sc.parallel_access}
    %add3A_180 = arith.constant 384 : i32
    %add3A_181 = arith.addi %mul3A_2, %add3A_180 : i32
    %dma_start3A_182 = arith.constant 0 : i32
    %dma_start3A_183 = tpu.memref_slice %arg4[%dma_start3A_182, %add3A_181] : memref<64x16384xf32, #tpu.memory_space<hbm>> -> memref<64x128xf32, #tpu.memory_space<hbm>>
    %dma_start3A_184 = arith.constant 0 : i32
    %dma_start3A_185 = tpu.memref_slice %arg4[%dma_start3A_184, %add3A_181] : memref<64x16384xf32, #tpu.memory_space<hbm>> -> memref<64x128xf32, #tpu.memory_space<hbm>>
    tpu.enqueue_dma source(%arg12 : memref<64x128xf32, #tpu.memory_space<vmem>>) target(%dma_start3A_185 : memref<64x128xf32, #tpu.memory_space<hbm>>) target_semaphore(%arg18 : memref<!tpu.dma_semaphore, #tpu.memory_space<semaphore_mem>>)
    %dma_wait3A_186 = arith.constant 0 : i32
    %dma_wait3A_187 = tpu.memref_slice %arg4[%dma_wait3A_186, %add3A_163] : memref<64x16384xf32, #tpu.memory_space<hbm>> -> memref<64x128xf32, #tpu.memory_space<hbm>>
    %dma_wait3A_188 = arith.constant 0 : i32
    %dma_wait3A_189 = tpu.memref_slice %arg4[%dma_wait3A_188, %add3A_163] : memref<64x16384xf32, #tpu.memory_space<hbm>> -> memref<64x128xf32, #tpu.memory_space<hbm>>
    tpu.wait_dma2 semaphore(%arg17 : memref<!tpu.dma_semaphore, #tpu.memory_space<semaphore_mem>>) src(%arg11 : memref<64x128xf32, #tpu.memory_space<vmem>>) dst(%dma_wait3A_189 : memref<64x128xf32, #tpu.memory_space<hbm>>)
    %dma_wait3A_190 = arith.constant 0 : i32
    %dma_wait3A_191 = tpu.memref_slice %arg4[%dma_wait3A_190, %add3A_181] : memref<64x16384xf32, #tpu.memory_space<hbm>> -> memref<64x128xf32, #tpu.memory_space<hbm>>
    %dma_wait3A_192 = arith.constant 0 : i32
    %dma_wait3A_193 = tpu.memref_slice %arg4[%dma_wait3A_192, %add3A_181] : memref<64x16384xf32, #tpu.memory_space<hbm>> -> memref<64x128xf32, #tpu.memory_space<hbm>>
    tpu.wait_dma2 semaphore(%arg18 : memref<!tpu.dma_semaphore, #tpu.memory_space<semaphore_mem>>) src(%arg12 : memref<64x128xf32, #tpu.memory_space<vmem>>) dst(%dma_wait3A_193 : memref<64x128xf32, #tpu.memory_space<hbm>>)
    return
  }
}

</mosaic_0001>

<sc_bundles>
// kernel: _lookup.3.cloned.1.call-start
scs
__scs_entry_jumppad:
0x0: {  	(pc) =	sbr.rel $0x88, $3  }
0x1: {  	(tag) =	ssettag $0x0;
	lr =	simm.s32 $0x1  }
0x2: {  	[smem:$0x3F9F] =	sst lr;
	_ =	strace $0xD0000000  }
0x3: {  	_ = 	snop  }
0x4: {  	_ = 	snop  }
0x5: {  	_ = 	snop  }
0x6: {  	_ = 	snop  }
0x7: {  	_ = 	snop  }
__scs_overlays_trampoline_lowered:
0x8: {  	[smem:$0x3FAE] =	sst s0  }
0x9: {  	[smem:$0x3FAF] =	sst s1  }
0xa: {  	[smem:$0x3FB0] =	sst s2  }
0xb: {  	[smem:$0x3FB1] =	sst s3  }
0xc: {  	[smem:$0x3FB2] =	sst s4  }
0xd: {  	[smem:$0x3FB3] =	sst s5  }
0xe: {  	[smem:$0x3FB4] =	sst s6  }
0xf: {  	[smem:$0x3FB5] =	sst s7  }
0x10: {  	[smem:$0x3FB6] =	sst s8  }
0x11: {  	[smem:$0x3FB7] =	sst s9;
	s0 =	simm.s32 @!p0 $0x0  }
0x12: {  	s1 =	sld [smem:$0x3F9D];
	s0 =	simm.s32 @p0 $0x1  }
0x13: {  	[smem:$0x3FB8] =	sst s0;
	s0 =	simm.s32 @!p1 $0x0  }
0x14: {  	s2 =	sld [smem:$0x3F9C];
	s0 =	simm.s32 @p1 $0x1  }
0x15: {  	[smem:$0x3FB9] =	sst s0;
	s0 =	simm.s32 @!p2 $0x0  }
0x16: {  	s3 =	sld [smem:$0x3FDB];
	s0 =	simm.s32 @p2 $0x1  }
0x17: {  	s4 =	simm.s32 $0x1BF5;
	[smem:$0x3FBB] =	sst s0  }
0x18: {  	s0 =	sld [smem:$0x3F9E];
	_ =	swait.ge [sflag:s4], $0x0  }
0x19: {  	s7 =	sld [smem:$0x3F9F]  }
0x1a: {  	s8 =	sadd.s32 $0xFFFFE003, lr  }
0x1b: {  	s9 =	sadd.s32 $0xFFFFFEF7, lr;
	s5 =	simm.s32 $0xFFFFFFFF;
	p2 =	slt.u32 s8, $0xFFFFF086  }
0x1c: {  	p1 =	slt.u32 s9, $0xF7A;
	s5 =	simm.s32 @!p2 $0x0  }
0x1d: {  	s5 =	simm.s32 @p1 $0x1;
	p0 =	seq.s32 s7, s2  }
0x1e: {  	s7 =	smul.u32 @!p0 $0xF7A, s2;
	p2 =	seq.s32 @!p0 s5, $0x0  }
0x1f: {  	s9 =	smul.u32 $0xF7A, s1;
	s8 =	simm.s32 @!p0 $0x1BF5;
	p2 =	por !p2, p0  }
0x20: {  	[sflag:s8] =	ssyncset.s32 @!p0 $0xFFFFF086;
	s6 =	sadd.s32 @!p0 s3, s7;
	s7 =	simm.s32 @!p0 $0x108  }
0x21: {  	s3 =	sadd.s32 s3, s9;
	s6 =	sadd.s32 @!p0 $0x88, s6;
	s7 =	simm.s32 @p2 $0x1082  }
0x22: {  	[simem:s7], [sflag:s8] =	dma.local @!p0 [hbm:s6], $0xF7A  }
0x23: {  	s9 =	sor.u32 $0xD0000000, s2;
	s6 =	simm.s32 $0x108;
	_ =	swait.ge @!p0 [sflag:s8], $0x0  }
0x24: {  	s3 =	sadd.s32 $0x88, s3;
	s6 =	simm.s32 @!p1 $0x1082;
	[sflag:s4] =	ssyncset.s32 $0xFFFFF086  }
0x25: {  	[simem:s6], [sflag:s4] =	dma.local [hbm:s3], $0xF7A  }
0x26: {  	[smem:$0x3F9F] =	sst s1;
	(tag) =	ssettag s2;
	_ =	strace s9  }
0x27: {  	s1 =	sld [smem:$0x3FAF]  }
0x28: {  	s2 =	sld [smem:$0x3FB0]  }
0x29: {  	s4 =	sld [smem:$0x3FB2]  }
0x2a: {  	p0 =	seq.s32 s5, $0x0;
	s5 =	sld [smem:$0x3FB3]  }
0x2b: {  	s6 =	sld [smem:$0x3FB4]  }
0x2c: {  	s7 =	sld [smem:$0x3FB5]  }
0x2d: {  	s3 =	simm.s32 $0x108;
	s8 =	sld [smem:$0x3FB6]  }
0x2e: {  	s3 =	simm.s32 @!p0 $0x1082;
	s9 =	sld [smem:$0x3FB7]  }
0x2f: {  	lr =	sadd.s32 s0, s3;
	s0 =	sld [smem:$0x3FAE]  }
0x30: {  	s3 =	sld [smem:$0x3FB1]  }
0x31: {  	[smem:$0x3FBA] =	sst s10  }
0x32: {  	s10 =	sld [smem:$0x3FB8];
	_ =	sdelay $0x3  }
0x33: {  	p0 =	seq.s32 s10, $0x1;
	s10 =	sld [smem:$0x3FBA];
	_ =	sdelay $0x3  }
0x34: {  	[smem:$0x3FBA] =	sst s10  }
0x35: {  	s10 =	sld [smem:$0x3FB9];
	_ =	sdelay $0x3  }
0x36: {  	p1 =	seq.s32 s10, $0x1;
	s10 =	sld [smem:$0x3FBA];
	_ =	sdelay $0x3  }
0x37: {  	[smem:$0x3FBA] =	sst s10  }
0x38: {  	s10 =	sld [smem:$0x3FBB]  }
0x39: {  	_ = 	snop;
	(pc) =	sbr.ind lr, $3  }
0x3a: {  	_ = 	snop  }
0x3b: {  	_ = 	snop  }
0x3c: {  	p2 =	seq.s32 s10, $0x1;
	s10 =	sld [smem:$0x3FBA]  }
0x3d: {  	_ =	shalt  }
0x3e: {  	_ =	shalt  }
0x3f: {  	_ =	shalt  }
0x40: {  	_ =	shalt  }
0x41: {  	_ =	shalt  }
0x42: {  	_ =	shalt  }
0x43: {  	_ =	shalt  }
0x44: {  	_ =	shalt  }
0x45: {  	_ =	shalt  }
0x46: {  	_ =	shalt  }
0x47: {  	_ =	shalt  }
0x48: {  	_ =	shalt  }
0x49: {  	_ =	shalt  }
0x4a: {  	_ =	shalt  }
0x4b: {  	_ =	shalt  }
0x4c: {  	_ =	shalt  }
0x4d: {  	_ =	shalt  }
0x4e: {  	_ =	shalt  }
0x4f: {  	_ =	shalt  }
0x50: {  	_ =	shalt  }
0x51: {  	_ =	shalt  }
0x52: {  	_ =	shalt  }
0x53: {  	_ =	shalt  }
0x54: {  	_ =	shalt  }
0x55: {  	_ =	shalt  }
0x56: {  	_ =	shalt  }
0x57: {  	_ =	shalt  }
0x58: {  	_ =	shalt  }
0x59: {  	_ =	shalt  }
0x5a: {  	_ =	shalt  }
0x5b: {  	_ =	shalt  }
0x5c: {  	_ =	shalt  }
0x5d: {  	_ =	shalt  }
0x5e: {  	_ =	shalt  }
0x5f: {  	_ =	shalt  }
0x60: {  	_ =	shalt  }
0x61: {  	_ =	shalt  }
0x62: {  	_ =	shalt  }
0x63: {  	_ =	shalt  }
0x64: {  	_ =	shalt  }
0x65: {  	_ =	shalt  }
0x66: {  	_ =	shalt  }
0x67: {  	_ =	shalt  }
0x68: {  	_ =	shalt  }
0x69: {  	_ =	shalt  }
0x6a: {  	_ =	shalt  }
0x6b: {  	_ =	shalt  }
0x6c: {  	_ =	shalt  }
0x6d: {  	_ =	shalt  }
0x6e: {  	_ =	shalt  }
0x6f: {  	_ =	shalt  }
0x70: {  	_ =	shalt  }
0x71: {  	_ =	shalt  }
0x72: {  	_ =	shalt  }
0x73: {  	_ =	shalt  }
0x74: {  	_ =	shalt  }
0x75: {  	_ =	shalt  }
0x76: {  	_ =	shalt  }
0x77: {  	_ =	shalt  }
0x78: {  	_ =	shalt  }
0x79: {  	_ =	shalt  }
0x7a: {  	_ =	shalt  }
0x7b: {  	_ =	shalt  }
0x7c: {  	_ =	shalt  }
0x7d: {  	_ =	shalt  }
0x7e: {  	_ =	shalt  }
0x7f: {  	_ =	shalt  }
0x80: {  	_ =	shalt  }
0x81: {  	_ =	shalt  }
0x82: {  	_ =	shalt  }
0x83: {  	_ =	shalt  }
0x84: {  	_ =	shalt  }
0x85: {  	_ =	shalt  }
0x86: {  	_ =	shalt  }
0x87: {  	_ =	shalt  }
.Lfunc_end0:
.L_simem_size_0:
called_computation_lowered:
.L_overlay_start_0:
0x88: {  	s2 =	sld [smem:$0x3FD9]  }
0x89: {  	s3 =	sld [smem:$0x3FFE];
	_ =	sdelay $0x1  }
0x8a: {  	s1 =	srdreg.scid  }
0x8b: {  	s0 =	sand.u32 $0x1, s1  }
0x8c: {  	s17 =	sshll.u32 s0, $0xA;
	s2 =	sadd.s32 s3, s2  }
0x8d: {  	s2 =	sadd.s32 s2, s17  }
0x8e: {  	[smem:$0x3FC6] =	sst s2  }
0x8f: {  	_ = 	snop  }
0x90: {  	s2 =	sld [smem:$0x3FC9]  }
0x91: {  	s18 =	sld [smem:$0x3FD0];
	(tm) =	ssettm $0x1  }
0x92: {  	s4 =	sld [smem:$0x3FFB];
	_ =	sdelay $0x3  }
0x93: {  	_ =	strace s4  }
0x94: {  	s4 =	sld [smem:$0x3FFC];
	_ =	sdelay $0x3  }
0x95: {  	_ =	strace s4  }
0x96: {  	s4 =	sld [smem:$0x3FFD];
	_ =	sdelay $0x3  }
0x97: {  	_ =	strace s4  }
0x98: {  	_ =	strace $0x8FFFFFFF  }
0x99: {  	s19 =	sld [smem:$0x3FDB];
	_ =	sdelay $0x1  }
0x9a: {  	s5 =	simm.s32 $_scs_section_size  }
0x9b: {  	s6 =	simm.s32 $_size__tile_overlayer_lowered;
	s7 =	simm.s32 $_tile_overlayer_lowered  }
0x9c: {  	s22 =	simm.s32 $0x1BFF;
	s21 =	sshll.u32 s7, $0x1;
	s4 =	sadd.s32 s5, s19  }
0x9d: {  	s8 =	simm.s32 $0x0;
	s20 =	sshll.u32 s6, $0x1;
	s6 =	sadd.s32 s21, s4  }
0x9e: {  	[timem:s8], [sflag:s22] =	dma.local [hbm:s6], s20  }
0x9f: {  	_ =	swait.ge [sflag:s22], s20  }
0xa0: {  	s5 =	ssub.s32 $0x0, s20;
	[sflag:s22] =	ssyncset.done $0x0  }
0xa1: {  	[sflag:s22] =	ssyncadd.s32 s5;
	_ =	sdelay $0x1  }
0xa2: {  	s23 =	simm.s32 $0x1B8B  }
0xa3: {  	_ =	swait.ge [sflag:s23], $0x1  }
0xa4: {  	[sflag:s23] =	ssyncset.done $0x0  }
0xa5: {  	s25 =	simm.s32 $0x1B8E;
	s24 =	sld [smem:$0x3FFE];
	[sflag:s23] =	ssyncadd.s32 $0xFFFFFFFF  }
0xa6: {  	s26 =	simm.s32 $execute0_lowered;
	[smem:$0x3FD2] =	sst s25  }
0xa7: {  	s6 =	sshll.u32 s26, $0x1;
	_ =	strace $0x80000046;
	[dreg:$0x1] =	wrdreg $0xFFFFFFFF  }
0xa8: {  	s28 =	simm.s32 $_size_execute0_lowered;
	s4 =	sadd.s32 s4, s6;
	[dreg:$0x0] =	wrdreg $0x0  }
0xa9: {  	s6 =	sshll.u32 s28, $0x1;
	[dreg:$0x2] =	wrdreg s4  }
0xaa: {  	[dreg:$0x3] =	wrdreg s6  }
0xab: {  	[dreg:$0x4] =	wrdreg $0xC0  }
0xac: {  	_ =	task [dreg:s8], $0x5FFFF  }
0xad: {  	[dreg:$0x1] =	wrdreg $0xFFFFFFFF  }
0xae: {  	[dreg:$0x0] =	wrdreg $0x60  }
0xaf: {  	[dreg:$0x2] =	wrdreg s2  }
0xb0: {  	[dreg:$0x3] =	wrdreg s24  }
0xb1: {  	[dreg:$0x4] =	wrdreg s18  }
0xb2: {  	[dreg:$0x5] =	wrdreg $0x2000  }
0xb3: {  	[dreg:$0x6] =	wrdreg $0x9  }
0xb4: {  	_ =	task.clear_ibuf [dreg:s8], $0x7FFFF;
	_ =	strace $0x90000046  }
0xb5: {  	s29 =	simm.s32 $0x9;
	_ =	strace $0x80000048  }
0xb6: {  	_ =	swait.ge [sflag:s29], $0x1  }
0xb7: {  	[sflag:s29] =	ssyncadd.s32 $0xFFFFFFFF  }
0xb8: {  	_ =	strace $0x90000048  }
0xb9: {  	_ =	sfence  }
0xba: {  	s30 =	sld [smem:$0x0];
	_ =	sdelay $0x2  }
0xbb: {  	s31 =	sshll.u32 s1, $0xD;
	s1 =	sshrl.u32 s1, $0x2  }
0xbc: {  	s3 =	sand.u32 $0x4000, s31;
	s1 =	sadd.s32 s1, s30  }
0xbd: {  	s0 =	sor.u32 s3, s0;
	s1 =	sshll.u32 s1, $0x11  }
0xbe: {  	s0 =	sor.u32 s1, s0  }
0xbf: {  	s0 =	sadd.s32 $0x8F2B, s0  }
0xc0: {  	[sflag:s0] =	ssyncadd.remote.s32 $0x1  }
0xc1: {  	_ =	sfence.sel $0xFFFF  }
0xc2: {  	[dreg:$0x0] =	wrdreg $0xFFFFFFFF;
	(pc) =	sbr.abs _section_cstart, $3  }
0xc3: {  	[dreg:$0x1] =	wrdreg $0xFFFFFFFF  }
0xc4: {  	_ =	task.clear_ibuf [dreg:s8], $0x2FFFF;
	_ =	strace $0x9FFFFFFF  }
0xc5: {  	(tm) =	ssettm $0x7FFFFFFF  }
tec
execute0_lowered:
.L_overlay_start_1:
0x0: {  	(tag) =	ssettag $0x1  }
0x1: {  	v0 =	vimm.s32 $0xFEDCBA9;
	v1 =	vimm.s32 $0x87654321  }
0x2: {  	v2 =	vimm.s32 $0x10FEDCBA;
	v3 =	vimm.s32 $0x98765432;
	v4 =	vimm.s32 $0x210FEDCB  }
0x3: {  	v5 =	vimm.s32 $0xA9876543;
	v16 =	vimm.s32 $0xEDCBA987;
	v17 =	vimm.s32 $0xFEDCBA98  }
0x4: {  	v18 =	vimm.s32 $0x76543210;
	v0 =	vunpack.c.l.s4.s8 v0;
	v1 =	vunpack.c.l.s4.s8 v1  }
0x5: {  	v2 =	vunpack.c.l.s4.s8 v2;
	v3 =	vunpack.c.l.s4.s8 v3;
	v4 =	vunpack.c.l.s4.s8 v4  }
0x6: {  	v16 =	vunpack.c.l.s4.s8 v16;
	v17 =	vunpack.c.l.s4.s8 v17;
	v0 =	vunpack.c.0.s8.s32 v0  }
0x7: {  	v1 =	vunpack.c.0.s8.s32 v1;
	v8 =	vunpack.c.0.s8.s32 v2;
	v2 =	vunpack.c.l.s4.s8 v5  }
0x8: {  	v9 =	vunpack.c.0.s8.s32 v3;
	v10 =	vunpack.c.0.s8.s32 v4;
	v3 =	vimm.s32 $0x3210FEDC  }
0x9: {  	v16 =	vunpack.c.0.s8.s32 v16;
	v11 =	vunpack.c.0.s8.s32 v2;
	v2 =	vunpack.c.l.s4.s8 v3  }
0xa: {  	v3 =	vimm.s32 $0xBA987654;
	v4 =	vcombine.low v1, v0;
	v5 =	vcombine.low v9, v8  }
0xb: {  	s0 =	rddreg [dreg:$0x0];
	v0 =	vcombine.low v0, v1;
	v1 =	vcombine.low v8, v9;
	v3 =	vunpack.c.l.s4.s8 v3  }
0xc: {  	s3 =	rddreg [dreg:$0x1];
	v6 =	vcombine.low v11, v10;
	v12 =	vunpack.c.0.s8.s32 v2;
	v2 =	vimm.s32 $0x43210FED  }
0xd: {  	s5 =	rddreg [dreg:$0x2];
	v11 =	vcombine.low v10, v11;
	v13 =	vunpack.c.0.s8.s32 v3;
	v7 =	vunpack.c.l.s4.s8 v2  }
0xe: {  	s1 =	rddreg [dreg:$0x3];
	s2 =	simm.s32 $0x0;
	v3 =	vimm.s32 $0xCBA98765;
	v2 =	vand.u32 $0xF, v4;
	v4 =	vand.u32 $0xF, v5  }
0xf: {  	s4 =	srdreg.scid;
	s10 =	stileid.u32;
	s14 =	simm.s32 $0x7;
	v0 =	vand.u32 $0xF, v0;
	v1 =	vand.u32 $0xF, v1;
	[tilespmem:$0x1FF10] =	vst v4;
	v4 =	vunpack.c.l.s4.s8 v3  }
0x10: {  	s16 =	simm.s32 $0x2148;
	s17 =	simm.s32 $0x6148;
	s19 =	simm.s32 $0xA148;
	v3 =	vand.u32 $0xF, v6;
	v6 =	vimm.s32 $0xDCBA9876;
	v5 =	vcombine.low v13, v12  }
0x11: {  	s21 =	simm.s32 $0xE148;
	s28 =	simm.s32 $0x14148;
	[smem:$0x7FF] =	sst s2;
	[tilespmem:$0x1FF20] =	vst v3;
	v14 =	vunpack.c.0.s8.s32 v7;
	v6 =	vunpack.c.l.s4.s8 v6;
	v7 =	vimm.s32 $0x6543210F  }
0x12: {  	s15 =	simm.s32 $0x80;
	s29 =	simm.s32 $0x3;
	v12 =	vcombine.low v12, v13;
	_ =	strace $0x80000047;
	v15 =	vunpack.c.0.s8.s32 v4;
	v4 =	vimm.s32 $0x543210FE;
	[tilespmem:$0x1FF60] =	vst v0  }
0x13: {  	s30 =	simm.s32 $0x5;
	s31 =	simm.s32 $0x4;
	s4 =	sand.u32 $0x1, s4;
	v7 =	vunpack.c.l.s4.s8 v7;
	[tilespmem:$0x1FF70] =	vst v1;
	v1 =	vand.u32 $0xF, v11;
	v4 =	vunpack.c.l.s4.s8 v4  }
0x14: {  	s8 =	sshll.u32 s10, $0xA;
	p0 =	seq.s32 s10, $0x8;
	s6 =	ssub.s32 $0x2, s4;
	[tilespmem:$0x1FFF0] =	vst v2;
	v20 =	vunpack.c.0.s8.s32 v6;
	v6 =	vunpack.c.l.s4.s8 v18;
	v3 =	vand.u32 $0xF, v5  }
0x15: {  	s9 =	sshll.u32 s4, $0x9;
	s4 =	sadd.s32 $0x400, s3;
	s3 =	sadd.s32 $0x2380, s3;
	[tilespmem:$0x1FF80] =	vst v1;
	v62 =	vunpack.c.0.s8.s32 v7;
	v7 =	vunpack.c.0.s8.s32 v17;
	v13 =	vcombine.low v14, v15  }
0x16: {  	p1 =	sne.s32 @!p0 s10, $0x0;
	s7 =	sshrl.u32 s6, $0x1;
	s22 =	sor.u32 s9, s8;
	v1 =	vand.u32 $0xF, v12;
	[tilespmem:$0x1FF30] =	vst v3;
	v5 =	vcombine.low v15, v14;
	v6 =	vunpack.c.0.s8.s32 v6  }
0x17: {  	s8 =	sadd.s32 $0xFC00, s1;
	p1 =	por p1, p0;
	s6 =	ssub.s32 s6, s7;
	[tilespmem:$0x1FF90] =	vst v1;
	v19 =	vunpack.c.0.s8.s32 v4;
	v7 =	vand.u32 $0xF, v7;
	v1 =	vand.u32 $0xF, v13  }
0x18: {  	s23 =	sshrl.u32 s22, $0x3;
	s7 =	sadd.s32 s5, s22;
	s12 =	sshrl.u32 @p0 s8, $0x3;
	v21 =	vcombine.low v16, v62;
	v3 =	vand.u32 $0xF, v5;
	v4 =	vcombine.low v7, v6;
	[tilespmem:$0x1FFA0] =	vst v1  }
0x19: {  	s13 =	sshrl.u32 @!p1 s1, $0x3;
	s0 =	sadd.s32 s0, s23;
	[dreg:$0x5] =	wrdreg s3;
	v0 =	vcombine.low v19, v20;
	[tilespmem:$0x1FFE0] =	vst v3  }
0x1a: {  	s22 =	simm.s32 $0x1;
	s24 =	sadd.s32 $0x80, s7;
	[dreg:$0x6] =	wrdreg s0;
	v63 =	vcombine.low v20, v19;
	v5 =	vand.u32 $0xF, v21;
	[tilespmem:$0x1FF40] =	vst v4  }
0x1b: {  	s25 =	sadd.s32 $0x100, s7;
	s26 =	sadd.s32 $0x180, s7;
	[dreg:$0x7] =	wrdreg s24;
	v15 =	vcombine.low v62, v16;
	[tilespmem:$0x1FF50] =	vst v5;
	v0 =	vand.u32 $0xF, v0  }
0x1c: {  	s11 =	smax.u32 s6, $0x1;
	s23 =	simm.s32 $0x12148;
	[dreg:$0x8] =	wrdreg s25;
	v4 =	vand.u32 $0xF, v63;
	[tilespmem:$0x1FFB0] =	vst v0  }
0x1d: {  	[dreg:$0x9] =	wrdreg s26;
	s24 =	simm.s32 $0x400;
	s25 =	simm.s32 $0x20000;
	v0 =	vand.u32 $0xF, v15;
	[tilespmem:$0x1FFD0] =	vst v4  }
0x1e: {  	s26 =	simm.s32 $0x2;
	s0 =	simm.s32 $0x6;
	s3 =	simm.s32 $0x0;
	v12 =	vmov v2;
	v5 =	vlaneseq.u32;
	[tilespmem:$0x1FFC0] =	vst v0  }
.LBB2_1:
0x1f: {  	s5 =	simm.s32 @p0 $0x1E07;
	s6 =	rddreg [dreg:$0x5]  }
0x20: {  	[spmem:s12], [sflag:s5] =	dma.local @p0 [hbm:s6], $0x1F10  }
0x21: {  	s5 =	simm.s32 @p0 $0x7  }
0x22: {  	_ =	swait.ge @p0 [sflag:s5], $0x1F10  }
0x23: {  	[sflag:s5] =	ssyncset.done @p0 $0x0  }
0x24: {  	[sflag:s5] =	ssyncadd.s32 @p0 $0xFFFFE0F0;
	s5 =	simm.s32 @!p1 $0x1C07  }
0x25: {  	[spmem:s13], [sflag:s5] =	dma.local @!p1 [hbm:s4], $0x1F80  }
0x26: {  	s5 =	simm.s32 @!p1 $0x7  }
0x27: {  	_ =	swait.ge @!p1 [sflag:s5], $0x1F80  }
0x28: {  	[sflag:s5] =	ssyncset.done @!p1 $0x0  }
0x29: {  	s9 =	rddreg [dreg:$0x6];
	[sflag:s5] =	ssyncadd.s32 @!p1 $0xFFFFE080  }
0x2a: {  	[tilespmem:s2], [sflag:$0x7] =	stream.linear.gather [hbm4b:s9+s2], $0x200, $0x38;
	[tilespmem:$0x16148] =	vst v63  }
0x2b: {  	_ =	swait.ge [sflag:s14], $0x200  }
0x2c: {  	[sflag:s14] =	ssyncset.done $0x0  }
0x2d: {  	[sflag:s14] =	ssyncadd.s32 $0xFFFFFE00  }
0x2e: {  	[tilespmem:s16], [sflag:$0x1] =	stream.indirect.gather [hbm4b:s4+s15], $0x80, s2, s15, $0xb8;
	[tilespmem:$0x16148] =	vst v63  }
0x2f: {  	s10 =	sand.u32 $0x20, s2;
	s18 =	sand.u32 $0x70, s2;
	[bflag:$0x0] =	sbarrier.arrive $0xFFFF  }
0x30: {  	[tilespmem:s17], [sflag:$0x2] =	stream.indirect.gather [spmem:s1], $0x80, s15, s15, $0xb8;
	[tilespmem:$0x16148] =	vst v63  }
0x31: {  	s8 =	simm.s32 $0x100;
	v34 =	vor.u32 s18, v5;
	s5 =	sor.u32 $0x10, s10  }
0x32: {  	v35 =	vshll.u32 v34, $0x7;
	v0 =	vor.u32 s5, v5;
	[tilespmem:s19], [sflag:$0x3] =	stream.indirect.gather [spmem:s1], $0x80, s8, s15, $0xb8;
	[tilespmem:$0x16148] =	vst v63  }
0x33: {  	s20 =	simm.s32 $0x180;
	v1 =	vor.u32 v0, v35  }
0x34: {  	[tilespmem:s21], [sflag:$0x4] =	stream.indirect.gather [spmem:s1], $0x80, s20, s15, $0xb8;
	[tilespmem:$0x16148] =	vst v63  }
0x35: {  	_ =	swait.ge [sflag:s22], $0x4000  }
0x36: {  	[sflag:s22] =	ssyncset.done $0x0  }
0x37: {  	v16 =	vor.u32 s10, v5;
	v0 =	vshll.u32 v0, $0x7;
	[sflag:s22] =	ssyncadd.s32 $0xFFFFC000  }
0x38: {  	v17 =	vor.u32 v16, v35;
	v0 =	vor.u32 v34, v0;
	v1 =	vld.idx.msk [tilespmem:v1+s16+$0x0], $0xffff;
	_ =	sdelay $0x4  }
0x39: {  	v16 =	vshll.u32 v16, $0x7;
	v18 =	vor.u32 s5, v12;
	v17 =	vld.idx.msk [tilespmem:v17+s16+$0x0], $0xffff;
	[tilespmem:v0+s23+$0x0] =	vst.idx.msk $0xffff, v1  }
0x3a: {  	v16 =	vor.u32 v34, v16;
	v19 =	vor.u32 v18, v35;
	v11 =	vld [tilespmem:$0x1FF10];
	_ =	sdelay $0x1  }
0x3b: {  	v20 =	vor.u32 s10, v12  }
0x3c: {  	v21 =	vor.u32 v20, v35  }
0x3d: {  	v0 =	vshll.u32 v18, $0x7  }
0x3e: {  	v1 =	vld.idx.msk [tilespmem:v19+s16+$0x0], $0xffff;
	v0 =	vor.u32 v34, v0;
	[tilespmem:v16+s23+$0x0] =	vst.idx.msk $0xffff, v17;
	v18 =	vor.u32 s5, v11  }
0x3f: {  	v15 =	vld [tilespmem:$0x1FF20];
	v19 =	vor.u32 v18, v35  }
0x40: {  	v20 =	vshll.u32 v20, $0x7  }
0x41: {  	v16 =	vor.u32 v34, v20;
	v21 =	vld.idx.msk [tilespmem:v21+s16+$0x0], $0xffff;
	v22 =	vor.u32 s10, v11  }
0x42: {  	v17 =	vshll.u32 v22, $0x7;
	v22 =	vor.u32 v22, v35  }
0x43: {  	[tilespmem:v0+s23+$0x0] =	vst.idx.msk $0xffff, v1;
	v0 =	vshll.u32 v18, $0x7  }
0x44: {  	v0 =	vor.u32 v34, v0;
	v18 =	vld.idx.msk [tilespmem:v19+s16+$0x0], $0xffff;
	v19 =	vor.u32 s5, v15  }
0x45: {  	v25 =	vor.u32 v19, v35  }
0x46: {  	v54 =	vld [tilespmem:$0x1FF30];
	[tilespmem:v16+s23+$0x0] =	vst.idx.msk $0xffff, v21  }
0x47: {  	v20 =	vor.u32 s10, v15;
	v17 =	vor.u32 v34, v17;
	v21 =	vld.idx.msk [tilespmem:v22+s16+$0x0], $0xffff  }
0x48: {  	v23 =	vshll.u32 v20, $0x7;
	v20 =	vor.u32 v20, v35  }
0x49: {  	v5 =	vld [tilespmem:$0x1FF50];
	[tilespmem:v0+s23+$0x0] =	vst.idx.msk $0xffff, v18  }
0x4a: {  	v0 =	vshll.u32 v19, $0x7;
	v18 =	vld.idx.msk [tilespmem:v25+s16+$0x0], $0xffff  }
0x4b: {  	v16 =	vor.u32 s10, v4;
	v0 =	vor.u32 v34, v0;
	v2 =	vld [tilespmem:$0x1FF40]  }
0x4c: {  	v32 =	vor.u32 v16, v35;
	v16 =	vshll.u32 v16, $0x7;
	v28 =	vor.u32 v34, v23;
	v6 =	vld [tilespmem:$0x1FF60];
	[tilespmem:v17+s23+$0x0] =	vst.idx.msk $0xffff, v21  }
0x4d: {  	v23 =	vor.u32 s10, v3;
	v33 =	vor.u32 v34, v16;
	v1 =	vor.u32 s10, v54;
	v20 =	vld.idx.msk [tilespmem:v20+s16+$0x0], $0xffff  }
0x4e: {  	v13 =	vmovc v4;
	v30 =	vor.u32 v23, v35;
	v24 =	vshll.u32 v1, $0x7;
	v1 =	vor.u32 v1, v35;
	v4 =	vld [tilespmem:$0x1FF70]  }
0x4f: {  	v22 =	vor.u32 s10, v5;
	v29 =	vor.u32 v34, v24;
	v24 =	vshll.u32 v23, $0x7  }
0x50: {  	v42 =	vor.u32 v22, v35;
	v16 =	vshll.u32 v22, $0x7;
	v31 =	vor.u32 v34, v24;
	v7 =	vld [tilespmem:$0x1FF80];
	[tilespmem:v0+s23+$0x0] =	vst.idx.msk $0xffff, v18  }
0x51: {  	v27 =	vor.u32 v34, v16;
	v19 =	vor.u32 s5, v54;
	v22 =	vor.u32 s10, v2;
	v8 =	vld [tilespmem:$0x1FF90]  }
0x52: {  	v36 =	vor.u32 v19, v35;
	v23 =	vor.u32 s10, v6;
	v26 =	vor.u32 v22, v35;
	[tilespmem:v28+s23+$0x0] =	vst.idx.msk $0xffff, v20  }
0x53: {  	v16 =	vshll.u32 v22, $0x7;
	v17 =	vor.u32 s10, v4;
	v25 =	vor.u32 v23, v35;
	v9 =	vld [tilespmem:$0x1FFA0]  }
0x54: {  	v24 =	vor.u32 v34, v16;
	v16 =	vshll.u32 v23, $0x7;
	v21 =	vor.u32 v17, v35  }
0x55: {  	v22 =	vor.u32 v34, v16;
	v16 =	vshll.u32 v17, $0x7;
	v17 =	vor.u32 s10, v7  }
0x56: {  	v23 =	vor.u32 v34, v16;
	v16 =	vshll.u32 v17, $0x7;
	v18 =	vor.u32 s10, v8  }
0x57: {  	v40 =	vor.u32 v34, v16;
	v16 =	vshll.u32 v18, $0x7  }
0x58: {  	v0 =	vshll.u32 v19, $0x7;
	v19 =	vld.idx.msk [tilespmem:v36+s16+$0x0], $0xffff;
	v44 =	vor.u32 v34, v16;
	v16 =	vor.u32 s10, v9  }
0x59: {  	v1 =	vld.idx.msk [tilespmem:v1+s16+$0x0], $0xffff;
	v10 =	vor.u32 v16, v35  }
0x5a: {  	[tilespmem:$0x1FEE0] =	vst v10;
	v10 =	vld [tilespmem:$0x1FFB0]  }
0x5b: {  	v38 =	vor.u32 s5, v3;
	v0 =	vor.u32 v34, v0  }
0x5c: {  	v43 =	vor.u32 v38, v35;
	v14 =	vld [tilespmem:$0x1FFC0]  }
0x5d: {  	v16 =	vshll.u32 v16, $0x7  }
0x5e: {  	v16 =	vor.u32 v34, v16  }
0x5f: {  	v41 =	vor.u32 v17, v35;
	[tilespmem:$0x1FEF0] =	vst v16;
	v17 =	vor.u32 s10, v10  }
0x60: {  	[tilespmem:v0+s23+$0x0] =	vst.idx.msk $0xffff, v19;
	v16 =	vshll.u32 v17, $0x7;
	v17 =	vor.u32 v17, v35  }
0x61: {  	v39 =	vor.u32 v18, v35;
	v18 =	vor.u32 s10, v14;
	v28 =	vld.idx.msk [tilespmem:v43+s16+$0x0], $0xffff;
	[tilespmem:$0x1FF00] =	vst v17;
	v16 =	vor.u32 v34, v16  }
0x62: {  	v58 =	vor.u32 s5, v13;
	[tilespmem:$0x1FEB0] =	vst v16;
	v16 =	vor.u32 v18, v35  }
0x63: {  	s9 =	simm.s32 $0x8;
	v45 =	vor.u32 v58, v35;
	s8 =	simm.s32 $0x20;
	v0 =	vshll.u32 v38, $0x7;
	v19 =	vshll.u32 v18, $0x7;
	[tilespmem:$0x1FEC0] =	vst v16  }
0x64: {  	s6 =	sand.u32 $0x20, s8;
	s8 =	sand.u32 $0x70, s9;
	v0 =	vor.u32 v34, v0;
	v18 =	vlaneseq.u32;
	[tilespmem:v29+s23+$0x0] =	vst.idx.msk $0xffff, v1;
	v1 =	vor.u32 v34, v19  }
0x65: {  	s18 =	sor.u32 $0x10, s6;
	v46 =	vor.u32 s6, v12;
	v53 =	vor.u32 s6, v3;
	v17 =	vor.u32 s8, v18;
	[tilespmem:$0x1FED0] =	vst v1  }
0x66: {  	v59 =	vshll.u32 v46, $0x7;
	v20 =	vshll.u32 v17, $0x7;
	v29 =	vor.u32 s18, v18;
	v1 =	vld.idx.msk [tilespmem:v30+s16+$0x0], $0xffff  }
0x67: {  	v50 =	vor.u32 s18, v12;
	v47 =	vor.u32 v29, v20;
	v30 =	vor.u32 s6, v18  }
0x68: {  	v52 =	vor.u32 s6, v15;
	v63 =	vor.u32 s6, v54;
	v48 =	vor.u32 v30, v20  }
0x69: {  	v61 =	vor.u32 s5, v5;
	[tilespmem:v0+s23+$0x0] =	vst.idx.msk $0xffff, v28;
	v0 =	vshll.u32 v58, $0x7;
	v30 =	vshll.u32 v30, $0x7  }
0x6a: {  	v62 =	vor.u32 s5, v2;
	v0 =	vor.u32 v34, v0;
	v28 =	vor.u32 v17, v30;
	v30 =	vld.idx.msk [tilespmem:v45+s16+$0x0], $0xffff  }
0x6b: {  	v36 =	vshll.u32 v63, $0x7;
	v29 =	vshll.u32 v29, $0x7;
	[tilespmem:v31+s23+$0x0] =	vst.idx.msk $0xffff, v1;
	v31 =	vor.u32 v61, v35  }
0x6c: {  	v38 =	vor.u32 s18, v11;
	v43 =	vor.u32 v17, v59;
	v29 =	vor.u32 v17, v29;
	v47 =	vld.idx.msk [tilespmem:v47+s16+$0x0], $0xffff  }
0x6d: {  	v60 =	vor.u32 v46, v20;
	v51 =	vor.u32 v50, v20;
	v55 =	vor.u32 v52, v20;
	v48 =	vld.idx.msk [tilespmem:v48+s16+$0x0], $0xffff  }
0x6e: {  	v50 =	vshll.u32 v50, $0x7;
	v56 =	vor.u32 v53, v20;
	v1 =	vor.u32 s6, v11;
	v32 =	vld.idx.msk [tilespmem:v32+s16+$0x0], $0xffff  }
0x6f: {  	v50 =	vor.u32 v17, v50;
	v49 =	vor.u32 v1, v20;
	[tilespmem:v0+s23+$0x0] =	vst.idx.msk $0xffff, v30;
	v30 =	vshll.u32 v61, $0x7  }
0x70: {  	v1 =	vshll.u32 v1, $0x7;
	v0 =	vshll.u32 v52, $0x7;
	v30 =	vor.u32 v34, v30;
	v31 =	vld.idx.msk [tilespmem:v31+s16+$0x0], $0xffff  }
0x71: {  	v1 =	vor.u32 v17, v1;
	v61 =	vshll.u32 v53, $0x7;
	v0 =	vor.u32 v17, v0;
	[tilespmem:v29+s23+$0x0] =	vst.idx.msk $0xffff, v47  }
0x72: {  	v57 =	vor.u32 v17, v61;
	v29 =	vor.u32 v62, v35;
	v37 =	vld.idx.msk [tilespmem:v51+s16+$0x0], $0xffff;
	[tilespmem:v28+s23+$0x0] =	vst.idx.msk $0xffff, v48  }
0x73: {  	v46 =	vshll.u32 v62, $0x7;
	v61 =	vor.u32 s6, v6;
	[tilespmem:v33+s23+$0x0] =	vst.idx.msk $0xffff, v32;
	v28 =	vor.u32 v38, v20;
	v60 =	vld.idx.msk [tilespmem:v60+s16+$0x0], $0xffff  }
0x74: {  	v47 =	vor.u32 v63, v20;
	v62 =	vor.u32 s5, v6;
	v16 =	vor.u32 v61, v20;
	v42 =	vld.idx.msk [tilespmem:v42+s16+$0x0], $0xffff  }
0x75: {  	v63 =	vor.u32 v62, v35;
	v48 =	vor.u32 v17, v36;
	[tilespmem:v30+s23+$0x0] =	vst.idx.msk $0xffff, v31;
	v30 =	vor.u32 s6, v13  }
0x76: {  	v31 =	vor.u32 v34, v46;
	v58 =	vor.u32 v30, v20;
	v30 =	vshll.u32 v30, $0x7  }
0x77: {  	[tilespmem:v50+s23+$0x0] =	vst.idx.msk $0xffff, v37;
	v29 =	vld.idx.msk [tilespmem:v29+s16+$0x0], $0xffff;
	v46 =	vor.u32 v17, v30;
	v30 =	vshll.u32 v38, $0x7  }
0x78: {  	v36 =	vor.u32 s6, v5;
	v28 =	vld.idx.msk [tilespmem:v28+s16+$0x0], $0xffff;
	[tilespmem:v43+s23+$0x0] =	vst.idx.msk $0xffff, v60;
	v30 =	vor.u32 v17, v30  }
0x79: {  	v45 =	vor.u32 v36, v20;
	v59 =	vshll.u32 v36, $0x7;
	v37 =	vor.u32 s18, v15;
	[tilespmem:v27+s23+$0x0] =	vst.idx.msk $0xffff, v42;
	v27 =	vld.idx.msk [tilespmem:v49+s16+$0x0], $0xffff  }
0x7a: {  	v36 =	vor.u32 s6, v4;
	v38 =	vor.u32 v37, v20;
	v60 =	vor.u32 s6, v2  }
0x7b: {  	v19 =	vor.u32 v36, v20;
	v43 =	vor.u32 v17, v59;
	v26 =	vld.idx.msk [tilespmem:v26+s16+$0x0], $0xffff;
	v49 =	vshll.u32 v60, $0x7  }
0x7c: {  	v62 =	vshll.u32 v62, $0x7;
	v42 =	vor.u32 v60, v20;
	v51 =	vor.u32 v17, v49;
	[tilespmem:v31+s23+$0x0] =	vst.idx.msk $0xffff, v29  }
0x7d: {  	v29 =	vor.u32 v34, v62;
	v31 =	vor.u32 s5, v4;
	v62 =	vor.u32 s5, v8;
	[tilespmem:v30+s23+$0x0] =	vst.idx.msk $0xffff, v28  }
0x7e: {  	v33 =	vld.idx.msk [tilespmem:v63+s16+$0x0], $0xffff;
	v63 =	vshll.u32 v61, $0x7;
	v30 =	vor.u32 v31, v35;
	v28 =	vshll.u32 v37, $0x7;
	[tilespmem:v1+s23+$0x0] =	vst.idx.msk $0xffff, v27  }
0x7f: {  	v53 =	vor.u32 v17, v63;
	v1 =	vor.u32 s18, v54;
	v32 =	vld.idx.msk [tilespmem:v38+s16+$0x0], $0xffff;
	v59 =	vor.u32 v17, v28  }
0x80: {  	[tilespmem:v24+s23+$0x0] =	vst.idx.msk $0xffff, v26;
	v24 =	vshll.u32 v36, $0x7;
	v27 =	vor.u32 s6, v7;
	v36 =	vor.u32 s6, v8;
	v37 =	vld.idx.msk [tilespmem:v55+s16+$0x0], $0xffff  }
0x81: {  	v63 =	vor.u32 v62, v35;
	v38 =	vor.u32 v1, v20;
	v60 =	vld.idx.msk [tilespmem:v25+s16+$0x0], $0xffff;
	v26 =	vor.u32 v17, v24  }
0x82: {  	v24 =	vshll.u32 v31, $0x7;
	v28 =	vor.u32 v27, v20;
	v25 =	vshll.u32 v27, $0x7  }
0x83: {  	v1 =	vshll.u32 v1, $0x7;
	v24 =	vor.u32 v34, v24;
	v27 =	vor.u32 v17, v25;
	[tilespmem:v29+s23+$0x0] =	vst.idx.msk $0xffff, v33  }
0x84: {  	v31 =	vor.u32 s5, v7;
	v25 =	vshll.u32 v36, $0x7;
	v1 =	vor.u32 v17, v1;
	v29 =	vld.idx.msk [tilespmem:v30+s16+$0x0], $0xffff;
	[tilespmem:v59+s23+$0x0] =	vst.idx.msk $0xffff, v32  }
0x85: {  	v49 =	vor.u32 s18, v3;
	v33 =	vor.u32 v31, v35;
	v30 =	vor.u32 v17, v25;
	[tilespmem:v0+s23+$0x0] =	vst.idx.msk $0xffff, v37  }
0x86: {  	s10 =	simm.s32 $0x40;
	v32 =	vor.u32 v36, v20;
	v0 =	vor.u32 s6, v9;
	[tilespmem:v22+s23+$0x0] =	vst.idx.msk $0xffff, v60;
	v22 =	vor.u32 s6, v10;
	v37 =	vld.idx.msk [tilespmem:v38+s16+$0x0], $0xffff  }
0x87: {  	v36 =	vor.u32 s6, v14;
	s6 =	sand.u32 $0x20, s10;
	v25 =	vor.u32 v0, v20;
	v38 =	vor.u32 v49, v20;
	v47 =	vld.idx.msk [tilespmem:v47+s16+$0x0], $0xffff  }
0x88: {  	v0 =	vshll.u32 v0, $0x7;
	v60 =	vld.idx.msk [tilespmem:v21+s16+$0x0], $0xffff;
	v21 =	vshll.u32 v31, $0x7;
	v59 =	vor.u32 s6, v12  }
0x89: {  	v61 =	vor.u32 v34, v21;
	[tilespmem:v24+s23+$0x0] =	vst.idx.msk $0xffff, v29;
	v24 =	vor.u32 v17, v0;
	v0 =	vshll.u32 v22, $0x7  }
0x8a: {  	s20 =	simm.s32 $0x10;
	v29 =	vor.u32 v22, v20;
	v31 =	vld.idx.msk [tilespmem:v33+s16+$0x0], $0xffff;
	v21 =	vor.u32 v17, v0;
	v0 =	vshll.u32 v36, $0x7  }
0x8b: {  	s8 =	sand.u32 $0x70, s20;
	s20 =	sor.u32 $0x10, s6;
	v22 =	vor.u32 v36, v20;
	[tilespmem:v1+s23+$0x0] =	vst.idx.msk $0xffff, v37;
	v33 =	vor.u32 v17, v0;
	v0 =	vshll.u32 v49, $0x7  }
0x8c: {  	v55 =	vor.u32 s20, v18;
	[tilespmem:v48+s23+$0x0] =	vst.idx.msk $0xffff, v47;
	v47 =	vor.u32 s18, v13;
	v1 =	vld.idx.msk [tilespmem:v38+s16+$0x0], $0xffff;
	v0 =	vor.u32 v17, v0  }
0x8d: {  	v52 =	vshll.u32 v59, $0x7;
	[tilespmem:v23+s23+$0x0] =	vst.idx.msk $0xffff, v60;
	v23 =	vor.u32 s8, v18;
	v48 =	vld.idx.msk [tilespmem:v56+s16+$0x0], $0xffff;
	v49 =	vor.u32 v47, v20  }
0x8e: {  	v37 =	vor.u32 s6, v18;
	v38 =	vshll.u32 v62, $0x7;
	v62 =	vor.u32 s5, v9  }
0x8f: {  	v41 =	vld.idx.msk [tilespmem:v41+s16+$0x0], $0xffff;
	v50 =	vshll.u32 v37, $0x7;
	v47 =	vshll.u32 v47, $0x7;
	[tilespmem:v61+s23+$0x0] =	vst.idx.msk $0xffff, v31;
	v31 =	vshll.u32 v23, $0x7  }
0x90: {  	v56 =	vor.u32 v34, v38;
	v36 =	vor.u32 v23, v50;
	v60 =	vld.idx.msk [tilespmem:v63+s16+$0x0], $0xffff;
	v61 =	vor.u32 v55, v31  }
0x91: {  	v47 =	vor.u32 v17, v47;
	v38 =	vshll.u32 v62, $0x7;
	[tilespmem:v0+s23+$0x0] =	vst.idx.msk $0xffff, v1;
	v0 =	vor.u32 v62, v35  }
0x92: {  	v63 =	vor.u32 v37, v31;
	v37 =	vor.u32 s6, v11;
	[tilespmem:v57+s23+$0x0] =	vst.idx.msk $0xffff, v48;
	v57 =	vor.u32 s18, v5;
	v49 =	vld.idx.msk [tilespmem:v49+s16+$0x0], $0xffff  }
0x93: {  	v55 =	vshll.u32 v55, $0x7;
	v48 =	vor.u32 v59, v31;
	v1 =	vor.u32 v57, v20  }
0x94: {  	v59 =	vor.u32 v23, v52;
	v55 =	vor.u32 v23, v55;
	[tilespmem:v40+s23+$0x0] =	vst.idx.msk $0xffff, v41;
	v50 =	vld.idx.msk [tilespmem:v58+s16+$0x0], $0xffff  }
0x95: {  	v62 =	vor.u32 s20, v12;
	v40 =	vor.u32 v34, v38;
	v52 =	vor.u32 s6, v15;
	[tilespmem:v56+s23+$0x0] =	vst.idx.msk $0xffff, v60;
	v60 =	vld.idx.msk [tilespmem:v61+s16+$0x0], $0xffff  }
0x96: {  	v58 =	vshll.u32 v37, $0x7;
	v41 =	vor.u32 v62, v31;
	v57 =	vshll.u32 v57, $0x7;
	v0 =	vld.idx.msk [tilespmem:v0+s16+$0x0], $0xffff  }
0x97: {  	v38 =	vor.u32 v52, v31;
	v52 =	vshll.u32 v52, $0x7;
	v61 =	vor.u32 s5, v10;
	[tilespmem:v47+s23+$0x0] =	vst.idx.msk $0xffff, v49;
	v47 =	vld.idx.msk [tilespmem:v63+s16+$0x0], $0xffff  }
0x98: {  	v62 =	vshll.u32 v62, $0x7;
	v63 =	vor.u32 v61, v35;
	v49 =	vor.u32 v17, v57;
	v1 =	vld.idx.msk [tilespmem:v1+s16+$0x0], $0xffff  }
0x99: {  	v56 =	vor.u32 v37, v31;
	v37 =	vor.u32 s6, v54;
	[tilespmem:v46+s23+$0x0] =	vst.idx.msk $0xffff, v50;
	v57 =	vor.u32 v23, v52  }
0x9a: {  	v46 =	vor.u32 s18, v2;
	v52 =	vor.u32 v37, v31;
	v61 =	vshll.u32 v61, $0x7;
	[tilespmem:v55+s23+$0x0] =	vst.idx.msk $0xffff, v60  }
0x9b: {  	v45 =	vld.idx.msk [tilespmem:v45+s16+$0x0], $0xffff;
	v61 =	vor.u32 v34, v61;
	[tilespmem:v40+s23+$0x0] =	vst.idx.msk $0xffff, v0;
	v0 =	vor.u32 v46, v20  }
0x9c: {  	v41 =	vld.idx.msk [tilespmem:v41+s16+$0x0], $0xffff;
	v40 =	vor.u32 v23, v62;
	[tilespmem:v36+s23+$0x0] =	vst.idx.msk $0xffff, v47;
	v36 =	vor.u32 s20, v11  }
0x9d: {  	v50 =	vshll.u32 v37, $0x7;
	v47 =	vld.idx.msk [tilespmem:v63+s16+$0x0], $0xffff;
	v62 =	vor.u32 v36, v31;
	[tilespmem:v49+s23+$0x0] =	vst.idx.msk $0xffff, v1;
	v1 =	vor.u32 s5, v14  }
0x9e: {  	v55 =	vor.u32 s6, v3;
	v11 =	vor.u32 v23, v50;
	v37 =	vld.idx.msk [tilespmem:v48+s16+$0x0], $0xffff;
	v35 =	vor.u32 v1, v35  }
0x9f: {  	v39 =	vld.idx.msk [tilespmem:v39+s16+$0x0], $0xffff;
	v63 =	vshll.u32 v55, $0x7;
	v50 =	vor.u32 v55, v31;
	v55 =	vshll.u32 v46, $0x7  }
0xa0: {  	v58 =	vor.u32 v23, v58;
	[tilespmem:v43+s23+$0x0] =	vst.idx.msk $0xffff, v45;
	v43 =	vor.u32 v17, v55;
	v36 =	vshll.u32 v36, $0x7  }
0xa1: {  	v36 =	vor.u32 v23, v36;
	v1 =	vshll.u32 v1, $0x7;
	v0 =	vld.idx.msk [tilespmem:v0+s16+$0x0], $0xffff;
	[tilespmem:v40+s23+$0x0] =	vst.idx.msk $0xffff, v41  }
0xa2: {  	v1 =	vor.u32 v34, v1;
	v40 =	vor.u32 s18, v6;
	[tilespmem:v61+s23+$0x0] =	vst.idx.msk $0xffff, v47;
	v41 =	vld.idx.msk [tilespmem:v62+s16+$0x0], $0xffff  }
0xa3: {  	v5 =	vor.u32 s6, v5;
	v55 =	vor.u32 v40, v20;
	[tilespmem:v59+s23+$0x0] =	vst.idx.msk $0xffff, v37;
	v59 =	vor.u32 s20, v15;
	v35 =	vld.idx.msk [tilespmem:v35+s16+$0x0], $0xffff  }
0xa4: {  	v60 =	vor.u32 s6, v13;
	v48 =	vor.u32 v23, v63;
	v34 =	vld.idx.msk [tilespmem:v56+s16+$0x0], $0xffff;
	v56 =	vor.u32 v59, v31  }
0xa5: {  	[tilespmem:v44+s23+$0x0] =	vst.idx.msk $0xffff, v39;
	v49 =	vor.u32 v60, v31;
	v63 =	vshll.u32 v60, $0x7;
	v45 =	vshll.u32 v5, $0x7  }
0xa6: {  	v47 =	vor.u32 v5, v31;
	v5 =	vor.u32 s6, v6;
	v6 =	vld.idx.msk [tilespmem:v42+s16+$0x0], $0xffff;
	v40 =	vshll.u32 v40, $0x7;
	[tilespmem:v43+s23+$0x0] =	vst.idx.msk $0xffff, v0  }
0xa7: {  	v60 =	vor.u32 v17, v40;
	v62 =	vor.u32 s18, v4;
	v0 =	vor.u32 s6, v2;
	[tilespmem:v36+s23+$0x0] =	vst.idx.msk $0xffff, v41  }
0xa8: {  	v37 =	vor.u32 v0, v31;
	v39 =	vld.idx.msk [tilespmem:v55+s16+$0x0], $0xffff;
	v0 =	vshll.u32 v0, $0x7;
	[tilespmem:v1+s23+$0x0] =	vst.idx.msk $0xffff, v35;
	v1 =	vshll.u32 v59, $0x7  }
0xa9: {  	v40 =	vor.u32 v23, v0;
	v0 =	vor.u32 v62, v20;
	v56 =	vld.idx.msk [tilespmem:v56+s16+$0x0], $0xffff;
	v1 =	vor.u32 v23, v1;
	_ =	sdelay $0x1  }
0xaa: {  	[tilespmem:v51+s23+$0x0] =	vst.idx.msk $0xffff, v6  }
0xab: {  	[tilespmem:v58+s23+$0x0] =	vst.idx.msk $0xffff, v34  }
0xac: {  	[tilespmem:v60+s23+$0x0] =	vst.idx.msk $0xffff, v39  }
0xad: {  	v61 =	vld.idx.msk [tilespmem:v0+s16+$0x0], $0xffff;
	[tilespmem:v1+s23+$0x0] =	vst.idx.msk $0xffff, v56  }
0xae: {  	v46 =	vor.u32 v23, v63;
	v63 =	vshll.u32 v5, $0x7;
	v4 =	vor.u32 s6, v4;
	v0 =	vld [tilespmem:$0x1FEE0]  }
0xaf: {  	v6 =	vor.u32 s6, v7;
	v41 =	vor.u32 v5, v31;
	v5 =	vshll.u32 v4, $0x7;
	v35 =	vld.idx.msk [tilespmem:v38+s16+$0x0], $0xffff  }
0xb0: {  	v44 =	vld.idx.msk [tilespmem:v16+s16+$0x0], $0xffff;
	v36 =	vshll.u32 v62, $0x7;
	v34 =	vor.u32 s20, v54;
	v55 =	vor.u32 v23, v5  }
0xb1: {  	v54 =	vor.u32 v6, v31;
	v5 =	vshll.u32 v6, $0x7;
	v6 =	vor.u32 v17, v36;
	_ =	sdelay $0x2  }
0xb2: {  	v38 =	vor.u32 v34, v31;
	[tilespmem:v57+s23+$0x0] =	vst.idx.msk $0xffff, v35  }
0xb3: {  	[tilespmem:v53+s23+$0x0] =	vst.idx.msk $0xffff, v44  }
0xb4: {  	[tilespmem:v6+s23+$0x0] =	vst.idx.msk $0xffff, v61;
	v56 =	vld.idx.msk [tilespmem:v0+s16+$0x0], $0xffff  }
0xb5: {  	v43 =	vor.u32 v4, v31;
	v4 =	vor.u32 s6, v8;
	v0 =	vld [tilespmem:$0x1FEF0]  }
0xb6: {  	v42 =	vor.u32 v23, v63;
	v34 =	vshll.u32 v34, $0x7;
	v39 =	vor.u32 v4, v31  }
0xb7: {  	v1 =	vor.u32 s18, v7;
	v7 =	vshll.u32 v4, $0x7;
	v4 =	vor.u32 v23, v34;
	v63 =	vld.idx.msk [tilespmem:v38+s16+$0x0], $0xffff;
	_ =	sdelay $0x4  }
0xb8: {  	[tilespmem:v4+s23+$0x0] =	vst.idx.msk $0xffff, v63  }
0xb9: {  	v57 =	vor.u32 v1, v20;
	v1 =	vshll.u32 v1, $0x7;
	[tilespmem:v0+s23+$0x0] =	vst.idx.msk $0xffff, v56  }
0xba: {  	v61 =	vor.u32 v17, v1;
	v1 =	vld [tilespmem:$0x1FF00];
	_ =	sdelay $0x1  }
0xbb: {  	v9 =	vor.u32 s6, v9  }
0xbc: {  	v45 =	vor.u32 v23, v45;
	v51 =	vor.u32 v23, v5;
	v5 =	vor.u32 s20, v3;
	v52 =	vld.idx.msk [tilespmem:v52+s16+$0x0], $0xffff  }
0xbd: {  	v36 =	vor.u32 v9, v31;
	v58 =	vor.u32 s20, v13;
	v6 =	vor.u32 v5, v31  }
0xbe: {  	v35 =	vor.u32 v23, v7;
	v7 =	vshll.u32 v9, $0x7;
	v9 =	vor.u32 s6, v10  }
0xbf: {  	v60 =	vor.u32 s18, v8;
	v62 =	vld.idx.msk [tilespmem:v19+s16+$0x0], $0xffff;
	v34 =	vor.u32 v23, v7;
	v10 =	vshll.u32 v9, $0x7  }
0xc0: {  	v53 =	vor.u32 v23, v10;
	v59 =	vld.idx.msk [tilespmem:v57+s16+$0x0], $0xffff;
	v57 =	vor.u32 v9, v31;
	v0 =	vor.u32 s6, v14  }
0xc1: {  	v44 =	vshll.u32 v5, $0x7;
	v63 =	vor.u32 v60, v20;
	[tilespmem:v11+s23+$0x0] =	vst.idx.msk $0xffff, v52;
	v56 =	vld.idx.msk [tilespmem:v1+s16+$0x0], $0xffff;
	v1 =	vshll.u32 v0, $0x7  }
0xc2: {  	s8 =	simm.s32 $0x18;
	s5 =	simm.s32 $0x4;
	s6 =	simm.s32 $0x60;
	v52 =	vor.u32 v0, v31;
	v0 =	vld.idx.msk [tilespmem:v6+s16+$0x0], $0xffff;
	v38 =	vor.u32 v23, v1;
	v1 =	vor.u32 v23, v44  }
.LBB2_2:
0xc3: {  	v4 =	vld [tilespmem:$0x1FEB0]  }
0xc4: {  	v10 =	vld [tilespmem:$0x1FEC0];
	_ =	sdelay $0x4  }
0xc5: {  	v50 =	vld.idx.msk [tilespmem:v50+s16+$0x0], $0xffff  }
0xc6: {  	v15 =	vld [tilespmem:$0x1FFA0];
	[tilespmem:v26+s23+$0x0] =	vst.idx.msk $0xffff, v62  }
0xc7: {  	v3 =	vld.idx.msk [tilespmem:v28+s16+$0x0], $0xffff;
	[tilespmem:v4+s23+$0x0] =	vst.idx.msk $0xffff, v56  }
0xc8: {  	v2 =	vor.u32 v58, v31;
	v4 =	vld.idx.msk [tilespmem:v10+s16+$0x0], $0xffff  }
0xc9: {  	s10 =	sand.u32 $0x70, s8;
	v10 =	vld [tilespmem:$0x1FF50]  }
0xca: {  	s9 =	sand.u32 $0x20, s6;
	v60 =	vshll.u32 v60, $0x7;
	v26 =	vmov v55;
	v55 =	vor.u32 s10, v18  }
0xcb: {  	v11 =	vor.u32 s9, v18;
	v60 =	vor.u32 v17, v60;
	s10 =	sor.u32 $0x10, s9;
	[tilespmem:v61+s23+$0x0] =	vst.idx.msk $0xffff, v59;
	v28 =	vmovc v54;
	v54 =	vshll.u32 v55, $0x7  }
0xcc: {  	v9 =	vmovc v21;
	v59 =	vor.u32 s10, v18;
	v61 =	vld.idx.msk [tilespmem:v63+s16+$0x0], $0xffff;
	v18 =	vshll.u32 v11, $0x7;
	[tilespmem:v1+s23+$0x0] =	vst.idx.msk $0xffff, v0;
	v63 =	vor.u32 s18, v15  }
0xcd: {  	v21 =	vmovc v53;
	v53 =	vor.u32 v11, v54;
	v2 =	vld.idx.msk [tilespmem:v2+s16+$0x0], $0xffff;
	v11 =	vshll.u32 v58, $0x7;
	v56 =	vor.u32 v59, v54  }
0xce: {  	v13 =	vld [tilespmem:$0x1FF10];
	v0 =	vor.u32 v63, v20;
	[tilespmem:v48+s23+$0x0] =	vst.idx.msk $0xffff, v50;
	v48 =	vor.u32 v23, v11;
	v50 =	vor.u32 s20, v10  }
0xcf: {  	v14 =	vld [tilespmem:$0x1FFB0];
	[tilespmem:$0x1FEB0] =	vst v9;
	v9 =	vor.u32 v50, v31  }
0xd0: {  	v1 =	vor.u32 v55, v18;
	v18 =	vld [tilespmem:$0x1FF20]  }
0xd1: {  	v49 =	vld.idx.msk [tilespmem:v49+s16+$0x0], $0xffff  }
0xd2: {  	v44 =	vmov v57;
	v5 =	vmov v22;
	v8 =	vor.u32 s9, v12;
	v56 =	vld.idx.msk [tilespmem:v56+s16+$0x0], $0xffff;
	[tilespmem:v60+s23+$0x0] =	vst.idx.msk $0xffff, v61  }
0xd3: {  	v62 =	vshll.u32 v8, $0x7;
	v57 =	vor.u32 v8, v54;
	v8 =	vor.u32 s9, v13;
	v0 =	vld.idx.msk [tilespmem:v0+s16+$0x0], $0xffff;
	[tilespmem:v48+s23+$0x0] =	vst.idx.msk $0xffff, v2  }
0xd4: {  	v22 =	vmov v52;
	[tilespmem:$0x1FEC0] =	vst v5;
	v5 =	vor.u32 v8, v54;
	v52 =	vshll.u32 v8, $0x7;
	v8 =	vld.idx.msk [tilespmem:v9+s16+$0x0], $0xffff  }
0xd5: {  	v59 =	vshll.u32 v59, $0x7;
	[tilespmem:v27+s23+$0x0] =	vst.idx.msk $0xffff, v3;
	v9 =	vld [tilespmem:$0x1FED0]  }
0xd6: {  	v59 =	vor.u32 v55, v59;
	v11 =	vor.u32 s9, v18;
	v61 =	vld.idx.msk [tilespmem:v53+s16+$0x0], $0xffff  }
0xd7: {  	v7 =	vor.u32 v11, v54;
	v60 =	vor.u32 s10, v12;
	v53 =	vshll.u32 v11, $0x7;
	v11 =	vld [tilespmem:$0x1FF30]  }
0xd8: {  	v3 =	vshll.u32 v63, $0x7;
	v63 =	vor.u32 v60, v54;
	_ =	sdelay $0x2  }
0xd9: {  	v6 =	vor.u32 s18, v14;
	v27 =	vmovc v51;
	v51 =	vor.u32 v55, v52;
	v3 =	vor.u32 v17, v3  }
0xda: {  	v16 =	vld [tilespmem:$0x1FFE0];
	v2 =	vor.u32 v6, v20;
	v52 =	vor.u32 v55, v53;
	v19 =	vor.u32 s9, v11;
	[tilespmem:v59+s23+$0x0] =	vst.idx.msk $0xffff, v56  }
0xdb: {  	v50 =	vshll.u32 v50, $0x7;
	v53 =	vor.u32 v19, v54;
	v56 =	vld.idx.msk [tilespmem:v63+s16+$0x0], $0xffff;
	[tilespmem:v9+s23+$0x0] =	vst.idx.msk $0xffff, v4  }
0xdc: {  	v4 =	vor.u32 v23, v50;
	v9 =	vld [tilespmem:$0x1FF40];
	v50 =	vshll.u32 v19, $0x7;
	v19 =	vshll.u32 v60, $0x7;
	[tilespmem:v46+s23+$0x0] =	vst.idx.msk $0xffff, v49  }
0xdd: {  	v47 =	vld.idx.msk [tilespmem:v47+s16+$0x0], $0xffff  }
0xde: {  	v62 =	vor.u32 v55, v62;
	[tilespmem:v1+s23+$0x0] =	vst.idx.msk $0xffff, v61;
	v1 =	vor.u32 s10, v13;
	v13 =	vld [tilespmem:$0x1FFC0]  }
0xdf: {  	[tilespmem:v3+s23+$0x0] =	vst.idx.msk $0xffff, v0;
	v3 =	vshll.u32 v6, $0x7;
	v0 =	vor.u32 v55, v19;
	v6 =	vld.idx.msk [tilespmem:v57+s16+$0x0], $0xffff;
	v19 =	vmov v33;
	_ =	sdelay $0x1  }
0xe0: {  	v2 =	vld.idx.msk [tilespmem:v2+s16+$0x0], $0xffff;
	v46 =	vor.u32 s20, v9  }
0xe1: {  	v3 =	vor.u32 v17, v3;
	[tilespmem:$0x1FED0] =	vst v19;
	v49 =	vor.u32 v46, v31;
	v19 =	vmov v12;
	v12 =	vld [tilespmem:$0x1FFD0]  }
0xe2: {  	v48 =	vor.u32 s9, v16;
	v58 =	vor.u32 v55, v50;
	v57 =	vor.u32 v1, v54;
	[tilespmem:v45+s23+$0x0] =	vst.idx.msk $0xffff, v47;
	v45 =	vld [tilespmem:$0x1FF60]  }
0xe3: {  	v60 =	vshll.u32 v48, $0x7;
	v50 =	vor.u32 v48, v54;
	v59 =	vor.u32 s18, v13;
	v32 =	vld.idx.msk [tilespmem:v32+s16+$0x0], $0xffff;
	[tilespmem:v62+s23+$0x0] =	vst.idx.msk $0xffff, v6  }
0xe4: {  	v1 =	vshll.u32 v1, $0x7;
	[tilespmem:v4+s23+$0x0] =	vst.idx.msk $0xffff, v8;
	v61 =	vshll.u32 v46, $0x7;
	v4 =	vor.u32 v59, v20;
	v5 =	vld.idx.msk [tilespmem:v5+s16+$0x0], $0xffff  }
0xe5: {  	v48 =	vor.u32 v55, v60;
	v1 =	vor.u32 v55, v1;
	v33 =	vor.u32 v23, v61;
	v61 =	vld.idx.msk [tilespmem:v37+s16+$0x0], $0xffff  }
0xe6: {  	s18 =	smov.u32 s20;
	v20 =	vmov v31;
	v62 =	vshll.u32 v59, $0x7;
	v8 =	vld.idx.msk [tilespmem:v49+s16+$0x0], $0xffff;
	v31 =	vor.u32 s9, v12;
	[tilespmem:v0+s23+$0x0] =	vst.idx.msk $0xffff, v56  }
0xe7: {  	s20 =	smov.u32 s10;
	v60 =	vor.u32 s18, v45;
	v49 =	vor.u32 v31, v54;
	v31 =	vshll.u32 v31, $0x7;
	v56 =	vld.idx.msk [tilespmem:v57+s16+$0x0], $0xffff  }
0xe8: {  	[tilespmem:v3+s23+$0x0] =	vst.idx.msk $0xffff, v2;
	v2 =	vor.u32 s20, v18;
	v57 =	vor.u32 s9, v9;
	v59 =	vor.u32 s9, v45;
	v9 =	vld [tilespmem:$0x1FF80]  }
0xe9: {  	v0 =	vor.u32 v60, v20;
	v46 =	vor.u32 v55, v31;
	v31 =	vor.u32 s9, v10;
	v3 =	vld.idx.msk [tilespmem:v4+s16+$0x0], $0xffff  }
0xea: {  	v6 =	vor.u32 v2, v54;
	v4 =	vor.u32 v17, v62;
	v37 =	vor.u32 v57, v54;
	v62 =	vld [tilespmem:$0x1FF70]  }
0xeb: {  	v17 =	vmovc v23;
	v63 =	vshll.u32 v60, $0x7;
	v23 =	vmovc v55;
	v60 =	vshll.u32 v57, $0x7;
	[tilespmem:v30+s23+$0x0] =	vst.idx.msk $0xffff, v32;
	v2 =	vshll.u32 v2, $0x7  }
0xec: {  	v47 =	vor.u32 v31, v54;
	v10 =	vshll.u32 v31, $0x7;
	v30 =	vor.u32 v23, v60;
	[tilespmem:v51+s23+$0x0] =	vst.idx.msk $0xffff, v5  }
0xed: {  	v2 =	vor.u32 v23, v2;
	v45 =	vor.u32 v55, v10;
	v5 =	vld.idx.msk [tilespmem:v7+s16+$0x0], $0xffff;
	[tilespmem:v40+s23+$0x0] =	vst.idx.msk $0xffff, v61  }
0xee: {  	[tilespmem:v33+s23+$0x0] =	vst.idx.msk $0xffff, v8;
	v8 =	vor.u32 v17, v63;
	v31 =	vmov v54;
	v63 =	vshll.u32 v59, $0x7;
	v60 =	vld.idx.msk [tilespmem:v41+s16+$0x0], $0xffff  }
0xef: {  	v33 =	vor.u32 v59, v31;
	v32 =	vor.u32 s9, v9;
	v0 =	vld.idx.msk [tilespmem:v0+s16+$0x0], $0xffff;
	v57 =	vor.u32 s18, v62  }
0xf0: {  	[tilespmem:v1+s23+$0x0] =	vst.idx.msk $0xffff, v56;
	v10 =	vor.u32 s9, v62;
	v54 =	vor.u32 v32, v31;
	v1 =	vor.u32 v57, v20  }
0xf1: {  	v51 =	vshll.u32 v32, $0x7;
	v62 =	vor.u32 s9, v15;
	v6 =	vld.idx.msk [tilespmem:v6+s16+$0x0], $0xffff;
	[tilespmem:v4+s23+$0x0] =	vst.idx.msk $0xffff, v3;
	v3 =	vor.u32 v23, v63  }
0xf2: {  	v61 =	vld.idx.msk [tilespmem:v25+s16+$0x0], $0xffff;
	v25 =	vmovc v36;
	v4 =	vor.u32 s20, v11;
	v7 =	vor.u32 v10, v31;
	v51 =	vor.u32 v23, v51  }
0xf3: {  	v55 =	vshll.u32 v10, $0x7;
	v63 =	vld [tilespmem:$0x1FF90];
	v36 =	vor.u32 v62, v31;
	v56 =	vor.u32 v4, v31;
	[tilespmem:v52+s23+$0x0] =	vst.idx.msk $0xffff, v5  }
0xf4: {  	v40 =	vmovc v30;
	v11 =	vor.u32 s9, v13;
	v55 =	vor.u32 v23, v55;
	v4 =	vshll.u32 v4, $0x7;
	[tilespmem:v8+s23+$0x0] =	vst.idx.msk $0xffff, v0  }
0xf5: {  	v41 =	vmovc v33;
	v33 =	vmovc v38;
	v5 =	vshll.u32 v62, $0x7;
	v52 =	vor.u32 v11, v31;
	v0 =	vld.idx.msk [tilespmem:v1+s16+$0x0], $0xffff;
	v1 =	vshll.u32 v57, $0x7  }
0xf6: {  	v4 =	vor.u32 v23, v4;
	v8 =	vor.u32 s20, v16;
	[tilespmem:v2+s23+$0x0] =	vst.idx.msk $0xffff, v6;
	v1 =	vor.u32 v17, v1  }
0xf7: {  	v38 =	vor.u32 s9, v14;
	v57 =	vor.u32 s18, v9;
	v9 =	vld.idx.msk [tilespmem:v53+s16+$0x0], $0xffff;
	v10 =	vor.u32 v8, v31;
	[tilespmem:v42+s23+$0x0] =	vst.idx.msk $0xffff, v60  }
0xf8: {  	s5 =	sadd.s32 $0x2, s5;
	v59 =	vor.u32 s9, v63;
	v42 =	vmovc v3;
	v3 =	vor.u32 v23, v5;
	v2 =	vor.u32 v57, v20;
	v6 =	vld.idx.msk [tilespmem:v56+s16+$0x0], $0xffff  }
0xf9: {  	p2 =	slt.u32 s5, $0x1E;
	v30 =	vmovc v35;
	v32 =	vmovc v39;
	v60 =	vor.u32 s18, v63;
	v35 =	vshll.u32 v59, $0x7;
	v39 =	vor.u32 v59, v31;
	v62 =	vld.idx.msk [tilespmem:v43+s16+$0x0], $0xffff  }
.Ltmp0:
0xfa: {  	[tilespmem:v24+s23+$0x0] =	vst.idx.msk $0xffff, v61;
	v43 =	vmovc v7;
	v63 =	vor.u32 v60, v20;
	v24 =	vmov v34;
	v34 =	vmov v3;
	(pc) =	sbr.rel @p2 .LBB2_2-.Ltmp0, $4  }
0xfb: {  	v18 =	vlaneseq.u32;
	v35 =	vor.u32 v23, v35;
	v56 =	vld.idx.msk [tilespmem:v29+s16+$0x0], $0xffff;
	v29 =	vmovc v44;
	[tilespmem:v1+s23+$0x0] =	vst.idx.msk $0xffff, v0;
	v1 =	vshll.u32 v57, $0x7  }
0xfc: {  	[tilespmem:v58+s23+$0x0] =	vst.idx.msk $0xffff, v9;
	v58 =	vor.u32 s20, v12;
	v12 =	vmovc v19;
	v0 =	vshll.u32 v38, $0x7;
	v61 =	vor.u32 v17, v1  }
0xfd: {  	v59 =	vld.idx.msk [tilespmem:v2+s16+$0x0], $0xffff;
	v53 =	vor.u32 v23, v0;
	v0 =	vshll.u32 v11, $0x7;
	[tilespmem:v4+s23+$0x0] =	vst.idx.msk $0xffff, v6;
	v1 =	vshll.u32 v8, $0x7  }
0xfe: {  	s6 =	sadd.s32 $0x20, s6;
	s8 =	sadd.s32 $0x8, s8;
	v57 =	vor.u32 v38, v31;
	v38 =	vor.u32 v23, v0;
	v0 =	vld.idx.msk [tilespmem:v10+s16+$0x0], $0xffff;
	v1 =	vor.u32 v23, v1  }
0xff: {  	_ =	sdelay $0x3  }
0x100: {  	v2 =	vld.idx.msk [tilespmem:v50+s16+$0x0], $0xffff;
	v3 =	vor.u32 v58, v31;
	_ =	sdelay $0x3  }
0x101: {  	[tilespmem:v1+s23+$0x0] =	vst.idx.msk $0xffff, v0  }
0x102: {  	v0 =	vshll.u32 v58, $0x7;
	v1 =	vld.idx.msk [tilespmem:v3+s16+$0x0], $0xffff;
	[tilespmem:v48+s23+$0x0] =	vst.idx.msk $0xffff, v2  }
0x103: {  	v0 =	vor.u32 v23, v0;
	v15 =	vld [tilespmem:$0x1FF50]  }
0x104: {  	v3 =	vld.idx.msk [tilespmem:v49+s16+$0x0], $0xffff;
	_ =	sdelay $0x3  }
0x105: {  	[tilespmem:v0+s23+$0x0] =	vst.idx.msk $0xffff, v1  }
0x106: {  	v2 =	vor.u32 s20, v15;
	[tilespmem:v46+s23+$0x0] =	vst.idx.msk $0xffff, v3  }
0x107: {  	v4 =	vor.u32 v2, v31;
	v14 =	vld [tilespmem:$0x1FF40];
	_ =	sdelay $0x3  }
0x108: {  	v0 =	vshll.u32 v2, $0x7  }
0x109: {  	v0 =	vor.u32 v23, v0;
	v1 =	vld.idx.msk [tilespmem:v4+s16+$0x0], $0xffff;
	v2 =	vor.u32 s20, v14  }
0x10a: {  	v3 =	vld.idx.msk [tilespmem:v47+s16+$0x0], $0xffff;
	v44 =	vor.u32 v2, v31;
	_ =	sdelay $0x3  }
0x10b: {  	[tilespmem:v0+s23+$0x0] =	vst.idx.msk $0xffff, v1  }
0x10c: {  	[tilespmem:v45+s23+$0x0] =	vst.idx.msk $0xffff, v3;
	v0 =	vshll.u32 v2, $0x7;
	v1 =	vld.idx.msk [tilespmem:v44+s16+$0x0], $0xffff  }
0x10d: {  	v0 =	vor.u32 v23, v0;
	v46 =	vld [tilespmem:$0x1FF60];
	_ =	sdelay $0x4  }
0x10e: {  	v2 =	vor.u32 s20, v46;
	[tilespmem:v0+s23+$0x0] =	vst.idx.msk $0xffff, v1  }
0x10f: {  	v3 =	vor.u32 v2, v31;
	v58 =	vld [tilespmem:$0x1FF70];
	_ =	sdelay $0x2  }
0x110: {  	v45 =	vld.idx.msk [tilespmem:v37+s16+$0x0], $0xffff  }
0x111: {  	v0 =	vshll.u32 v2, $0x7  }
0x112: {  	v0 =	vor.u32 v23, v0;
	v1 =	vld.idx.msk [tilespmem:v3+s16+$0x0], $0xffff;
	v2 =	vor.u32 s20, v58  }
0x113: {  	v3 =	vor.u32 v2, v31;
	_ =	sdelay $0x1  }
0x114: {  	[tilespmem:v40+s23+$0x0] =	vst.idx.msk $0xffff, v45  }
0x115: {  	v4 =	vld.idx.msk [tilespmem:v41+s16+$0x0], $0xffff  }
0x116: {  	[tilespmem:v0+s23+$0x0] =	vst.idx.msk $0xffff, v1  }
0x117: {  	v0 =	vshll.u32 v2, $0x7;
	v1 =	vld.idx.msk [tilespmem:v3+s16+$0x0], $0xffff  }
0x118: {  	v0 =	vor.u32 v23, v0;
	v50 =	vld [tilespmem:$0x1FF80];
	_ =	sdelay $0x1  }
0x119: {  	[tilespmem:v42+s23+$0x0] =	vst.idx.msk $0xffff, v4  }
0x11a: {  	v4 =	vld.idx.msk [tilespmem:v43+s16+$0x0], $0xffff  }
0x11b: {  	[tilespmem:v26+s23+$0x0] =	vst.idx.msk $0xffff, v62  }
0x11c: {  	v2 =	vor.u32 s20, v50;
	[tilespmem:v0+s23+$0x0] =	vst.idx.msk $0xffff, v1  }
0x11d: {  	v3 =	vor.u32 v2, v31;
	v44 =	vld [tilespmem:$0x1FF90]  }
0x11e: {  	v5 =	vld.idx.msk [tilespmem:v28+s16+$0x0], $0xffff;
	[tilespmem:v61+s23+$0x0] =	vst.idx.msk $0xffff, v59  }
0x11f: {  	[tilespmem:v55+s23+$0x0] =	vst.idx.msk $0xffff, v4;
	v7 =	vld.idx.msk [tilespmem:v63+s16+$0x0], $0xffff  }
0x120: {  	v63 =	vld [tilespmem:$0x1FFA0]  }
0x121: {  	v0 =	vshll.u32 v2, $0x7;
	v4 =	vld.idx.msk [tilespmem:v54+s16+$0x0], $0xffff  }
0x122: {  	v0 =	vor.u32 v23, v0;
	v1 =	vld.idx.msk [tilespmem:v3+s16+$0x0], $0xffff;
	v2 =	vor.u32 s20, v44  }
0x123: {  	v6 =	vshll.u32 v60, $0x7;
	v3 =	vor.u32 v2, v31  }
0x124: {  	v6 =	vor.u32 v17, v6  }
0x125: {  	[tilespmem:v27+s23+$0x0] =	vst.idx.msk $0xffff, v5;
	v8 =	vor.u32 s18, v63  }
0x126: {  	v9 =	vld.idx.msk [tilespmem:v32+s16+$0x0], $0xffff;
	[tilespmem:v51+s23+$0x0] =	vst.idx.msk $0xffff, v4;
	v47 =	vor.u32 v8, v20  }
0x127: {  	v4 =	vld.idx.msk [tilespmem:v39+s16+$0x0], $0xffff;
	[tilespmem:v0+s23+$0x0] =	vst.idx.msk $0xffff, v1;
	v0 =	vshll.u32 v2, $0x7  }
0x128: {  	v2 =	vor.u32 s20, v63;
	v1 =	vld.idx.msk [tilespmem:v3+s16+$0x0], $0xffff;
	v0 =	vor.u32 v23, v0  }
0x129: {  	[tilespmem:v6+s23+$0x0] =	vst.idx.msk $0xffff, v7;
	v3 =	vor.u32 v2, v31  }
0x12a: {  	v48 =	vshll.u32 v8, $0x7;
	v60 =	vld [tilespmem:$0x1FFB0]  }
0x12b: {  	v6 =	vor.u32 v17, v48;
	[tilespmem:v30+s23+$0x0] =	vst.idx.msk $0xffff, v9;
	v5 =	vld.idx.msk [tilespmem:v47+s16+$0x0], $0xffff  }
0x12c: {  	v9 =	vld.idx.msk [tilespmem:v25+s16+$0x0], $0xffff;
	[tilespmem:v35+s23+$0x0] =	vst.idx.msk $0xffff, v4  }
0x12d: {  	v4 =	vld.idx.msk [tilespmem:v36+s16+$0x0], $0xffff;
	[tilespmem:v0+s23+$0x0] =	vst.idx.msk $0xffff, v1;
	v0 =	vshll.u32 v2, $0x7  }
0x12e: {  	v1 =	vld.idx.msk [tilespmem:v3+s16+$0x0], $0xffff;
	v0 =	vor.u32 v23, v0;
	_ =	sdelay $0x1  }
0x12f: {  	[tilespmem:v6+s23+$0x0] =	vst.idx.msk $0xffff, v5  }
0x130: {  	v59 =	vld [tilespmem:$0x1FFC0];
	[tilespmem:v24+s23+$0x0] =	vst.idx.msk $0xffff, v9  }
0x131: {  	[tilespmem:v34+s23+$0x0] =	vst.idx.msk $0xffff, v4  }
0x132: {  	v49 =	vor.u32 s18, v60;
	[tilespmem:v0+s23+$0x0] =	vst.idx.msk $0xffff, v1  }
0x133: {  	v51 =	vor.u32 v49, v20;
	v10 =	vld [tilespmem:$0x1FEB0]  }
0x134: {  	v2 =	vor.u32 s20, v60  }
0x135: {  	v3 =	vor.u32 v2, v31;
	_ =	sdelay $0x1  }
0x136: {  	v54 =	vshll.u32 v49, $0x7  }
0x137: {  	v5 =	vor.u32 v17, v54;
	v6 =	vld.idx.msk [tilespmem:v51+s16+$0x0], $0xffff;
	v55 =	vor.u32 s18, v59  }
0x138: {  	v9 =	vld.idx.msk [tilespmem:v29+s16+$0x0], $0xffff;
	v0 =	vshll.u32 v2, $0x7;
	v61 =	vor.u32 v55, v20  }
0x139: {  	v1 =	vld.idx.msk [tilespmem:v3+s16+$0x0], $0xffff;
	v0 =	vor.u32 v23, v0;
	v2 =	vor.u32 s20, v59  }
0x13a: {  	v4 =	vld.idx.msk [tilespmem:v57+s16+$0x0], $0xffff;
	v3 =	vor.u32 v2, v31;
	[tilespmem:v10+s23+$0x0] =	vst.idx.msk $0xffff, v56  }
0x13b: {  	v10 =	vld [tilespmem:$0x1FEC0]  }
0x13c: {  	[tilespmem:v5+s23+$0x0] =	vst.idx.msk $0xffff, v6  }
0x13d: {  	[tilespmem:v21+s23+$0x0] =	vst.idx.msk $0xffff, v9;
	v6 =	vld.idx.msk [tilespmem:v61+s16+$0x0], $0xffff  }
0x13e: {  	v62 =	vshll.u32 v55, $0x7;
	[tilespmem:v0+s23+$0x0] =	vst.idx.msk $0xffff, v1;
	v9 =	vld.idx.msk [tilespmem:v22+s16+$0x0], $0xffff  }
0x13f: {  	v5 =	vor.u32 v17, v62;
	[tilespmem:v53+s23+$0x0] =	vst.idx.msk $0xffff, v4;
	v1 =	vld.idx.msk [tilespmem:v3+s16+$0x0], $0xffff  }
0x140: {  	v0 =	vshll.u32 v2, $0x7;
	v3 =	vld [tilespmem:$0x1FED0]  }
0x141: {  	v0 =	vor.u32 v23, v0  }
0x142: {  	v2 =	vld.idx.msk [tilespmem:v52+s16+$0x0], $0xffff  }
0x143: {  	v10 =	vld.idx.msk [tilespmem:v10+s16+$0x0], $0xffff  }
0x144: {  	s5 =	simm.s32 $0x0;
	[tilespmem:v5+s23+$0x0] =	vst.idx.msk $0xffff, v6  }
0x145: {  	s6 =	sand.u32 $0x20, s5;
	s5 =	sand.u32 $0x70, s5;
	[tilespmem:v33+s23+$0x0] =	vst.idx.msk $0xffff, v9  }
0x146: {  	v34 =	vor.u32 s5, v18;
	s5 =	sor.u32 $0x10, s6;
	[tilespmem:v0+s23+$0x0] =	vst.idx.msk $0xffff, v1  }
0x147: {  	v35 =	vshll.u32 v34, $0x7;
	v0 =	vor.u32 s5, v18;
	[tilespmem:v38+s23+$0x0] =	vst.idx.msk $0xffff, v2  }
0x148: {  	v1 =	vor.u32 v0, v35;
	[tilespmem:v3+s23+$0x0] =	vst.idx.msk $0xffff, v10  }
0x149: {  	[hbm4b:s7+s24] =	stream.strided.scatter [tilespmem:s23], [sflag:$0x5], $0x2000, s25, s24, $0x38;
	[tilespmem:$0x16148] =	vst v63  }
0x14a: {  	_ =	swait.ge [sflag:s26], $0x4000  }
0x14b: {  	[sflag:s26] =	ssyncset.done $0x0  }
0x14c: {  	v2 =	vor.u32 s6, v18;
	v0 =	vshll.u32 v0, $0x7;
	[sflag:s26] =	ssyncadd.s32 $0xFFFFC000  }
0x14d: {  	v0 =	vor.u32 v34, v0;
	v3 =	vor.u32 v2, v35;
	v10 =	vor.u32 s5, v12;
	v1 =	vld.idx.msk [tilespmem:v1+s17+$0x0], $0xffff  }
0x14e: {  	v11 =	vor.u32 v10, v35;
	_ =	sdelay $0x3  }
0x14f: {  	v2 =	vshll.u32 v2, $0x7;
	v3 =	vld.idx.msk [tilespmem:v3+s17+$0x0], $0xffff;
	[tilespmem:v0+s28+$0x0] =	vst.idx.msk $0xffff, v1  }
0x150: {  	v2 =	vor.u32 v34, v2;
	v1 =	vld.idx.msk [tilespmem:v11+s17+$0x0], $0xffff  }
0x151: {  	v32 =	vor.u32 s6, v12;
	v0 =	vshll.u32 v10, $0x7;
	v11 =	vld [tilespmem:$0x1FF10]  }
0x152: {  	v33 =	vor.u32 v32, v35;
	v0 =	vor.u32 v34, v0;
	_ =	sdelay $0x2  }
0x153: {  	v6 =	vshll.u32 v32, $0x7;
	[tilespmem:v2+s28+$0x0] =	vst.idx.msk $0xffff, v3  }
0x154: {  	v2 =	vor.u32 v34, v6;
	v61 =	vld [tilespmem:$0x1FF20];
	v36 =	vor.u32 s5, v11  }
0x155: {  	v7 =	vld.idx.msk [tilespmem:v33+s17+$0x0], $0xffff;
	v38 =	vor.u32 s6, v11;
	[tilespmem:v0+s28+$0x0] =	vst.idx.msk $0xffff, v1;
	v37 =	vor.u32 v36, v35  }
0x156: {  	v8 =	vor.u32 v38, v35;
	v62 =	vld [tilespmem:$0x1FF30]  }
0x157: {  	v51 =	vor.u32 s6, v58;
	v21 =	vor.u32 s6, v46;
	v12 =	vld [tilespmem:$0x1FFE0]  }
0x158: {  	v57 =	vor.u32 s6, v50;
	v55 =	vor.u32 v51, v35;
	v25 =	vor.u32 v21, v35  }
0x159: {  	v32 =	vor.u32 s6, v44;
	v3 =	vshll.u32 v38, $0x7;
	v0 =	vshll.u32 v36, $0x7  }
0x15a: {  	v39 =	vor.u32 s6, v61;
	v42 =	vor.u32 s5, v61;
	[tilespmem:v2+s28+$0x0] =	vst.idx.msk $0xffff, v7;
	v0 =	vor.u32 v34, v0;
	v41 =	vld.idx.msk [tilespmem:v37+s17+$0x0], $0xffff  }
0x15b: {  	v3 =	vor.u32 v34, v3;
	v17 =	vor.u32 v42, v35;
	v1 =	vor.u32 s6, v62;
	v8 =	vld.idx.msk [tilespmem:v8+s17+$0x0], $0xffff  }
0x15c: {  	v6 =	vor.u32 v39, v35;
	v43 =	vor.u32 s6, v12;
	v16 =	vshll.u32 v1, $0x7  }
0x15d: {  	v38 =	vor.u32 v32, v35;
	v18 =	vor.u32 v34, v16;
	v16 =	vshll.u32 v43, $0x7  }
0x15e: {  	v40 =	vshll.u32 v39, $0x7;
	v7 =	vor.u32 v34, v16;
	v16 =	vor.u32 s6, v15  }
0x15f: {  	v13 =	vld [tilespmem:$0x1FFD0];
	v9 =	vor.u32 v34, v40;
	v29 =	vor.u32 v16, v35;
	[tilespmem:v0+s28+$0x0] =	vst.idx.msk $0xffff, v41;
	v0 =	vshll.u32 v42, $0x7  }
0x160: {  	v47 =	vshll.u32 v16, $0x7;
	v16 =	vor.u32 s5, v62;
	[tilespmem:v3+s28+$0x0] =	vst.idx.msk $0xffff, v8;
	v48 =	vld.idx.msk [tilespmem:v17+s17+$0x0], $0xffff;
	v0 =	vor.u32 v34, v0  }
0x161: {  	v40 =	vor.u32 v57, v35;
	v20 =	vor.u32 v16, v35;
	v3 =	vshll.u32 v21, $0x7;
	v6 =	vld.idx.msk [tilespmem:v6+s17+$0x0], $0xffff  }
0x162: {  	v1 =	vor.u32 v1, v35;
	v22 =	vor.u32 v34, v3;
	v3 =	vshll.u32 v51, $0x7  }
0x163: {  	v2 =	vor.u32 v43, v35;
	v23 =	vor.u32 v34, v3;
	v3 =	vshll.u32 v57, $0x7  }
0x164: {  	v17 =	vor.u32 s6, v14;
	v39 =	vor.u32 v34, v3;
	v3 =	vshll.u32 v32, $0x7  }
0x165: {  	v26 =	vor.u32 v17, v35;
	v3 =	vor.u32 v34, v3;
	[tilespmem:v0+s28+$0x0] =	vst.idx.msk $0xffff, v48;
	v0 =	vshll.u32 v16, $0x7  }
0x166: {  	v45 =	vor.u32 s6, v13;
	v16 =	vor.u32 s5, v12;
	[tilespmem:v9+s28+$0x0] =	vst.idx.msk $0xffff, v6;
	v33 =	vld.idx.msk [tilespmem:v20+s17+$0x0], $0xffff;
	v0 =	vor.u32 v34, v0  }
0x167: {  	v49 =	vshll.u32 v17, $0x7;
	v17 =	vor.u32 v16, v35;
	[tilespmem:$0x1FE60] =	vst v3;
	v3 =	vor.u32 s6, v63  }
0x168: {  	v28 =	vor.u32 v45, v35;
	v43 =	vor.u32 v3, v35;
	v3 =	vshll.u32 v3, $0x7  }
0x169: {  	v10 =	vshll.u32 v45, $0x7;
	v45 =	vor.u32 s6, v60;
	v1 =	vld.idx.msk [tilespmem:v1+s17+$0x0], $0xffff;
	[tilespmem:$0x1FE70] =	vst v43;
	v3 =	vor.u32 v34, v3  }
0x16a: {  	v10 =	vor.u32 v34, v10;
	v27 =	vor.u32 v34, v47;
	v47 =	vor.u32 s6, v59;
	[tilespmem:$0x1FE90] =	vst v3  }
0x16b: {  	s9 =	simm.s32 $0x20;
	v4 =	vor.u32 v45, v35;
	v51 =	vshll.u32 v47, $0x7;
	v5 =	vor.u32 v47, v35;
	[tilespmem:v0+s28+$0x0] =	vst.idx.msk $0xffff, v33  }
0x16c: {  	v57 =	vor.u32 s5, v15;
	v24 =	vor.u32 v34, v49;
	v49 =	vor.u32 s5, v13;
	s6 =	sand.u32 $0x20, s9;
	v48 =	vld.idx.msk [tilespmem:v17+s17+$0x0], $0xffff;
	[tilespmem:$0x1FEA0] =	vst v4  }
0x16d: {  	s8 =	simm.s32 $0x8;
	v36 =	vor.u32 v57, v35;
	v53 =	vor.u32 s6, v19;
	v3 =	vshll.u32 v45, $0x7;
	[tilespmem:$0x1FE40] =	vst v5  }
0x16e: {  	s8 =	sand.u32 $0x70, s8;
	v0 =	vshll.u32 v16, $0x7;
	[tilespmem:v18+s28+$0x0] =	vst.idx.msk $0xffff, v1;
	v18 =	vlaneseq.u32;
	v1 =	vor.u32 v34, v51  }
0x16f: {  	s18 =	sor.u32 $0x10, s6;
	v16 =	vor.u32 v34, v3;
	v0 =	vor.u32 v34, v0;
	v17 =	vor.u32 s8, v18;
	[tilespmem:$0x1FE80] =	vst v1  }
0x170: {  	v3 =	vor.u32 v49, v35;
	v1 =	vld.idx.msk [tilespmem:v2+s17+$0x0], $0xffff;
	v20 =	vshll.u32 v17, $0x7;
	v2 =	vor.u32 s18, v18  }
0x171: {  	v56 =	vshll.u32 v53, $0x7;
	v37 =	vor.u32 s18, v19;
	v54 =	vor.u32 v2, v20  }
0x172: {  	v32 =	vshll.u32 v37, $0x7;
	v51 =	vor.u32 s5, v14;
	v52 =	vor.u32 s6, v18  }
0x173: {  	v41 =	vshll.u32 v51, $0x7;
	v4 =	vshll.u32 v52, $0x7;
	v30 =	vor.u32 v52, v20  }
0x174: {  	v6 =	vor.u32 v17, v56;
	v32 =	vor.u32 v17, v32;
	[tilespmem:v0+s28+$0x0] =	vst.idx.msk $0xffff, v48;
	v0 =	vshll.u32 v49, $0x7  }
0x175: {  	v56 =	vor.u32 s18, v11;
	v2 =	vshll.u32 v2, $0x7;
	v3 =	vld.idx.msk [tilespmem:v3+s17+$0x0], $0xffff;
	v0 =	vor.u32 v34, v0  }
0x176: {  	v4 =	vor.u32 v17, v4;
	v2 =	vor.u32 v17, v2;
	[tilespmem:v7+s28+$0x0] =	vst.idx.msk $0xffff, v1;
	v9 =	vld.idx.msk [tilespmem:v54+s17+$0x0], $0xffff  }
0x177: {  	v5 =	vor.u32 v53, v20;
	v52 =	vor.u32 s6, v62;
	v53 =	vor.u32 s6, v12;
	v28 =	vld.idx.msk [tilespmem:v28+s17+$0x0], $0xffff  }
0x178: {  	v48 =	vor.u32 v37, v20;
	v49 =	vor.u32 s6, v61;
	v1 =	vor.u32 s6, v11;
	v30 =	vld.idx.msk [tilespmem:v30+s17+$0x0], $0xffff  }
0x179: {  	v47 =	vor.u32 v53, v20;
	v31 =	vor.u32 v1, v20;
	v1 =	vshll.u32 v1, $0x7  }
0x17a: {  	v37 =	vor.u32 s5, v46;
	v8 =	vor.u32 v49, v20;
	v1 =	vor.u32 v17, v1;
	[tilespmem:v0+s28+$0x0] =	vst.idx.msk $0xffff, v3  }
0x17b: {  	v0 =	vshll.u32 v49, $0x7;
	v3 =	vshll.u32 v57, $0x7;
	v57 =	vor.u32 v56, v20;
	[tilespmem:v2+s28+$0x0] =	vst.idx.msk $0xffff, v9  }
0x17c: {  	v0 =	vor.u32 v17, v0;
	v3 =	vor.u32 v34, v3;
	v7 =	vld.idx.msk [tilespmem:v36+s17+$0x0], $0xffff;
	[tilespmem:v10+s28+$0x0] =	vst.idx.msk $0xffff, v28  }
0x17d: {  	v54 =	vshll.u32 v52, $0x7;
	v36 =	vor.u32 s6, v13;
	v2 =	vor.u32 v51, v35;
	[tilespmem:v4+s28+$0x0] =	vst.idx.msk $0xffff, v30;
	v28 =	vld.idx.msk [tilespmem:v48+s17+$0x0], $0xffff  }
0x17e: {  	v49 =	vor.u32 v36, v20;
	v9 =	vor.u32 v52, v20;
	v10 =	vor.u32 v17, v54;
	v5 =	vld.idx.msk [tilespmem:v5+s17+$0x0], $0xffff  }
0x17f: {  	v30 =	vshll.u32 v53, $0x7;
	v52 =	vshll.u32 v56, $0x7;
	v53 =	vor.u32 s6, v15;
	v29 =	vld.idx.msk [tilespmem:v29+s17+$0x0], $0xffff  }
0x180: {  	v21 =	vmovc v46;
	v54 =	vor.u32 s18, v61;
	v45 =	vor.u32 v53, v20;
	v56 =	vshll.u32 v53, $0x7  }
0x181: {  	v43 =	vor.u32 v17, v56;
	[tilespmem:v3+s28+$0x0] =	vst.idx.msk $0xffff, v7;
	v3 =	vor.u32 v17, v30;
	v7 =	vshll.u32 v36, $0x7  }
0x182: {  	v30 =	vor.u32 v34, v41;
	v46 =	vor.u32 v17, v7;
	v2 =	vld.idx.msk [tilespmem:v2+s17+$0x0], $0xffff;
	[tilespmem:v32+s28+$0x0] =	vst.idx.msk $0xffff, v28  }
0x183: {  	v7 =	vor.u32 v17, v52;
	v28 =	vor.u32 v37, v35;
	[tilespmem:v6+s28+$0x0] =	vst.idx.msk $0xffff, v5;
	v4 =	vld.idx.msk [tilespmem:v57+s17+$0x0], $0xffff  }
0x184: {  	v56 =	vor.u32 s5, v50;
	v5 =	vor.u32 v54, v20;
	[tilespmem:v27+s28+$0x0] =	vst.idx.msk $0xffff, v29;
	v29 =	vor.u32 s6, v14;
	v27 =	vld.idx.msk [tilespmem:v31+s17+$0x0], $0xffff  }
0x185: {  	v31 =	vor.u32 s6, v21;
	v6 =	vld.idx.msk [tilespmem:v26+s17+$0x0], $0xffff;
	v41 =	vor.u32 v29, v20;
	v29 =	vshll.u32 v29, $0x7  }
0x186: {  	v26 =	vshll.u32 v37, $0x7;
	v51 =	vor.u32 v17, v29;
	v29 =	vor.u32 s6, v58  }
0x187: {  	v57 =	vshll.u32 v54, $0x7;
	v54 =	vor.u32 v31, v20;
	v52 =	vor.u32 v29, v20;
	[tilespmem:v30+s28+$0x0] =	vst.idx.msk $0xffff, v2  }
0x188: {  	v2 =	vor.u32 v34, v26;
	v30 =	vor.u32 s5, v58;
	v26 =	vshll.u32 v31, $0x7;
	v28 =	vld.idx.msk [tilespmem:v28+s17+$0x0], $0xffff;
	[tilespmem:v7+s28+$0x0] =	vst.idx.msk $0xffff, v4  }
0x189: {  	v4 =	vor.u32 v30, v35;
	v7 =	vor.u32 v17, v57;
	[tilespmem:v1+s28+$0x0] =	vst.idx.msk $0xffff, v27;
	v5 =	vld.idx.msk [tilespmem:v5+s17+$0x0], $0xffff  }
0x18a: {  	v36 =	vmovc v58;
	v58 =	vshll.u32 v29, $0x7;
	v29 =	vor.u32 s6, v44;
	v1 =	vor.u32 s18, v62;
	[tilespmem:v24+s28+$0x0] =	vst.idx.msk $0xffff, v6;
	v8 =	vld.idx.msk [tilespmem:v8+s17+$0x0], $0xffff  }
0x18b: {  	v53 =	vor.u32 v17, v26;
	v26 =	vor.u32 v17, v58;
	v31 =	vor.u32 v1, v20;
	v37 =	vld.idx.msk [tilespmem:v25+s17+$0x0], $0xffff  }
0x18c: {  	v48 =	vshll.u32 v30, $0x7;
	v32 =	vor.u32 v29, v20;
	v24 =	vor.u32 s6, v50  }
0x18d: {  	v6 =	vor.u32 v34, v48;
	v57 =	vor.u32 v56, v35;
	[tilespmem:v2+s28+$0x0] =	vst.idx.msk $0xffff, v28;
	v2 =	vshll.u32 v24, $0x7  }
0x18e: {  	v1 =	vshll.u32 v1, $0x7;
	v4 =	vld.idx.msk [tilespmem:v4+s17+$0x0], $0xffff;
	v27 =	vor.u32 v17, v2;
	v2 =	vshll.u32 v29, $0x7;
	[tilespmem:v7+s28+$0x0] =	vst.idx.msk $0xffff, v5  }
0x18f: {  	v1 =	vor.u32 v17, v1;
	v30 =	vor.u32 v17, v2;
	[tilespmem:v0+s28+$0x0] =	vst.idx.msk $0xffff, v8  }
0x190: {  	v0 =	vor.u32 s6, v63;
	v2 =	vor.u32 s18, v12;
	[tilespmem:v22+s28+$0x0] =	vst.idx.msk $0xffff, v37;
	v22 =	vor.u32 s6, v60;
	v7 =	vld.idx.msk [tilespmem:v31+s17+$0x0], $0xffff  }
0x191: {  	v25 =	vor.u32 v0, v20;
	v58 =	vor.u32 v2, v20;
	v0 =	vshll.u32 v0, $0x7  }
0x192: {  	v28 =	vor.u32 v24, v20;
	v9 =	vld.idx.msk [tilespmem:v9+s17+$0x0], $0xffff;
	v24 =	vor.u32 v17, v0;
	v0 =	vshll.u32 v22, $0x7  }
0x193: {  	v31 =	vor.u32 s6, v59;
	v37 =	vld.idx.msk [tilespmem:v55+s17+$0x0], $0xffff;
	v55 =	vshll.u32 v56, $0x7;
	v0 =	vor.u32 v17, v0;
	[tilespmem:v6+s28+$0x0] =	vst.idx.msk $0xffff, v4  }
0x194: {  	v56 =	vor.u32 s5, v44;
	v4 =	vor.u32 v34, v55;
	v5 =	vld.idx.msk [tilespmem:v57+s17+$0x0], $0xffff;
	[tilespmem:$0x1FE50] =	vst v0;
	v0 =	vshll.u32 v31, $0x7  }
0x195: {  	v57 =	vor.u32 v56, v35;
	[tilespmem:v1+s28+$0x0] =	vst.idx.msk $0xffff, v7;
	v33 =	vor.u32 v17, v0;
	v0 =	vshll.u32 v2, $0x7  }
0x196: {  	s10 =	simm.s32 $0x40;
	s20 =	simm.s32 $0x10;
	v29 =	vor.u32 v22, v20;
	v2 =	vor.u32 s18, v13;
	v1 =	vld.idx.msk [tilespmem:v58+s17+$0x0], $0xffff;
	v0 =	vor.u32 v17, v0  }
0x197: {  	s8 =	sand.u32 $0x70, s20;
	s6 =	sand.u32 $0x20, s10;
	v22 =	vor.u32 v31, v20;
	[tilespmem:v10+s28+$0x0] =	vst.idx.msk $0xffff, v9;
	v58 =	vor.u32 v2, v20  }
0x198: {  	s20 =	sor.u32 $0x10, s6;
	v55 =	vshll.u32 v56, $0x7;
	v6 =	vor.u32 s18, v15;
	[tilespmem:v23+s28+$0x0] =	vst.idx.msk $0xffff, v37;
	v23 =	vor.u32 s8, v18;
	v7 =	vld.idx.msk [tilespmem:v47+s17+$0x0], $0xffff  }
0x199: {  	v56 =	vor.u32 s6, v19;
	v31 =	vshll.u32 v23, $0x7;
	v40 =	vld.idx.msk [tilespmem:v40+s17+$0x0], $0xffff;
	[tilespmem:v4+s28+$0x0] =	vst.idx.msk $0xffff, v5;
	v4 =	vor.u32 s20, v18  }
0x19a: {  	v5 =	vor.u32 v34, v55;
	v10 =	vld.idx.msk [tilespmem:v57+s17+$0x0], $0xffff;
	v47 =	vor.u32 v4, v31;
	v57 =	vor.u32 s5, v63  }
0x19b: {  	v37 =	vor.u32 s6, v18;
	v2 =	vshll.u32 v2, $0x7;
	[tilespmem:v0+s28+$0x0] =	vst.idx.msk $0xffff, v1;
	v0 =	vor.u32 v57, v35  }
0x19c: {  	v42 =	vmovc v50;
	v9 =	vshll.u32 v37, $0x7;
	v50 =	vor.u32 v37, v31;
	v2 =	vor.u32 v17, v2;
	v8 =	vld.idx.msk [tilespmem:v58+s17+$0x0], $0xffff  }
0x19d: {  	v55 =	vor.u32 v6, v20;
	v4 =	vshll.u32 v4, $0x7;
	v1 =	vor.u32 v23, v9;
	[tilespmem:v3+s28+$0x0] =	vst.idx.msk $0xffff, v7  }
0x19e: {  	v37 =	vor.u32 s6, v11;
	v4 =	vor.u32 v23, v4;
	v57 =	vshll.u32 v57, $0x7;
	[tilespmem:v39+s28+$0x0] =	vst.idx.msk $0xffff, v40;
	v9 =	vld.idx.msk [tilespmem:v49+s17+$0x0], $0xffff  }
0x19f: {  	v58 =	vshll.u32 v56, $0x7;
	v49 =	vor.u32 s20, v19;
	v39 =	vor.u32 v34, v57;
	[tilespmem:v5+s28+$0x0] =	vst.idx.msk $0xffff, v10;
	v10 =	vld.idx.msk [tilespmem:v47+s17+$0x0], $0xffff  }
0x1a0: {  	v7 =	vor.u32 v23, v58;
	v40 =	vor.u32 v49, v31;
	v47 =	vor.u32 s5, v60;
	v0 =	vld.idx.msk [tilespmem:v0+s17+$0x0], $0xffff  }
0x1a1: {  	v6 =	vshll.u32 v6, $0x7;
	v58 =	vshll.u32 v37, $0x7;
	v48 =	vor.u32 v47, v35;
	[tilespmem:v2+s28+$0x0] =	vst.idx.msk $0xffff, v8;
	v2 =	vld.idx.msk [tilespmem:v50+s17+$0x0], $0xffff  }
0x1a2: {  	v6 =	vor.u32 v17, v6;
	v3 =	vor.u32 v56, v31;
	v56 =	vor.u32 v23, v58  }
0x1a3: {  	v5 =	vor.u32 v37, v31;
	v37 =	vor.u32 s6, v61;
	v47 =	vshll.u32 v47, $0x7;
	[tilespmem:v46+s28+$0x0] =	vst.idx.msk $0xffff, v9;
	v46 =	vld.idx.msk [tilespmem:v55+s17+$0x0], $0xffff  }
0x1a4: {  	v9 =	vor.u32 v37, v31;
	v50 =	vshll.u32 v49, $0x7;
	v55 =	vor.u32 s18, v14;
	v45 =	vld.idx.msk [tilespmem:v45+s17+$0x0], $0xffff;
	[tilespmem:v4+s28+$0x0] =	vst.idx.msk $0xffff, v10  }
0x1a5: {  	[tilespmem:v39+s28+$0x0] =	vst.idx.msk $0xffff, v0;
	v0 =	vor.u32 v55, v20;
	v40 =	vld.idx.msk [tilespmem:v40+s17+$0x0], $0xffff;
	v39 =	vor.u32 v23, v50  }
0x1a6: {  	v47 =	vor.u32 v34, v47;
	[tilespmem:v1+s28+$0x0] =	vst.idx.msk $0xffff, v2;
	v1 =	vor.u32 s20, v11;
	v2 =	vld.idx.msk [tilespmem:v48+s17+$0x0], $0xffff  }
0x1a7: {  	v8 =	vshll.u32 v37, $0x7;
	v10 =	vor.u32 s6, v12;
	v58 =	vor.u32 v1, v31;
	v3 =	vld.idx.msk [tilespmem:v3+s17+$0x0], $0xffff  }
0x1a8: {  	v38 =	vld.idx.msk [tilespmem:v38+s17+$0x0], $0xffff;
	v37 =	vshll.u32 v10, $0x7;
	v50 =	vor.u32 v10, v31;
	[tilespmem:v6+s28+$0x0] =	vst.idx.msk $0xffff, v46;
	v6 =	vor.u32 s5, v59  }
0x1a9: {  	v48 =	vor.u32 v23, v37;
	v37 =	vshll.u32 v55, $0x7;
	[tilespmem:v43+s28+$0x0] =	vst.idx.msk $0xffff, v45;
	v35 =	vor.u32 v6, v35  }
0x1aa: {  	v10 =	vor.u32 v17, v37;
	v1 =	vshll.u32 v1, $0x7;
	v6 =	vshll.u32 v6, $0x7;
	v0 =	vld.idx.msk [tilespmem:v0+s17+$0x0], $0xffff;
	[tilespmem:v39+s28+$0x0] =	vst.idx.msk $0xffff, v40  }
0x1ab: {  	v1 =	vor.u32 v23, v1;
	v6 =	vor.u32 v34, v6;
	v39 =	vor.u32 s18, v21;
	[tilespmem:v47+s28+$0x0] =	vst.idx.msk $0xffff, v2  }
0x1ac: {  	v55 =	vor.u32 s6, v15;
	v2 =	vor.u32 v39, v20;
	v40 =	vld.idx.msk [tilespmem:v58+s17+$0x0], $0xffff;
	[tilespmem:v7+s28+$0x0] =	vst.idx.msk $0xffff, v3;
	v3 =	vor.u32 s20, v61  }
0x1ad: {  	v47 =	vor.u32 v55, v31;
	v58 =	vshll.u32 v55, $0x7;
	v55 =	vld.idx.msk [tilespmem:v41+s17+$0x0], $0xffff;
	v34 =	vor.u32 v3, v31  }
0x1ae: {  	v7 =	vld.idx.msk [tilespmem:v35+s17+$0x0], $0xffff  }
0x1af: {  	v5 =	vld.idx.msk [tilespmem:v5+s17+$0x0], $0xffff;
	[tilespmem:v10+s28+$0x0] =	vst.idx.msk $0xffff, v0  }
0x1b0: {  	v43 =	vshll.u32 v39, $0x7;
	v3 =	vshll.u32 v3, $0x7;
	v0 =	vor.u32 s6, v14;
	v14 =	vld [tilespmem:$0x1FE60]  }
0x1b1: {  	v35 =	vor.u32 v17, v43;
	v3 =	vor.u32 v23, v3;
	v2 =	vld.idx.msk [tilespmem:v2+s17+$0x0], $0xffff;
	[tilespmem:v1+s28+$0x0] =	vst.idx.msk $0xffff, v40  }
0x1b2: {  	v37 =	vor.u32 v0, v31;
	v0 =	vshll.u32 v0, $0x7;
	v1 =	vor.u32 s18, v36;
	v10 =	vld.idx.msk [tilespmem:v34+s17+$0x0], $0xffff  }
0x1b3: {  	v45 =	vor.u32 s6, v13;
	v39 =	vor.u32 v23, v0;
	[tilespmem:v51+s28+$0x0] =	vst.idx.msk $0xffff, v55;
	v0 =	vor.u32 v1, v20  }
0x1b4: {  	v8 =	vor.u32 v23, v8;
	v49 =	vor.u32 v45, v31;
	[tilespmem:v6+s28+$0x0] =	vst.idx.msk $0xffff, v7  }
0x1b5: {  	v46 =	vshll.u32 v45, $0x7;
	v61 =	vor.u32 s6, v21;
	v45 =	vor.u32 v23, v58;
	[tilespmem:v56+s28+$0x0] =	vst.idx.msk $0xffff, v5  }
0x1b6: {  	v58 =	vshll.u32 v61, $0x7;
	v40 =	vor.u32 v61, v31;
	v61 =	vor.u32 s6, v36;
	v36 =	vld.idx.msk [tilespmem:v9+s17+$0x0], $0xffff;
	[tilespmem:v35+s28+$0x0] =	vst.idx.msk $0xffff, v2  }
0x1b7: {  	v4 =	vor.u32 s6, v62;
	v5 =	vor.u32 s20, v62;
	v62 =	vld.idx.msk [tilespmem:v54+s17+$0x0], $0xffff;
	v1 =	vshll.u32 v1, $0x7;
	[tilespmem:v3+s28+$0x0] =	vst.idx.msk $0xffff, v10  }
0x1b8: {  	v1 =	vor.u32 v17, v1;
	v0 =	vld.idx.msk [tilespmem:v0+s17+$0x0], $0xffff;
	[tilespmem:v14+s28+$0x0] =	vst.idx.msk $0xffff, v38  }
0x1b9: {  	v10 =	vld [tilespmem:$0x1FE70];
	_ =	sdelay $0x1  }
0x1ba: {  	v9 =	vor.u32 v5, v31;
	[tilespmem:v8+s28+$0x0] =	vst.idx.msk $0xffff, v36  }
0x1bb: {  	v43 =	vor.u32 v61, v31;
	v7 =	vshll.u32 v61, $0x7;
	[tilespmem:v53+s28+$0x0] =	vst.idx.msk $0xffff, v62  }
0x1bc: {  	v61 =	vor.u32 s6, v42;
	v2 =	vor.u32 s6, v44;
	v8 =	vor.u32 s20, v12;
	v12 =	vmovc v19;
	v19 =	vld [tilespmem:$0x1FE80];
	[tilespmem:v1+s28+$0x0] =	vst.idx.msk $0xffff, v0  }
0x1bd: {  	v3 =	vor.u32 s18, v42;
	v42 =	vshll.u32 v2, $0x7;
	v38 =	vshll.u32 v61, $0x7;
	v14 =	vld [tilespmem:$0x1FE90]  }
0x1be: {  	v51 =	vor.u32 v23, v38;
	v38 =	vor.u32 v2, v31;
	v2 =	vshll.u32 v5, $0x7  }
0x1bf: {  	v5 =	vld.idx.msk [tilespmem:v9+s17+$0x0], $0xffff;
	v2 =	vor.u32 v23, v2  }
0x1c0: {  	v10 =	vld.idx.msk [tilespmem:v10+s17+$0x0], $0xffff;
	_ =	sdelay $0x2  }
0x1c1: {  	v35 =	vor.u32 v23, v42;
	v42 =	vor.u32 s6, v63  }
0x1c2: {  	v1 =	vshll.u32 v42, $0x7;
	[tilespmem:v2+s28+$0x0] =	vst.idx.msk $0xffff, v5  }
0x1c3: {  	v57 =	vor.u32 v4, v31;
	v34 =	vor.u32 v23, v1;
	v1 =	vshll.u32 v3, $0x7;
	[tilespmem:v14+s28+$0x0] =	vst.idx.msk $0xffff, v10  }
0x1c4: {  	v54 =	vor.u32 v61, v31;
	v61 =	vor.u32 v17, v1;
	v1 =	vld [tilespmem:$0x1FEA0];
	_ =	sdelay $0x1  }
0x1c5: {  	v4 =	vshll.u32 v4, $0x7;
	v41 =	vor.u32 v23, v58;
	v58 =	vor.u32 v3, v20  }
0x1c6: {  	v4 =	vor.u32 v23, v4  }
0x1c7: {  	v46 =	vor.u32 v23, v46;
	v55 =	vor.u32 v23, v7;
	v9 =	vld.idx.msk [tilespmem:v57+s17+$0x0], $0xffff;
	v0 =	vor.u32 v8, v31  }
0x1c8: {  	v36 =	vor.u32 v42, v31;
	v53 =	vor.u32 s6, v60;
	v60 =	vor.u32 s18, v44  }
0x1c9: {  	v62 =	vld.idx.msk [tilespmem:v52+s17+$0x0], $0xffff;
	v57 =	vor.u32 v53, v31;
	v63 =	vor.u32 v60, v20;
	v42 =	vor.u32 s6, v59  }
0x1ca: {  	v3 =	vshll.u32 v53, $0x7;
	v59 =	vld.idx.msk [tilespmem:v58+s17+$0x0], $0xffff;
	v52 =	vor.u32 v42, v31;
	v58 =	vor.u32 s20, v13  }
0x1cb: {  	v13 =	vmovc v11;
	v53 =	vor.u32 v23, v3;
	v2 =	vshll.u32 v8, $0x7;
	v56 =	vld.idx.msk [tilespmem:v1+s17+$0x0], $0xffff;
	v1 =	vshll.u32 v42, $0x7  }
0x1cc: {  	s8 =	simm.s32 $0x18;
	s5 =	simm.s32 $0x4;
	s6 =	simm.s32 $0x60;
	v0 =	vld.idx.msk [tilespmem:v0+s17+$0x0], $0xffff;
	[tilespmem:v4+s28+$0x0] =	vst.idx.msk $0xffff, v9;
	v42 =	vor.u32 v23, v1;
	v1 =	vor.u32 v23, v2  }
.LBB2_4:
0x1cd: {  	v2 =	vld.idx.msk [tilespmem:v50+s17+$0x0], $0xffff  }
0x1ce: {  	v11 =	vld [tilespmem:$0x1FE40]  }
0x1cf: {  	v10 =	vld [tilespmem:$0x1FE50];
	v14 =	vmov v53  }
0x1d0: {  	v15 =	vld [tilespmem:$0x1FFA0];
	[tilespmem:$0x1FE50] =	vst v14  }
0x1d1: {  	v14 =	vld [tilespmem:$0x1FFB0];
	[tilespmem:v26+s28+$0x0] =	vst.idx.msk $0xffff, v62  }
0x1d2: {  	s9 =	sand.u32 $0x20, s6;
	s10 =	sand.u32 $0x70, s8;
	[tilespmem:v61+s28+$0x0] =	vst.idx.msk $0xffff, v59;
	v6 =	vld.idx.msk [tilespmem:v28+s17+$0x0], $0xffff  }
0x1d3: {  	v26 =	vmov v55;
	v55 =	vor.u32 s10, v18;
	s10 =	sor.u32 $0x10, s9;
	v8 =	vld.idx.msk [tilespmem:v63+s17+$0x0], $0xffff  }
0x1d4: {  	v4 =	vor.u32 s9, v18;
	v61 =	vmov v22;
	v7 =	vor.u32 s10, v18;
	[tilespmem:v16+s28+$0x0] =	vst.idx.msk $0xffff, v56;
	v18 =	vld [tilespmem:$0x1FF30]  }
0x1d5: {  	v3 =	vor.u32 v58, v31;
	v9 =	vshll.u32 v60, $0x7;
	v28 =	vmovc v54;
	v54 =	vshll.u32 v55, $0x7;
	[tilespmem:$0x1FE40] =	vst v61;
	v61 =	vld [tilespmem:$0x1FFC0]  }
0x1d6: {  	v60 =	vshll.u32 v58, $0x7;
	v9 =	vor.u32 v17, v9;
	v21 =	vmovc v10;
	v10 =	vor.u32 v7, v54;
	v56 =	vld.idx.msk [tilespmem:v11+s17+$0x0], $0xffff  }
0x1d7: {  	v50 =	vor.u32 s18, v15;
	v53 =	vor.u32 v4, v54;
	[tilespmem:v48+s28+$0x0] =	vst.idx.msk $0xffff, v2;
	v2 =	vor.u32 v23, v60;
	v60 =	vld [tilespmem:$0x1FF50]  }
0x1d8: {  	[tilespmem:v1+s28+$0x0] =	vst.idx.msk $0xffff, v0;
	v63 =	vshll.u32 v50, $0x7;
	v49 =	vld.idx.msk [tilespmem:v49+s17+$0x0], $0xffff  }
0x1d9: {  	v0 =	vor.u32 v50, v20;
	[tilespmem:v27+s28+$0x0] =	vst.idx.msk $0xffff, v6;
	v6 =	vor.u32 v17, v63;
	v63 =	vld [tilespmem:$0x1FF20]  }
0x1da: {  	v5 =	vor.u32 s9, v12;
	v62 =	vor.u32 s9, v13;
	v4 =	vshll.u32 v4, $0x7;
	v3 =	vld.idx.msk [tilespmem:v3+s17+$0x0], $0xffff  }
0x1db: {  	v22 =	vmovc v52;
	v59 =	vor.u32 v62, v54;
	v52 =	vshll.u32 v62, $0x7;
	v1 =	vor.u32 v55, v4;
	v10 =	vld.idx.msk [tilespmem:v10+s17+$0x0], $0xffff  }
0x1dc: {  	v7 =	vshll.u32 v7, $0x7;
	v4 =	vor.u32 v5, v54;
	[tilespmem:v9+s28+$0x0] =	vst.idx.msk $0xffff, v8;
	v9 =	vld.idx.msk [tilespmem:v53+s17+$0x0], $0xffff;
	v48 =	vor.u32 s20, v60  }
0x1dd: {  	v44 =	vmovc v57;
	v5 =	vshll.u32 v5, $0x7;
	v62 =	vmovc v12;
	v8 =	vor.u32 s10, v12;
	v12 =	vld [tilespmem:$0x1FFE0];
	v57 =	vor.u32 v48, v31  }
0x1de: {  	v7 =	vor.u32 v55, v7;
	v58 =	vor.u32 s18, v14;
	v27 =	vmovc v51;
	v0 =	vld.idx.msk [tilespmem:v0+s17+$0x0], $0xffff;
	v11 =	vor.u32 s9, v63  }
0x1df: {  	v51 =	vor.u32 v55, v52;
	[tilespmem:v2+s28+$0x0] =	vst.idx.msk $0xffff, v3;
	v3 =	vor.u32 v11, v54;
	v52 =	vshll.u32 v11, $0x7;
	v11 =	vld [tilespmem:$0x1FF40]  }
0x1e0: {  	v5 =	vor.u32 v55, v5;
	v50 =	vor.u32 v8, v54;
	v8 =	vshll.u32 v8, $0x7  }
0x1e1: {  	v16 =	vld [tilespmem:$0x1FFD0];
	v2 =	vor.u32 v58, v20;
	[tilespmem:v19+s28+$0x0] =	vst.idx.msk $0xffff, v56;
	v19 =	vor.u32 s9, v18;
	v48 =	vshll.u32 v48, $0x7  }
0x1e2: {  	[tilespmem:v46+s28+$0x0] =	vst.idx.msk $0xffff, v49;
	v53 =	vor.u32 v19, v54;
	v46 =	vor.u32 v23, v48;
	v57 =	vld.idx.msk [tilespmem:v57+s17+$0x0], $0xffff  }
0x1e3: {  	v48 =	vor.u32 s9, v12;
	v52 =	vor.u32 v55, v52;
	[tilespmem:v7+s28+$0x0] =	vst.idx.msk $0xffff, v10;
	v7 =	vld.idx.msk [tilespmem:v47+s17+$0x0], $0xffff;
	v47 =	vshll.u32 v19, $0x7  }
0x1e4: {  	[tilespmem:v1+s28+$0x0] =	vst.idx.msk $0xffff, v9;
	v1 =	vor.u32 s10, v13;
	v9 =	vor.u32 s18, v61;
	v13 =	vld [tilespmem:$0x1FF60];
	v49 =	vor.u32 s20, v11  }
0x1e5: {  	v56 =	vld.idx.msk [tilespmem:v50+s17+$0x0], $0xffff;
	[tilespmem:v6+s28+$0x0] =	vst.idx.msk $0xffff, v0;
	v0 =	vor.u32 v55, v8;
	v10 =	vor.u32 v49, v31  }
0x1e6: {  	v19 =	vmovc v33;
	v33 =	vshll.u32 v48, $0x7;
	v50 =	vshll.u32 v58, $0x7;
	v4 =	vld.idx.msk [tilespmem:v4+s17+$0x0], $0xffff;
	v8 =	vor.u32 v1, v54  }
0x1e7: {  	v58 =	vor.u32 v55, v47;
	v47 =	vor.u32 v9, v20;
	v2 =	vld.idx.msk [tilespmem:v2+s17+$0x0], $0xffff;
	v6 =	vor.u32 v17, v50  }
0x1e8: {  	v1 =	vshll.u32 v1, $0x7;
	v50 =	vor.u32 v48, v54;
	v48 =	vor.u32 v55, v33;
	[tilespmem:v45+s28+$0x0] =	vst.idx.msk $0xffff, v7  }
0x1e9: {  	v20 =	vmov v31;
	v31 =	vor.u32 s9, v16;
	v1 =	vor.u32 v55, v1;
	[tilespmem:v46+s28+$0x0] =	vst.idx.msk $0xffff, v57;
	v32 =	vld.idx.msk [tilespmem:v32+s17+$0x0], $0xffff  }
0x1ea: {  	v57 =	vshll.u32 v49, $0x7;
	v49 =	vor.u32 v31, v54;
	v10 =	vld.idx.msk [tilespmem:v10+s17+$0x0], $0xffff;
	[tilespmem:v0+s28+$0x0] =	vst.idx.msk $0xffff, v56  }
0x1eb: {  	s18 =	smov.u32 s20;
	v11 =	vor.u32 s9, v11;
	v31 =	vshll.u32 v31, $0x7;
	v7 =	vor.u32 v23, v57;
	[tilespmem:v5+s28+$0x0] =	vst.idx.msk $0xffff, v4;
	v8 =	vld.idx.msk [tilespmem:v8+s17+$0x0], $0xffff  }
0x1ec: {  	v33 =	vor.u32 s18, v13;
	v46 =	vor.u32 v55, v31;
	v31 =	vor.u32 s9, v60;
	[tilespmem:v6+s28+$0x0] =	vst.idx.msk $0xffff, v2;
	v6 =	vld.idx.msk [tilespmem:v59+s17+$0x0], $0xffff  }
0x1ed: {  	s20 =	smov.u32 s10;
	v0 =	vor.u32 v33, v20;
	v60 =	vshll.u32 v31, $0x7;
	v33 =	vshll.u32 v33, $0x7;
	v59 =	vld.idx.msk [tilespmem:v37+s17+$0x0], $0xffff  }
0x1ee: {  	v2 =	vor.u32 s20, v63;
	v63 =	vshll.u32 v9, $0x7;
	v45 =	vor.u32 v55, v60;
	v60 =	vld [tilespmem:$0x1FF70]  }
0x1ef: {  	v56 =	vshll.u32 v11, $0x7;
	v4 =	vld.idx.msk [tilespmem:v47+s17+$0x0], $0xffff;
	v9 =	vor.u32 v2, v54;
	v5 =	vor.u32 v17, v63  }
0x1f0: {  	v37 =	vor.u32 v11, v54;
	v17 =	vmovc v23;
	v23 =	vmov v55;
	v2 =	vshll.u32 v2, $0x7;
	[tilespmem:v30+s28+$0x0] =	vst.idx.msk $0xffff, v32  }
0x1f1: {  	v47 =	vor.u32 v31, v54;
	v63 =	vor.u32 s9, v13;
	v2 =	vor.u32 v23, v2;
	v32 =	vld [tilespmem:$0x1FF80];
	[tilespmem:v7+s28+$0x0] =	vst.idx.msk $0xffff, v10  }
0x1f2: {  	v31 =	vmov v54;
	v30 =	vshll.u32 v63, $0x7;
	v7 =	vor.u32 v17, v33;
	v0 =	vld.idx.msk [tilespmem:v0+s17+$0x0], $0xffff;
	[tilespmem:v1+s28+$0x0] =	vst.idx.msk $0xffff, v8  }
0x1f3: {  	v33 =	vor.u32 s18, v60;
	v8 =	vor.u32 v63, v31;
	v63 =	vor.u32 s9, v60;
	[tilespmem:v51+s28+$0x0] =	vst.idx.msk $0xffff, v6;
	v60 =	vld [tilespmem:$0x1FF90]  }
0x1f4: {  	v10 =	vor.u32 v23, v56;
	v1 =	vor.u32 v33, v20;
	v9 =	vld.idx.msk [tilespmem:v9+s17+$0x0], $0xffff;
	[tilespmem:v5+s28+$0x0] =	vst.idx.msk $0xffff, v4  }
0x1f5: {  	v4 =	vor.u32 v23, v30;
	v5 =	vor.u32 s20, v18;
	v3 =	vld.idx.msk [tilespmem:v3+s17+$0x0], $0xffff;
	[tilespmem:v39+s28+$0x0] =	vst.idx.msk $0xffff, v59;
	v18 =	vshll.u32 v63, $0x7  }
0x1f6: {  	v6 =	vor.u32 v63, v31;
	v56 =	vor.u32 v5, v31;
	v59 =	vld.idx.msk [tilespmem:v40+s17+$0x0], $0xffff;
	v55 =	vor.u32 v23, v18  }
0x1f7: {  	v39 =	vmovc v10;
	v40 =	vmovc v8;
	v10 =	vld.idx.msk [tilespmem:v25+s17+$0x0], $0xffff;
	v5 =	vshll.u32 v5, $0x7;
	v13 =	vor.u32 s9, v32;
	v8 =	vor.u32 s18, v32  }
0x1f8: {  	v5 =	vor.u32 v23, v5;
	v54 =	vor.u32 v13, v31;
	v51 =	vshll.u32 v13, $0x7;
	[tilespmem:v7+s28+$0x0] =	vst.idx.msk $0xffff, v0  }
0x1f9: {  	v30 =	vmovc v35;
	v25 =	vmovc v36;
	v57 =	vor.u32 s9, v60;
	v51 =	vor.u32 v23, v51;
	v0 =	vld.idx.msk [tilespmem:v1+s17+$0x0], $0xffff;
	v1 =	vshll.u32 v33, $0x7  }
0x1fa: {  	v32 =	vmovc v38;
	v60 =	vor.u32 s18, v60;
	v63 =	vshll.u32 v57, $0x7;
	[tilespmem:v52+s28+$0x0] =	vst.idx.msk $0xffff, v3;
	v1 =	vor.u32 v17, v1  }
0x1fb: {  	[tilespmem:v2+s28+$0x0] =	vst.idx.msk $0xffff, v9;
	v2 =	vor.u32 v8, v20;
	v38 =	vor.u32 v57, v31;
	v11 =	vld.idx.msk [tilespmem:v53+s17+$0x0], $0xffff  }
0x1fc: {  	v3 =	vor.u32 s9, v15;
	v9 =	vor.u32 s20, v12;
	v33 =	vmovc v42;
	v13 =	vmovc v62;
	v35 =	vor.u32 v23, v63;
	v7 =	vld.idx.msk [tilespmem:v56+s17+$0x0], $0xffff  }
0x1fd: {  	s5 =	sadd.s32 $0x2, s5;
	v42 =	vor.u32 s9, v14;
	v36 =	vor.u32 v3, v31;
	v12 =	vor.u32 v9, v31;
	[tilespmem:v41+s28+$0x0] =	vst.idx.msk $0xffff, v59  }
0x1fe: {  	p2 =	slt.u32 s5, $0x1E;
	v52 =	vor.u32 s9, v61;
	v3 =	vshll.u32 v3, $0x7;
	v57 =	vor.u32 v42, v31;
	v62 =	vld.idx.msk [tilespmem:v43+s17+$0x0], $0xffff;
	[tilespmem:v24+s28+$0x0] =	vst.idx.msk $0xffff, v10  }
.Ltmp1:
0x1ff: {  	v41 =	vmov v4;
	v63 =	vor.u32 v60, v20;
	v3 =	vor.u32 v23, v3;
	[tilespmem:v1+s28+$0x0] =	vst.idx.msk $0xffff, v0;
	(pc) =	sbr.rel @p2 .LBB2_4-.Ltmp1, $4  }
0x200: {  	v18 =	vlaneseq.u32;
	v43 =	vmovc v6;
	v24 =	vmovc v34;
	v56 =	vld.idx.msk [tilespmem:v29+s17+$0x0], $0xffff;
	v34 =	vmov v3;
	v0 =	vshll.u32 v42, $0x7;
	[tilespmem:v58+s28+$0x0] =	vst.idx.msk $0xffff, v11  }
0x201: {  	v1 =	vshll.u32 v8, $0x7;
	v59 =	vld.idx.msk [tilespmem:v2+s17+$0x0], $0xffff;
	v53 =	vor.u32 v23, v0;
	v0 =	vshll.u32 v52, $0x7;
	[tilespmem:v5+s28+$0x0] =	vst.idx.msk $0xffff, v7  }
0x202: {  	v29 =	vmovc v44;
	v61 =	vor.u32 v17, v1;
	v1 =	vshll.u32 v9, $0x7;
	v42 =	vor.u32 v23, v0;
	v0 =	vld.idx.msk [tilespmem:v12+s17+$0x0], $0xffff  }
0x203: {  	s6 =	sadd.s32 $0x20, s6;
	s8 =	sadd.s32 $0x8, s8;
	v58 =	vor.u32 s20, v16;
	v16 =	vmovc v21;
	v52 =	vor.u32 v52, v31;
	v12 =	vmovc v13;
	v13 =	vld [tilespmem:$0x1FF10];
	v1 =	vor.u32 v23, v1  }
0x204: {  	_ =	sdelay $0x3  }
0x205: {  	v2 =	vld.idx.msk [tilespmem:v50+s17+$0x0], $0xffff;
	v3 =	vor.u32 v58, v31;
	_ =	sdelay $0x3  }
0x206: {  	[tilespmem:v1+s28+$0x0] =	vst.idx.msk $0xffff, v0  }
0x207: {  	v0 =	vshll.u32 v58, $0x7;
	v1 =	vld.idx.msk [tilespmem:v3+s17+$0x0], $0xffff;
	[tilespmem:v48+s28+$0x0] =	vst.idx.msk $0xffff, v2  }
0x208: {  	v0 =	vor.u32 v23, v0;
	v21 =	vld [tilespmem:$0x1FF50]  }
0x209: {  	v3 =	vld.idx.msk [tilespmem:v49+s17+$0x0], $0xffff;
	_ =	sdelay $0x3  }
0x20a: {  	[tilespmem:v0+s28+$0x0] =	vst.idx.msk $0xffff, v1;
	v2 =	vor.u32 s20, v21  }
0x20b: {  	[tilespmem:v46+s28+$0x0] =	vst.idx.msk $0xffff, v3;
	v4 =	vor.u32 v2, v31  }
0x20c: {  	v46 =	vld [tilespmem:$0x1FF40];
	_ =	sdelay $0x2  }
0x20d: {  	v0 =	vshll.u32 v2, $0x7;
	v3 =	vld.idx.msk [tilespmem:v47+s17+$0x0], $0xffff  }
0x20e: {  	v0 =	vor.u32 v23, v0;
	v1 =	vld.idx.msk [tilespmem:v4+s17+$0x0], $0xffff  }
0x20f: {  	v2 =	vor.u32 s20, v46  }
0x210: {  	v49 =	vor.u32 v2, v31;
	_ =	sdelay $0x1  }
0x211: {  	[tilespmem:v45+s28+$0x0] =	vst.idx.msk $0xffff, v3  }
0x212: {  	[tilespmem:v0+s28+$0x0] =	vst.idx.msk $0xffff, v1  }
0x213: {  	v0 =	vshll.u32 v2, $0x7;
	v58 =	vld [tilespmem:$0x1FF60]  }
0x214: {  	v1 =	vld.idx.msk [tilespmem:v49+s17+$0x0], $0xffff;
	v0 =	vor.u32 v23, v0;
	_ =	sdelay $0x3  }
0x215: {  	v2 =	vor.u32 s20, v58  }
0x216: {  	v50 =	vld.idx.msk [tilespmem:v37+s17+$0x0], $0xffff;
	[tilespmem:v0+s28+$0x0] =	vst.idx.msk $0xffff, v1;
	v3 =	vor.u32 v2, v31  }
0x217: {  	v37 =	vld [tilespmem:$0x1FF70];
	_ =	sdelay $0x2  }
0x218: {  	v0 =	vshll.u32 v2, $0x7  }
0x219: {  	v0 =	vor.u32 v23, v0;
	v1 =	vld.idx.msk [tilespmem:v3+s17+$0x0], $0xffff  }
0x21a: {  	[tilespmem:v39+s28+$0x0] =	vst.idx.msk $0xffff, v50;
	v2 =	vor.u32 s20, v37  }
0x21b: {  	v4 =	vld.idx.msk [tilespmem:v40+s17+$0x0], $0xffff;
	v3 =	vor.u32 v2, v31;
	_ =	sdelay $0x2  }
0x21c: {  	[tilespmem:v0+s28+$0x0] =	vst.idx.msk $0xffff, v1  }
0x21d: {  	v0 =	vshll.u32 v2, $0x7;
	v39 =	vld [tilespmem:$0x1FF80]  }
0x21e: {  	v1 =	vld.idx.msk [tilespmem:v3+s17+$0x0], $0xffff;
	v0 =	vor.u32 v23, v0;
	[tilespmem:v41+s28+$0x0] =	vst.idx.msk $0xffff, v4  }
0x21f: {  	v4 =	vld.idx.msk [tilespmem:v43+s17+$0x0], $0xffff;
	_ =	sdelay $0x2  }
0x220: {  	[tilespmem:v26+s28+$0x0] =	vst.idx.msk $0xffff, v62;
	v2 =	vor.u32 s20, v39  }
0x221: {  	v5 =	vld.idx.msk [tilespmem:v28+s17+$0x0], $0xffff;
	[tilespmem:v0+s28+$0x0] =	vst.idx.msk $0xffff, v1;
	v3 =	vor.u32 v2, v31  }
0x222: {  	v44 =	vld [tilespmem:$0x1FF90];
	[tilespmem:v55+s28+$0x0] =	vst.idx.msk $0xffff, v4  }
0x223: {  	[tilespmem:v61+s28+$0x0] =	vst.idx.msk $0xffff, v59;
	v4 =	vld.idx.msk [tilespmem:v54+s17+$0x0], $0xffff  }
0x224: {  	v6 =	vshll.u32 v60, $0x7;
	v7 =	vld.idx.msk [tilespmem:v63+s17+$0x0], $0xffff  }
0x225: {  	v6 =	vor.u32 v17, v6;
	v0 =	vshll.u32 v2, $0x7;
	v60 =	vld [tilespmem:$0x1FFA0]  }
0x226: {  	v0 =	vor.u32 v23, v0;
	v1 =	vld.idx.msk [tilespmem:v3+s17+$0x0], $0xffff;
	_ =	sdelay $0x1  }
0x227: {  	[tilespmem:v27+s28+$0x0] =	vst.idx.msk $0xffff, v5  }
0x228: {  	v2 =	vor.u32 s20, v44;
	[tilespmem:v51+s28+$0x0] =	vst.idx.msk $0xffff, v4  }
0x229: {  	v3 =	vor.u32 v2, v31;
	v8 =	vor.u32 s18, v60;
	[tilespmem:v6+s28+$0x0] =	vst.idx.msk $0xffff, v7  }
0x22a: {  	v63 =	vor.u32 v8, v20;
	[tilespmem:v0+s28+$0x0] =	vst.idx.msk $0xffff, v1  }
0x22b: {  	v61 =	vld [tilespmem:$0x1FFB0]  }
0x22c: {  	v9 =	vld.idx.msk [tilespmem:v32+s17+$0x0], $0xffff  }
0x22d: {  	v4 =	vld.idx.msk [tilespmem:v38+s17+$0x0], $0xffff;
	v0 =	vshll.u32 v2, $0x7  }
0x22e: {  	v11 =	vshll.u32 v8, $0x7;
	v2 =	vor.u32 s20, v60;
	v1 =	vld.idx.msk [tilespmem:v3+s17+$0x0], $0xffff;
	v0 =	vor.u32 v23, v0  }
0x22f: {  	v6 =	vor.u32 v17, v11;
	v3 =	vor.u32 v2, v31;
	v5 =	vld.idx.msk [tilespmem:v63+s17+$0x0], $0xffff  }
0x230: {  	v14 =	vor.u32 s18, v61  }
0x231: {  	[tilespmem:v30+s28+$0x0] =	vst.idx.msk $0xffff, v9;
	v32 =	vor.u32 v14, v20  }
0x232: {  	v9 =	vld.idx.msk [tilespmem:v25+s17+$0x0], $0xffff;
	[tilespmem:v35+s28+$0x0] =	vst.idx.msk $0xffff, v4  }
0x233: {  	v4 =	vld.idx.msk [tilespmem:v36+s17+$0x0], $0xffff;
	[tilespmem:v0+s28+$0x0] =	vst.idx.msk $0xffff, v1;
	v0 =	vshll.u32 v2, $0x7  }
0x234: {  	v2 =	vor.u32 s20, v61;
	v1 =	vld.idx.msk [tilespmem:v3+s17+$0x0], $0xffff;
	v0 =	vor.u32 v23, v0;
	[tilespmem:v6+s28+$0x0] =	vst.idx.msk $0xffff, v5  }
0x235: {  	v3 =	vor.u32 v2, v31;
	v35 =	vshll.u32 v14, $0x7;
	v62 =	vld [tilespmem:$0x1FFC0]  }
0x236: {  	v5 =	vor.u32 v17, v35;
	v6 =	vld.idx.msk [tilespmem:v32+s17+$0x0], $0xffff  }
0x237: {  	[tilespmem:v24+s28+$0x0] =	vst.idx.msk $0xffff, v9  }
0x238: {  	[tilespmem:v34+s28+$0x0] =	vst.idx.msk $0xffff, v4  }
0x239: {  	[tilespmem:v0+s28+$0x0] =	vst.idx.msk $0xffff, v1  }
0x23a: {  	[tilespmem:v16+s28+$0x0] =	vst.idx.msk $0xffff, v56;
	v1 =	vld.idx.msk [tilespmem:v3+s17+$0x0], $0xffff  }
0x23b: {  	v0 =	vshll.u32 v2, $0x7;
	v36 =	vor.u32 s18, v62;
	v10 =	vld [tilespmem:$0x1FE40];
	[tilespmem:v5+s28+$0x0] =	vst.idx.msk $0xffff, v6  }
0x23c: {  	v0 =	vor.u32 v23, v0;
	v2 =	vor.u32 s20, v62;
	v38 =	vor.u32 v36, v20;
	v41 =	vld [tilespmem:$0x1FE50]  }
0x23d: {  	v4 =	vld.idx.msk [tilespmem:v57+s17+$0x0], $0xffff;
	v3 =	vor.u32 v2, v31;
	_ =	sdelay $0x1  }
0x23e: {  	v9 =	vld.idx.msk [tilespmem:v29+s17+$0x0], $0xffff  }
0x23f: {  	v40 =	vshll.u32 v36, $0x7  }
0x240: {  	v5 =	vor.u32 v17, v40;
	[tilespmem:v0+s28+$0x0] =	vst.idx.msk $0xffff, v1;
	v0 =	vshll.u32 v2, $0x7;
	v6 =	vld.idx.msk [tilespmem:v38+s17+$0x0], $0xffff  }
0x241: {  	[tilespmem:v53+s28+$0x0] =	vst.idx.msk $0xffff, v4;
	v1 =	vld.idx.msk [tilespmem:v3+s17+$0x0], $0xffff;
	v0 =	vor.u32 v23, v0  }
0x242: {  	v2 =	vld.idx.msk [tilespmem:v52+s17+$0x0], $0xffff  }
0x243: {  	v10 =	vld.idx.msk [tilespmem:v10+s17+$0x0], $0xffff;
	[tilespmem:v41+s28+$0x0] =	vst.idx.msk $0xffff, v9  }
0x244: {  	v7 =	vld.idx.msk [tilespmem:v22+s17+$0x0], $0xffff  }
0x245: {  	[tilespmem:v5+s28+$0x0] =	vst.idx.msk $0xffff, v6  }
0x246: {  	[tilespmem:v0+s28+$0x0] =	vst.idx.msk $0xffff, v1  }
0x247: {  	[tilespmem:v42+s28+$0x0] =	vst.idx.msk $0xffff, v2  }
0x248: {  	[tilespmem:v19+s28+$0x0] =	vst.idx.msk $0xffff, v10  }
0x249: {  	[tilespmem:v33+s28+$0x0] =	vst.idx.msk $0xffff, v7  }
0x24a: {  	s8 =	simm.s32 $0x0;
	s5 =	rddreg [dreg:$0x7]  }
0x24b: {  	[hbm4b:s5+s24] =	stream.strided.scatter [tilespmem:s28], [sflag:$0x6], $0x2000, s25, s24, $0x38;
	[tilespmem:$0x16148] =	vst v63  }
0x24c: {  	s6 =	sand.u32 $0x20, s8;
	s5 =	sand.u32 $0x70, s8  }
0x24d: {  	v34 =	vor.u32 s5, v18;
	s5 =	sor.u32 $0x10, s6  }
0x24e: {  	_ =	swait.ge [sflag:s29], $0x4000;
	v35 =	vshll.u32 v34, $0x7;
	v0 =	vor.u32 s5, v18  }
0x24f: {  	[sflag:s29] =	ssyncset.done $0x0;
	v1 =	vor.u32 v0, v35  }
0x250: {  	[sflag:s29] =	ssyncadd.s32 $0xFFFFC000  }
0x251: {  	_ =	swait.ge [sflag:s30], $0x2000  }
0x252: {  	v2 =	vor.u32 s6, v18;
	[sflag:s30] =	ssyncset.done $0x0  }
0x253: {  	v3 =	vor.u32 v2, v35;
	v0 =	vshll.u32 v0, $0x7;
	[sflag:s30] =	ssyncadd.s32 $0xFFFFE000  }
0x254: {  	v43 =	vor.u32 s5, v12;
	v0 =	vor.u32 v34, v0;
	v1 =	vld.idx.msk [tilespmem:v1+s19+$0x0], $0xffff  }
0x255: {  	v45 =	vor.u32 v43, v35;
	_ =	sdelay $0x1  }
0x256: {  	v2 =	vshll.u32 v2, $0x7  }
0x257: {  	v2 =	vor.u32 v34, v2;
	v3 =	vld.idx.msk [tilespmem:v3+s19+$0x0], $0xffff  }
0x258: {  	v47 =	vor.u32 s6, v12;
	[tilespmem:v0+s23+$0x0] =	vst.idx.msk $0xffff, v1;
	v0 =	vshll.u32 v43, $0x7  }
0x259: {  	v48 =	vor.u32 v47, v35;
	v1 =	vld.idx.msk [tilespmem:v45+s19+$0x0], $0xffff;
	v0 =	vor.u32 v34, v0  }
0x25a: {  	v49 =	vor.u32 s5, v13  }
0x25b: {  	v50 =	vor.u32 v49, v35  }
0x25c: {  	[tilespmem:v2+s23+$0x0] =	vst.idx.msk $0xffff, v3  }
0x25d: {  	v6 =	vshll.u32 v47, $0x7;
	v63 =	vld [tilespmem:$0x1FF20]  }
0x25e: {  	v2 =	vor.u32 v34, v6;
	v7 =	vld.idx.msk [tilespmem:v48+s19+$0x0], $0xffff;
	[tilespmem:v0+s23+$0x0] =	vst.idx.msk $0xffff, v1  }
0x25f: {  	v51 =	vor.u32 s6, v13;
	v59 =	vor.u32 s6, v62;
	v17 =	vor.u32 s6, v58;
	v15 =	vld [tilespmem:$0x1FF30]  }
0x260: {  	v8 =	vor.u32 v51, v35;
	v25 =	vor.u32 v17, v35;
	v0 =	vshll.u32 v49, $0x7;
	v54 =	vld.idx.msk [tilespmem:v50+s19+$0x0], $0xffff  }
0x261: {  	v16 =	vmovc v13;
	v47 =	vor.u32 s6, v44;
	v5 =	vor.u32 v59, v35;
	v0 =	vor.u32 v34, v0;
	v13 =	vld [tilespmem:$0x1FFE0]  }
0x262: {  	v3 =	vshll.u32 v51, $0x7;
	v43 =	vor.u32 s6, v37;
	v45 =	vor.u32 s6, v39  }
0x263: {  	v3 =	vor.u32 v34, v3;
	v56 =	vor.u32 v45, v35;
	v52 =	vor.u32 s6, v63;
	[tilespmem:v2+s23+$0x0] =	vst.idx.msk $0xffff, v7  }
0x264: {  	v55 =	vor.u32 s5, v63;
	v49 =	vlaneseq.u32;
	v53 =	vshll.u32 v52, $0x7;
	v14 =	vld [tilespmem:$0x1FFD0]  }
0x265: {  	v6 =	vor.u32 v52, v35;
	v33 =	vor.u32 v55, v35;
	v9 =	vor.u32 v34, v53;
	v8 =	vld.idx.msk [tilespmem:v8+s19+$0x0], $0xffff  }
0x266: {  	v1 =	vor.u32 s6, v15;
	v32 =	vor.u32 s6, v13;
	[tilespmem:v0+s23+$0x0] =	vst.idx.msk $0xffff, v54;
	v0 =	vshll.u32 v55, $0x7  }
0x267: {  	v41 =	vor.u32 s5, v15;
	v51 =	vor.u32 s5, v13;
	v54 =	vor.u32 s6, v61  }
0x268: {  	v57 =	vmovc v16;
	v11 =	vshll.u32 v1, $0x7;
	v1 =	vor.u32 v1, v35;
	v16 =	vshll.u32 v32, $0x7  }
0x269: {  	s8 =	simm.s32 $0x8;
	v2 =	vor.u32 v32, v35;
	v36 =	vor.u32 s6, v14;
	v0 =	vor.u32 v34, v0  }
0x26a: {  	s8 =	sand.u32 $0x70, s8;
	v40 =	vld.idx.msk [tilespmem:v33+s19+$0x0], $0xffff;
	v18 =	vor.u32 v41, v35;
	[tilespmem:v3+s23+$0x0] =	vst.idx.msk $0xffff, v8;
	v3 =	vshll.u32 v17, $0x7;
	v33 =	vor.u32 s5, v14  }
0x26b: {  	v4 =	vor.u32 v54, v35;
	v17 =	vor.u32 s8, v49;
	v7 =	vor.u32 v34, v16;
	v6 =	vld.idx.msk [tilespmem:v6+s19+$0x0], $0xffff  }
0x26c: {  	v16 =	vor.u32 s6, v21;
	v22 =	vor.u32 v34, v3;
	v3 =	vshll.u32 v43, $0x7  }
0x26d: {  	v29 =	vor.u32 v16, v35;
	v38 =	vshll.u32 v16, $0x7;
	v16 =	vor.u32 s6, v46  }
0x26e: {  	v23 =	vor.u32 v34, v3;
	v3 =	vshll.u32 v45, $0x7;
	v26 =	vor.u32 v16, v35  }
0x26f: {  	v55 =	vor.u32 v34, v3;
	v3 =	vshll.u32 v47, $0x7;
	[tilespmem:v0+s23+$0x0] =	vst.idx.msk $0xffff, v40;
	v0 =	vshll.u32 v41, $0x7  }
0x270: {  	v3 =	vor.u32 v34, v3;
	v48 =	vld.idx.msk [tilespmem:v18+s19+$0x0], $0xffff;
	v0 =	vor.u32 v34, v0;
	[tilespmem:v9+s23+$0x0] =	vst.idx.msk $0xffff, v6  }
0x271: {  	v42 =	vshll.u32 v16, $0x7;
	v16 =	vor.u32 v51, v35;
	[tilespmem:$0x1FE00] =	vst v3;
	v3 =	vor.u32 s6, v60  }
0x272: {  	v50 =	vmovc v12;
	v11 =	vor.u32 v34, v11;
	v53 =	vor.u32 v3, v35;
	v3 =	vshll.u32 v3, $0x7  }
0x273: {  	s9 =	simm.s32 $0x20;
	v28 =	vor.u32 v36, v35;
	v10 =	vshll.u32 v36, $0x7;
	v1 =	vld.idx.msk [tilespmem:v1+s19+$0x0], $0xffff;
	[tilespmem:$0x1FE10] =	vst v53;
	v3 =	vor.u32 v34, v3  }
0x274: {  	v20 =	vshll.u32 v17, $0x7;
	v10 =	vor.u32 v34, v10;
	v36 =	vmovc v21;
	v27 =	vor.u32 v34, v38;
	s6 =	sand.u32 $0x20, s9;
	[tilespmem:$0x1FE20] =	vst v3  }
0x275: {  	v21 =	vor.u32 v43, v35;
	v38 =	vor.u32 v47, v35;
	v41 =	vor.u32 s6, v49;
	[tilespmem:v0+s23+$0x0] =	vst.idx.msk $0xffff, v48  }
0x276: {  	v24 =	vor.u32 v34, v42;
	v40 =	vshll.u32 v59, $0x7;
	v45 =	vor.u32 v41, v20;
	v32 =	vld.idx.msk [tilespmem:v16+s19+$0x0], $0xffff;
	[tilespmem:$0x1FE30] =	vst v4  }
0x277: {  	v19 =	vor.u32 v34, v40;
	v42 =	vor.u32 s6, v50;
	v0 =	vshll.u32 v51, $0x7;
	[tilespmem:$0x1FDF0] =	vst v5  }
0x278: {  	s18 =	sor.u32 $0x10, s6;
	v52 =	vor.u32 s6, v63;
	v3 =	vshll.u32 v54, $0x7;
	v0 =	vor.u32 v34, v0;
	[tilespmem:v11+s23+$0x0] =	vst.idx.msk $0xffff, v1  }
0x279: {  	v16 =	vor.u32 v34, v3;
	v3 =	vor.u32 v33, v35;
	v1 =	vld.idx.msk [tilespmem:v2+s19+$0x0], $0xffff;
	v2 =	vor.u32 s18, v49  }
0x27a: {  	v59 =	vor.u32 s6, v13;
	v4 =	vshll.u32 v41, $0x7;
	v43 =	vor.u32 v2, v20  }
0x27b: {  	v47 =	vshll.u32 v42, $0x7;
	v30 =	vor.u32 s18, v50;
	v4 =	vor.u32 v17, v4;
	v11 =	vld.idx.msk [tilespmem:v45+s19+$0x0], $0xffff  }
0x27c: {  	v8 =	vor.u32 v52, v20;
	v53 =	vor.u32 s5, v46;
	v5 =	vor.u32 v42, v20  }
0x27d: {  	v6 =	vor.u32 v17, v47;
	v31 =	vor.u32 v30, v20;
	[tilespmem:v0+s23+$0x0] =	vst.idx.msk $0xffff, v32;
	v0 =	vshll.u32 v33, $0x7  }
0x27e: {  	v48 =	vor.u32 s5, v36;
	v2 =	vshll.u32 v2, $0x7;
	v3 =	vld.idx.msk [tilespmem:v3+s19+$0x0], $0xffff;
	v0 =	vor.u32 v34, v0  }
0x27f: {  	v51 =	vor.u32 v48, v35;
	v2 =	vor.u32 v17, v2;
	[tilespmem:v7+s23+$0x0] =	vst.idx.msk $0xffff, v1;
	v9 =	vld.idx.msk [tilespmem:v43+s19+$0x0], $0xffff  }
0x280: {  	v54 =	vor.u32 s6, v15;
	v30 =	vshll.u32 v30, $0x7;
	v47 =	vor.u32 v59, v20;
	[tilespmem:v4+s23+$0x0] =	vst.idx.msk $0xffff, v11;
	v28 =	vld.idx.msk [tilespmem:v28+s19+$0x0], $0xffff  }
0x281: {  	v30 =	vor.u32 v17, v30;
	v42 =	vshll.u32 v54, $0x7;
	v1 =	vor.u32 s6, v57;
	v5 =	vld.idx.msk [tilespmem:v5+s19+$0x0], $0xffff  }
0x282: {  	v32 =	vshll.u32 v53, $0x7;
	v12 =	vor.u32 v1, v20;
	v1 =	vshll.u32 v1, $0x7  }
0x283: {  	v11 =	vor.u32 v34, v32;
	v1 =	vor.u32 v17, v1;
	[tilespmem:v0+s23+$0x0] =	vst.idx.msk $0xffff, v3;
	v3 =	vshll.u32 v48, $0x7  }
0x284: {  	v32 =	vor.u32 s5, v58;
	v0 =	vshll.u32 v52, $0x7;
	v3 =	vor.u32 v34, v3;
	v7 =	vld.idx.msk [tilespmem:v51+s19+$0x0], $0xffff;
	[tilespmem:v2+s23+$0x0] =	vst.idx.msk $0xffff, v9  }
0x285: {  	v0 =	vor.u32 v17, v0;
	v2 =	vor.u32 v53, v35;
	[tilespmem:v10+s23+$0x0] =	vst.idx.msk $0xffff, v28;
	v28 =	vld.idx.msk [tilespmem:v31+s19+$0x0], $0xffff  }
0x286: {  	v52 =	vshll.u32 v59, $0x7;
	v9 =	vor.u32 v54, v20;
	[tilespmem:v6+s23+$0x0] =	vst.idx.msk $0xffff, v5;
	v31 =	vor.u32 s18, v57;
	v29 =	vld.idx.msk [tilespmem:v29+s19+$0x0], $0xffff  }
0x287: {  	v10 =	vor.u32 v17, v42;
	v53 =	vor.u32 s6, v14;
	v12 =	vld.idx.msk [tilespmem:v12+s19+$0x0], $0xffff;
	v43 =	vor.u32 v31, v20  }
0x288: {  	v18 =	vmovc v46;
	v48 =	vor.u32 v53, v20;
	v54 =	vshll.u32 v31, $0x7;
	v31 =	vor.u32 s18, v63  }
0x289: {  	v5 =	vor.u32 v31, v20;
	[tilespmem:v3+s23+$0x0] =	vst.idx.msk $0xffff, v7;
	v3 =	vor.u32 v17, v52;
	v7 =	vshll.u32 v53, $0x7  }
0x28a: {  	v2 =	vld.idx.msk [tilespmem:v2+s19+$0x0], $0xffff;
	v46 =	vor.u32 v17, v7;
	v7 =	vor.u32 v17, v54;
	[tilespmem:v30+s23+$0x0] =	vst.idx.msk $0xffff, v28  }
0x28b: {  	v28 =	vor.u32 v32, v35;
	v30 =	vor.u32 s6, v36;
	[tilespmem:v27+s23+$0x0] =	vst.idx.msk $0xffff, v29;
	v27 =	vor.u32 s6, v18  }
0x28c: {  	v29 =	vor.u32 s6, v58;
	[tilespmem:v1+s23+$0x0] =	vst.idx.msk $0xffff, v12;
	v1 =	vor.u32 s18, v15;
	v4 =	vld.idx.msk [tilespmem:v43+s19+$0x0], $0xffff;
	v45 =	vor.u32 v30, v20  }
0x28d: {  	v59 =	vshll.u32 v30, $0x7;
	v33 =	vld.idx.msk [tilespmem:v26+s19+$0x0], $0xffff;
	v51 =	vor.u32 v27, v20;
	v26 =	vshll.u32 v32, $0x7  }
0x28e: {  	v27 =	vshll.u32 v27, $0x7;
	v32 =	vshll.u32 v31, $0x7;
	v54 =	vor.u32 v29, v20;
	v8 =	vld.idx.msk [tilespmem:v8+s19+$0x0], $0xffff  }
0x28f: {  	v12 =	vor.u32 v1, v20;
	v1 =	vshll.u32 v1, $0x7;
	v43 =	vor.u32 v17, v59;
	[tilespmem:v11+s23+$0x0] =	vst.idx.msk $0xffff, v2  }
0x290: {  	v52 =	vor.u32 v17, v27;
	v2 =	vor.u32 v34, v26;
	v11 =	vor.u32 s5, v37;
	v27 =	vld.idx.msk [tilespmem:v28+s19+$0x0], $0xffff  }
0x291: {  	v1 =	vor.u32 v17, v1;
	v26 =	vshll.u32 v29, $0x7;
	[tilespmem:v7+s23+$0x0] =	vst.idx.msk $0xffff, v4;
	v4 =	vor.u32 v11, v35  }
0x292: {  	v41 =	vmovc v37;
	v29 =	vor.u32 s6, v44;
	v28 =	vor.u32 s6, v37;
	v7 =	vor.u32 v17, v32;
	v5 =	vld.idx.msk [tilespmem:v5+s19+$0x0], $0xffff  }
0x293: {  	v53 =	vor.u32 v17, v26;
	v37 =	vshll.u32 v11, $0x7;
	v59 =	vor.u32 v28, v20;
	[tilespmem:v24+s23+$0x0] =	vst.idx.msk $0xffff, v33  }
0x294: {  	v42 =	vmovc v39;
	v33 =	vshll.u32 v28, $0x7;
	v24 =	vor.u32 s6, v39;
	v6 =	vor.u32 v34, v37;
	[tilespmem:v0+s23+$0x0] =	vst.idx.msk $0xffff, v8  }
0x295: {  	v39 =	vor.u32 s5, v39;
	v32 =	vor.u32 v29, v20;
	v0 =	vor.u32 s6, v60;
	v31 =	vld.idx.msk [tilespmem:v25+s19+$0x0], $0xffff;
	[tilespmem:v2+s23+$0x0] =	vst.idx.msk $0xffff, v27  }
0x296: {  	v26 =	vor.u32 v17, v33;
	v28 =	vor.u32 v24, v20;
	v2 =	vshll.u32 v24, $0x7;
	v4 =	vld.idx.msk [tilespmem:v4+s19+$0x0], $0xffff  }
0x297: {  	v40 =	vor.u32 v39, v35;
	v27 =	vor.u32 v17, v2;
	v2 =	vshll.u32 v29, $0x7;
	[tilespmem:v7+s23+$0x0] =	vst.idx.msk $0xffff, v5  }
0x298: {  	v25 =	vor.u32 v0, v20;
	v30 =	vor.u32 v17, v2;
	v2 =	vor.u32 s18, v13;
	v7 =	vld.idx.msk [tilespmem:v12+s19+$0x0], $0xffff  }
0x299: {  	v9 =	vld.idx.msk [tilespmem:v9+s19+$0x0], $0xffff;
	v0 =	vshll.u32 v0, $0x7;
	v33 =	vor.u32 s6, v61;
	v8 =	vor.u32 v2, v20  }
0x29a: {  	v37 =	vshll.u32 v39, $0x7;
	v39 =	vor.u32 s5, v44;
	v24 =	vor.u32 v17, v0;
	[tilespmem:v22+s23+$0x0] =	vst.idx.msk $0xffff, v31  }
0x29b: {  	v0 =	vshll.u32 v33, $0x7;
	v29 =	vor.u32 v33, v20;
	v22 =	vor.u32 s6, v62;
	v31 =	vld.idx.msk [tilespmem:v21+s19+$0x0], $0xffff;
	[tilespmem:v6+s23+$0x0] =	vst.idx.msk $0xffff, v4  }
0x29c: {  	v21 =	vor.u32 v17, v0;
	v0 =	vshll.u32 v22, $0x7;
	v4 =	vor.u32 v34, v37;
	v5 =	vld.idx.msk [tilespmem:v40+s19+$0x0], $0xffff  }
0x29d: {  	s10 =	simm.s32 $0x40;
	v33 =	vor.u32 v17, v0;
	v0 =	vshll.u32 v2, $0x7;
	v40 =	vor.u32 v39, v35;
	[tilespmem:v1+s23+$0x0] =	vst.idx.msk $0xffff, v7  }
0x29e: {  	s20 =	simm.s32 $0x10;
	[tilespmem:v10+s23+$0x0] =	vst.idx.msk $0xffff, v9;
	s6 =	sand.u32 $0x20, s10;
	v2 =	vor.u32 s18, v14;
	v0 =	vor.u32 v17, v0;
	v1 =	vld.idx.msk [tilespmem:v8+s19+$0x0], $0xffff  }
0x29f: {  	s8 =	sand.u32 $0x70, s20;
	v9 =	vor.u32 s6, v49;
	v12 =	vshll.u32 v39, $0x7;
	v7 =	vld.idx.msk [tilespmem:v47+s19+$0x0], $0xffff;
	v8 =	vor.u32 v2, v20  }
0x2a0: {  	s20 =	sor.u32 $0x10, s6;
	v6 =	vor.u32 s6, v50;
	v37 =	vor.u32 s5, v60;
	[tilespmem:v23+s23+$0x0] =	vst.idx.msk $0xffff, v31;
	v23 =	vor.u32 s8, v49  }
0x2a1: {  	v39 =	vor.u32 s5, v61;
	v31 =	vshll.u32 v23, $0x7;
	[tilespmem:v4+s23+$0x0] =	vst.idx.msk $0xffff, v5;
	v4 =	vor.u32 s20, v49  }
0x2a2: {  	v2 =	vshll.u32 v2, $0x7;
	v5 =	vor.u32 v34, v12;
	v10 =	vld.idx.msk [tilespmem:v40+s19+$0x0], $0xffff;
	v11 =	vor.u32 v4, v31  }
0x2a3: {  	v47 =	vor.u32 v9, v31;
	v12 =	vld.idx.msk [tilespmem:v56+s19+$0x0], $0xffff;
	[tilespmem:v0+s23+$0x0] =	vst.idx.msk $0xffff, v1;
	v0 =	vor.u32 v37, v35  }
0x2a4: {  	v9 =	vshll.u32 v9, $0x7;
	v2 =	vor.u32 v17, v2;
	v49 =	vshll.u32 v6, $0x7;
	[tilespmem:v3+s23+$0x0] =	vst.idx.msk $0xffff, v7;
	v8 =	vld.idx.msk [tilespmem:v8+s19+$0x0], $0xffff  }
0x2a5: {  	v3 =	vor.u32 v6, v31;
	v6 =	vor.u32 s18, v36;
	v1 =	vor.u32 v23, v9;
	v9 =	vld.idx.msk [tilespmem:v48+s19+$0x0], $0xffff  }
0x2a6: {  	v7 =	vor.u32 v23, v49;
	v4 =	vshll.u32 v4, $0x7;
	v49 =	vor.u32 v6, v20  }
0x2a7: {  	v4 =	vor.u32 v23, v4;
	v37 =	vshll.u32 v37, $0x7;
	v48 =	vor.u32 s20, v50;
	[tilespmem:v5+s23+$0x0] =	vst.idx.msk $0xffff, v10;
	v10 =	vld.idx.msk [tilespmem:v11+s19+$0x0], $0xffff  }
0x2a8: {  	[tilespmem:v55+s23+$0x0] =	vst.idx.msk $0xffff, v12;
	v12 =	vor.u32 v48, v31;
	v11 =	vor.u32 v34, v37;
	v0 =	vld.idx.msk [tilespmem:v0+s19+$0x0], $0xffff  }
0x2a9: {  	v40 =	vor.u32 v39, v35;
	[tilespmem:v2+s23+$0x0] =	vst.idx.msk $0xffff, v8;
	v2 =	vld.idx.msk [tilespmem:v47+s19+$0x0], $0xffff  }
0x2aa: {  	v39 =	vshll.u32 v39, $0x7;
	v6 =	vshll.u32 v6, $0x7;
	[tilespmem:v46+s23+$0x0] =	vst.idx.msk $0xffff, v9  }
0x2ab: {  	v6 =	vor.u32 v17, v6;
	v50 =	vshll.u32 v48, $0x7;
	v47 =	vor.u32 s6, v63;
	v45 =	vld.idx.msk [tilespmem:v45+s19+$0x0], $0xffff  }
0x2ac: {  	v9 =	vor.u32 v47, v31;
	v8 =	vshll.u32 v47, $0x7;
	v46 =	vld.idx.msk [tilespmem:v49+s19+$0x0], $0xffff;
	v47 =	vor.u32 s18, v18;
	[tilespmem:v4+s23+$0x0] =	vst.idx.msk $0xffff, v10  }
0x2ad: {  	[tilespmem:v11+s23+$0x0] =	vst.idx.msk $0xffff, v0;
	v0 =	vor.u32 v47, v20;
	v12 =	vld.idx.msk [tilespmem:v12+s19+$0x0], $0xffff;
	v11 =	vor.u32 v23, v50  }
0x2ae: {  	v39 =	vor.u32 v34, v39;
	[tilespmem:v1+s23+$0x0] =	vst.idx.msk $0xffff, v2;
	v1 =	vor.u32 s20, v57;
	v2 =	vld.idx.msk [tilespmem:v40+s19+$0x0], $0xffff  }
0x2af: {  	v40 =	vor.u32 v1, v31;
	v3 =	vld.idx.msk [tilespmem:v3+s19+$0x0], $0xffff  }
0x2b0: {  	v56 =	vor.u32 s6, v57;
	v57 =	vor.u32 s5, v62;
	[tilespmem:v43+s23+$0x0] =	vst.idx.msk $0xffff, v45  }
0x2b1: {  	v5 =	vor.u32 v56, v31;
	v45 =	vshll.u32 v47, $0x7;
	[tilespmem:v6+s23+$0x0] =	vst.idx.msk $0xffff, v46;
	v35 =	vor.u32 v57, v35  }
0x2b2: {  	v10 =	vor.u32 v17, v45;
	v1 =	vshll.u32 v1, $0x7;
	v0 =	vld.idx.msk [tilespmem:v0+s19+$0x0], $0xffff;
	[tilespmem:v11+s23+$0x0] =	vst.idx.msk $0xffff, v12  }
0x2b3: {  	v1 =	vor.u32 v23, v1;
	v11 =	vor.u32 s18, v58;
	v12 =	vld.idx.msk [tilespmem:v38+s19+$0x0], $0xffff;
	[tilespmem:v39+s23+$0x0] =	vst.idx.msk $0xffff, v2  }
0x2b4: {  	v6 =	vshll.u32 v57, $0x7;
	v2 =	vor.u32 v11, v20;
	v38 =	vld.idx.msk [tilespmem:v40+s19+$0x0], $0xffff;
	[tilespmem:v7+s23+$0x0] =	vst.idx.msk $0xffff, v3;
	v3 =	vor.u32 s20, v63  }
0x2b5: {  	v49 =	vor.u32 s6, v13;
	v51 =	vld.idx.msk [tilespmem:v51+s19+$0x0], $0xffff;
	v6 =	vor.u32 v34, v6;
	v34 =	vor.u32 v3, v31  }
0x2b6: {  	v56 =	vshll.u32 v56, $0x7;
	v37 =	vshll.u32 v49, $0x7;
	v43 =	vld.idx.msk [tilespmem:v35+s19+$0x0], $0xffff  }
0x2b7: {  	v55 =	vor.u32 v23, v56;
	v48 =	vor.u32 v23, v37;
	v5 =	vld.idx.msk [tilespmem:v5+s19+$0x0], $0xffff;
	[tilespmem:v10+s23+$0x0] =	vst.idx.msk $0xffff, v0  }
0x2b8: {  	v11 =	vshll.u32 v11, $0x7;
	v3 =	vshll.u32 v3, $0x7;
	v0 =	vor.u32 s6, v18;
	v18 =	vld [tilespmem:$0x1FE00]  }
0x2b9: {  	v11 =	vor.u32 v17, v11;
	v3 =	vor.u32 v23, v3;
	v2 =	vld.idx.msk [tilespmem:v2+s19+$0x0], $0xffff;
	[tilespmem:v1+s23+$0x0] =	vst.idx.msk $0xffff, v38  }
0x2ba: {  	v37 =	vor.u32 v0, v31;
	v0 =	vshll.u32 v0, $0x7;
	v1 =	vor.u32 s18, v41;
	v34 =	vld.idx.msk [tilespmem:v34+s19+$0x0], $0xffff  }
0x2bb: {  	[tilespmem:v52+s23+$0x0] =	vst.idx.msk $0xffff, v51;
	v39 =	vor.u32 v23, v0;
	v0 =	vor.u32 v1, v20  }
0x2bc: {  	[tilespmem:v6+s23+$0x0] =	vst.idx.msk $0xffff, v43  }
0x2bd: {  	[tilespmem:v55+s23+$0x0] =	vst.idx.msk $0xffff, v5  }
0x2be: {  	v8 =	vor.u32 v23, v8;
	v63 =	vor.u32 s6, v58;
	v58 =	vld.idx.msk [tilespmem:v9+s19+$0x0], $0xffff;
	[tilespmem:v11+s23+$0x0] =	vst.idx.msk $0xffff, v2  }
0x2bf: {  	v1 =	vshll.u32 v1, $0x7;
	v11 =	vld.idx.msk [tilespmem:v54+s19+$0x0], $0xffff;
	[tilespmem:v3+s23+$0x0] =	vst.idx.msk $0xffff, v34  }
0x2c0: {  	v1 =	vor.u32 v17, v1;
	v0 =	vld.idx.msk [tilespmem:v0+s19+$0x0], $0xffff;
	[tilespmem:v18+s23+$0x0] =	vst.idx.msk $0xffff, v12  }
0x2c1: {  	v50 =	vor.u32 v49, v31;
	v46 =	vor.u32 s6, v14;
	v10 =	vld [tilespmem:$0x1FE10]  }
0x2c2: {  	v35 =	vor.u32 s20, v15;
	v40 =	vor.u32 v63, v31;
	v63 =	vshll.u32 v63, $0x7  }
0x2c3: {  	v12 =	vor.u32 s6, v41;
	v41 =	vor.u32 v23, v63;
	v63 =	vor.u32 v35, v31;
	[tilespmem:v8+s23+$0x0] =	vst.idx.msk $0xffff, v58  }
0x2c4: {  	v57 =	vor.u32 s6, v36;
	v49 =	vor.u32 v46, v31;
	v47 =	vshll.u32 v46, $0x7;
	[tilespmem:v53+s23+$0x0] =	vst.idx.msk $0xffff, v11  }
0x2c5: {  	v45 =	vshll.u32 v57, $0x7;
	v46 =	vor.u32 v23, v47;
	v51 =	vor.u32 s6, v42;
	[tilespmem:v1+s23+$0x0] =	vst.idx.msk $0xffff, v0  }
0x2c6: {  	v47 =	vor.u32 v57, v31;
	v52 =	vshll.u32 v51, $0x7;
	v2 =	vor.u32 s6, v44;
	v11 =	vld [tilespmem:$0x1FE20]  }
0x2c7: {  	v57 =	vshll.u32 v2, $0x7;
	v38 =	vor.u32 v2, v31;
	v2 =	vshll.u32 v35, $0x7  }
0x2c8: {  	v54 =	vor.u32 v51, v31;
	v51 =	vor.u32 v23, v52;
	v2 =	vor.u32 v23, v2;
	v52 =	vld.idx.msk [tilespmem:v63+s19+$0x0], $0xffff  }
0x2c9: {  	v10 =	vld.idx.msk [tilespmem:v10+s19+$0x0], $0xffff;
	_ =	sdelay $0x2  }
0x2ca: {  	v63 =	vor.u32 s6, v60  }
0x2cb: {  	v4 =	vor.u32 s6, v15;
	v3 =	vor.u32 s18, v42;
	v1 =	vshll.u32 v63, $0x7;
	[tilespmem:v2+s23+$0x0] =	vst.idx.msk $0xffff, v52  }
0x2cc: {  	v56 =	vor.u32 v4, v31;
	v34 =	vor.u32 v23, v1;
	v1 =	vshll.u32 v3, $0x7;
	[tilespmem:v11+s23+$0x0] =	vst.idx.msk $0xffff, v10  }
0x2cd: {  	v8 =	vor.u32 s20, v13;
	v13 =	vor.u32 s6, v61;
	v61 =	vor.u32 v17, v1;
	v1 =	vld [tilespmem:$0x1FE30];
	_ =	sdelay $0x1  }
0x2ce: {  	v22 =	vor.u32 v22, v20;
	v4 =	vshll.u32 v4, $0x7;
	v58 =	vor.u32 v3, v20  }
0x2cf: {  	v4 =	vor.u32 v23, v4;
	v45 =	vor.u32 v23, v45;
	v42 =	vor.u32 s6, v62  }
0x2d0: {  	v43 =	vor.u32 v12, v31;
	v7 =	vshll.u32 v12, $0x7;
	v12 =	vld.idx.msk [tilespmem:v56+s19+$0x0], $0xffff;
	v0 =	vor.u32 v8, v31  }
0x2d1: {  	v35 =	vor.u32 v23, v57;
	v55 =	vor.u32 v23, v7;
	v57 =	vor.u32 v13, v31  }
0x2d2: {  	v62 =	vld.idx.msk [tilespmem:v59+s19+$0x0], $0xffff;
	v60 =	vor.u32 s18, v44;
	v36 =	vor.u32 v63, v31;
	v3 =	vshll.u32 v13, $0x7  }
0x2d3: {  	v59 =	vld.idx.msk [tilespmem:v58+s19+$0x0], $0xffff;
	v63 =	vor.u32 v60, v20;
	v58 =	vor.u32 s20, v14;
	v53 =	vor.u32 v23, v3  }
0x2d4: {  	v52 =	vor.u32 v42, v31;
	v2 =	vshll.u32 v8, $0x7;
	v56 =	vld.idx.msk [tilespmem:v1+s19+$0x0], $0xffff;
	v1 =	vshll.u32 v42, $0x7  }
0x2d5: {  	s8 =	simm.s32 $0x18;
	s5 =	simm.s32 $0x4;
	s6 =	simm.s32 $0x60;
	v0 =	vld.idx.msk [tilespmem:v0+s19+$0x0], $0xffff;
	[tilespmem:v4+s23+$0x0] =	vst.idx.msk $0xffff, v12;
	v42 =	vor.u32 v23, v1;
	v1 =	vor.u32 v23, v2  }
.LBB2_6:
0x2d6: {  	v2 =	vld.idx.msk [tilespmem:v50+s19+$0x0], $0xffff  }
0x2d7: {  	v13 =	vld [tilespmem:$0x1FFF0]  }
0x2d8: {  	v12 =	vld [tilespmem:$0x1FDF0]  }
0x2d9: {  	v9 =	vshll.u32 v60, $0x7;
	v60 =	vld [tilespmem:$0x1FF50]  }
0x2da: {  	v15 =	vld [tilespmem:$0x1FF20]  }
0x2db: {  	[tilespmem:v61+s23+$0x0] =	vst.idx.msk $0xffff, v59;
	v61 =	vld [tilespmem:$0x1FFA0]  }
0x2dc: {  	s9 =	sand.u32 $0x20, s6;
	s10 =	sand.u32 $0x70, s8;
	v3 =	vor.u32 v58, v31;
	v7 =	vlaneseq.u32;
	[tilespmem:v26+s23+$0x0] =	vst.idx.msk $0xffff, v62;
	v59 =	vld [tilespmem:$0x1FF40]  }
0x2dd: {  	v26 =	vmov v55;
	v55 =	vor.u32 s10, v7;
	s10 =	sor.u32 $0x10, s9;
	v6 =	vld.idx.msk [tilespmem:v28+s19+$0x0], $0xffff  }
0x2de: {  	v4 =	vor.u32 s9, v7;
	v28 =	vmovc v54;
	v54 =	vshll.u32 v55, $0x7;
	v7 =	vor.u32 s10, v7;
	v8 =	vld.idx.msk [tilespmem:v63+s19+$0x0], $0xffff  }
0x2df: {  	v9 =	vor.u32 v17, v9;
	[tilespmem:v16+s23+$0x0] =	vst.idx.msk $0xffff, v56;
	v63 =	vshll.u32 v58, $0x7;
	v58 =	vld [tilespmem:$0x1FF10];
	v10 =	vor.u32 v7, v54  }
0x2e0: {  	v44 =	vmovc v57;
	[tilespmem:v1+s23+$0x0] =	vst.idx.msk $0xffff, v0;
	v16 =	vld [tilespmem:$0x1FF30];
	v5 =	vor.u32 s9, v13;
	v50 =	vor.u32 v4, v54;
	v4 =	vshll.u32 v4, $0x7  }
0x2e1: {  	v14 =	vmovc v22;
	v3 =	vld.idx.msk [tilespmem:v3+s19+$0x0], $0xffff;
	v7 =	vshll.u32 v7, $0x7;
	v1 =	vor.u32 v55, v4;
	v4 =	vor.u32 v5, v54  }
0x2e2: {  	v5 =	vshll.u32 v5, $0x7;
	v7 =	vor.u32 v55, v7;
	v11 =	vor.u32 s18, v61;
	v12 =	vld.idx.msk [tilespmem:v12+s19+$0x0], $0xffff;
	[tilespmem:v48+s23+$0x0] =	vst.idx.msk $0xffff, v2  }
0x2e3: {  	v22 =	vmovc v52;
	v2 =	vor.u32 v23, v63;
	v48 =	vor.u32 s20, v60;
	v0 =	vor.u32 v11, v20;
	v49 =	vld.idx.msk [tilespmem:v49+s19+$0x0], $0xffff  }
0x2e4: {  	[tilespmem:$0x1FDF0] =	vst v14;
	v5 =	vor.u32 v55, v5;
	v14 =	vor.u32 s9, v58;
	v62 =	vor.u32 v48, v31;
	v10 =	vld.idx.msk [tilespmem:v10+s19+$0x0], $0xffff  }
0x2e5: {  	[tilespmem:v27+s23+$0x0] =	vst.idx.msk $0xffff, v6;
	v63 =	vshll.u32 v11, $0x7;
	v27 =	vmovc v51;
	v56 =	vor.u32 v14, v54;
	v52 =	vshll.u32 v14, $0x7;
	v14 =	vld [tilespmem:$0x1FFB0]  }
0x2e6: {  	[tilespmem:v9+s23+$0x0] =	vst.idx.msk $0xffff, v8;
	v8 =	vor.u32 s10, v13;
	v9 =	vld.idx.msk [tilespmem:v50+s19+$0x0], $0xffff;
	v6 =	vor.u32 v17, v63;
	v13 =	vor.u32 s9, v15  }
0x2e7: {  	v63 =	vld [tilespmem:$0x1FFE0];
	v11 =	vor.u32 v8, v54;
	v51 =	vor.u32 v55, v52;
	v52 =	vshll.u32 v13, $0x7;
	[tilespmem:v19+s23+$0x0] =	vst.idx.msk $0xffff, v12  }
0x2e8: {  	v60 =	vor.u32 s9, v60;
	v48 =	vshll.u32 v48, $0x7;
	v52 =	vor.u32 v55, v52;
	v0 =	vld.idx.msk [tilespmem:v0+s19+$0x0], $0xffff;
	[tilespmem:v2+s23+$0x0] =	vst.idx.msk $0xffff, v3  }
0x2e9: {  	v8 =	vshll.u32 v8, $0x7;
	v12 =	vor.u32 v23, v48;
	v19 =	vor.u32 s9, v16;
	[tilespmem:v46+s23+$0x0] =	vst.idx.msk $0xffff, v49;
	v57 =	vld.idx.msk [tilespmem:v62+s19+$0x0], $0xffff  }
0x2ea: {  	v3 =	vor.u32 v13, v54;
	v46 =	vor.u32 s20, v59;
	v50 =	vor.u32 s18, v14;
	[tilespmem:v7+s23+$0x0] =	vst.idx.msk $0xffff, v10;
	v7 =	vld.idx.msk [tilespmem:v47+s19+$0x0], $0xffff  }
0x2eb: {  	v18 =	vmovc v21;
	v21 =	vmovc v53;
	v53 =	vor.u32 v19, v54;
	v49 =	vshll.u32 v19, $0x7;
	v62 =	vld [tilespmem:$0x1FFC0];
	v2 =	vor.u32 v50, v20  }
0x2ec: {  	v48 =	vor.u32 s9, v63;
	v10 =	vor.u32 v46, v31;
	[tilespmem:v1+s23+$0x0] =	vst.idx.msk $0xffff, v9;
	v1 =	vor.u32 s10, v58;
	v11 =	vld.idx.msk [tilespmem:v11+s19+$0x0], $0xffff  }
0x2ed: {  	v58 =	vor.u32 v55, v49;
	v13 =	vshll.u32 v50, $0x7;
	v4 =	vld.idx.msk [tilespmem:v4+s19+$0x0], $0xffff;
	v50 =	vor.u32 v48, v54  }
0x2ee: {  	v47 =	vshll.u32 v48, $0x7;
	[tilespmem:v6+s23+$0x0] =	vst.idx.msk $0xffff, v0;
	v0 =	vor.u32 v55, v8;
	v6 =	vor.u32 v17, v13;
	v13 =	vld [tilespmem:$0x1FFD0]  }
0x2ef: {  	v48 =	vor.u32 v55, v47;
	v8 =	vor.u32 v1, v54;
	v1 =	vshll.u32 v1, $0x7;
	[tilespmem:v45+s23+$0x0] =	vst.idx.msk $0xffff, v7;
	v45 =	vld [tilespmem:$0x1FF60]  }
0x2f0: {  	v47 =	vor.u32 v60, v54;
	v9 =	vor.u32 s18, v62;
	v1 =	vor.u32 v55, v1;
	v2 =	vld.idx.msk [tilespmem:v2+s19+$0x0], $0xffff  }
0x2f1: {  	[tilespmem:v12+s23+$0x0] =	vst.idx.msk $0xffff, v57;
	v12 =	vor.u32 v9, v20;
	v57 =	vshll.u32 v46, $0x7;
	v32 =	vld.idx.msk [tilespmem:v32+s19+$0x0], $0xffff  }
0x2f2: {  	[tilespmem:v5+s23+$0x0] =	vst.idx.msk $0xffff, v4;
	v10 =	vld.idx.msk [tilespmem:v10+s19+$0x0], $0xffff;
	v7 =	vor.u32 v23, v57;
	v57 =	vshll.u32 v9, $0x7  }
0x2f3: {  	s18 =	smov.u32 s20;
	v20 =	vmov v31;
	v5 =	vor.u32 v17, v57;
	v57 =	vld.idx.msk [tilespmem:v37+s19+$0x0], $0xffff;
	v31 =	vor.u32 s9, v13;
	[tilespmem:v0+s23+$0x0] =	vst.idx.msk $0xffff, v11  }
0x2f4: {  	v19 =	vmovc v33;
	v11 =	vshll.u32 v60, $0x7;
	v60 =	vor.u32 s9, v59;
	v33 =	vor.u32 s18, v45;
	v8 =	vld.idx.msk [tilespmem:v8+s19+$0x0], $0xffff  }
0x2f5: {  	v49 =	vor.u32 v31, v54;
	v37 =	vor.u32 v60, v54;
	v59 =	vshll.u32 v60, $0x7;
	v60 =	vld [tilespmem:$0x1FF70]  }
0x2f6: {  	s20 =	smov.u32 s10;
	v31 =	vshll.u32 v31, $0x7;
	v0 =	vor.u32 v33, v20;
	[tilespmem:v6+s23+$0x0] =	vst.idx.msk $0xffff, v2;
	v6 =	vld.idx.msk [tilespmem:v56+s19+$0x0], $0xffff  }
0x2f7: {  	v17 =	vmovc v23;
	v46 =	vor.u32 v55, v31;
	v2 =	vor.u32 s20, v15;
	v56 =	vor.u32 s9, v45  }
0x2f8: {  	v23 =	vmovc v55;
	v45 =	vor.u32 v55, v11;
	v33 =	vshll.u32 v33, $0x7;
	v4 =	vld.idx.msk [tilespmem:v12+s19+$0x0], $0xffff;
	v9 =	vor.u32 v2, v54  }
0x2f9: {  	[tilespmem:v7+s23+$0x0] =	vst.idx.msk $0xffff, v10;
	v7 =	vor.u32 v17, v33;
	v10 =	vor.u32 v23, v59  }
0x2fa: {  	[tilespmem:v30+s23+$0x0] =	vst.idx.msk $0xffff, v32;
	v2 =	vshll.u32 v2, $0x7;
	v11 =	vor.u32 s18, v60;
	v30 =	vor.u32 s9, v60;
	v60 =	vld [tilespmem:$0x1FF90]  }
0x2fb: {  	v32 =	vmovc v38;
	v55 =	vshll.u32 v56, $0x7;
	v31 =	vmov v54;
	v2 =	vor.u32 v23, v2;
	[tilespmem:v51+s23+$0x0] =	vst.idx.msk $0xffff, v6;
	v51 =	vld [tilespmem:$0x1FF80]  }
0x2fc: {  	v0 =	vld.idx.msk [tilespmem:v0+s19+$0x0], $0xffff;
	[tilespmem:v1+s23+$0x0] =	vst.idx.msk $0xffff, v8;
	v1 =	vor.u32 v11, v20;
	v8 =	vor.u32 v56, v31  }
0x2fd: {  	v6 =	vor.u32 v30, v31;
	v9 =	vld.idx.msk [tilespmem:v9+s19+$0x0], $0xffff;
	[tilespmem:v5+s23+$0x0] =	vst.idx.msk $0xffff, v4;
	v5 =	vor.u32 s20, v16;
	v16 =	vmov v18  }
0x2fe: {  	v3 =	vld.idx.msk [tilespmem:v3+s19+$0x0], $0xffff;
	[tilespmem:v39+s23+$0x0] =	vst.idx.msk $0xffff, v57;
	v18 =	vshll.u32 v30, $0x7;
	v12 =	vor.u32 v5, v31;
	v5 =	vshll.u32 v5, $0x7  }
0x2ff: {  	v4 =	vor.u32 v23, v55;
	v56 =	vld.idx.msk [tilespmem:v40+s19+$0x0], $0xffff;
	v55 =	vor.u32 v23, v18;
	v5 =	vor.u32 v23, v5  }
0x300: {  	v39 =	vmovc v10;
	v40 =	vmovc v8;
	v10 =	vld.idx.msk [tilespmem:v25+s19+$0x0], $0xffff;
	v33 =	vor.u32 s9, v60;
	v60 =	vor.u32 s18, v60;
	v15 =	vor.u32 s9, v51  }
0x301: {  	[tilespmem:v7+s23+$0x0] =	vst.idx.msk $0xffff, v0;
	v8 =	vor.u32 s18, v51;
	v38 =	vor.u32 v33, v31;
	v54 =	vor.u32 v15, v31  }
0x302: {  	v30 =	vmovc v35;
	v0 =	vld.idx.msk [tilespmem:v1+s19+$0x0], $0xffff;
	v1 =	vshll.u32 v11, $0x7;
	v59 =	vshll.u32 v15, $0x7;
	v11 =	vshll.u32 v33, $0x7;
	[tilespmem:v2+s23+$0x0] =	vst.idx.msk $0xffff, v9  }
0x303: {  	v2 =	vor.u32 v8, v20;
	[tilespmem:v52+s23+$0x0] =	vst.idx.msk $0xffff, v3;
	v3 =	vor.u32 s9, v61;
	v1 =	vor.u32 v17, v1  }
0x304: {  	v25 =	vmovc v36;
	v9 =	vor.u32 s20, v63;
	v63 =	vor.u32 v60, v20;
	v35 =	vor.u32 v23, v11;
	v11 =	vld.idx.msk [tilespmem:v53+s19+$0x0], $0xffff  }
0x305: {  	s5 =	sadd.s32 $0x2, s5;
	v51 =	vor.u32 v23, v59;
	v7 =	vld.idx.msk [tilespmem:v12+s19+$0x0], $0xffff;
	v36 =	vor.u32 v3, v31;
	v12 =	vor.u32 v9, v31  }
0x306: {  	p2 =	slt.u32 s5, $0x1E;
	v33 =	vmovc v42;
	[tilespmem:v41+s23+$0x0] =	vst.idx.msk $0xffff, v56;
	v3 =	vshll.u32 v3, $0x7;
	v42 =	vor.u32 s9, v14;
	v14 =	vor.u32 s9, v62;
	v41 =	vmovc v4  }
.Ltmp2:
0x307: {  	v62 =	vld.idx.msk [tilespmem:v43+s19+$0x0], $0xffff;
	v3 =	vor.u32 v23, v3;
	[tilespmem:v24+s23+$0x0] =	vst.idx.msk $0xffff, v10;
	v57 =	vor.u32 v42, v31;
	(pc) =	sbr.rel @p2 .LBB2_6-.Ltmp2, $4  }
0x308: {  	v43 =	vmovc v6;
	v52 =	vor.u32 v14, v31;
	v24 =	vmov v34;
	[tilespmem:v1+s23+$0x0] =	vst.idx.msk $0xffff, v0;
	v1 =	vshll.u32 v8, $0x7  }
0x309: {  	v56 =	vld.idx.msk [tilespmem:v29+s19+$0x0], $0xffff;
	v34 =	vmov v3;
	v0 =	vshll.u32 v42, $0x7;
	[tilespmem:v58+s23+$0x0] =	vst.idx.msk $0xffff, v11;
	v61 =	vor.u32 v17, v1  }
0x30a: {  	v59 =	vld.idx.msk [tilespmem:v2+s19+$0x0], $0xffff;
	v53 =	vor.u32 v23, v0;
	v0 =	vshll.u32 v14, $0x7;
	[tilespmem:v5+s23+$0x0] =	vst.idx.msk $0xffff, v7;
	v1 =	vshll.u32 v9, $0x7  }
0x30b: {  	s6 =	sadd.s32 $0x20, s6;
	s8 =	sadd.s32 $0x8, s8;
	v29 =	vmovc v44;
	v58 =	vor.u32 s20, v13;
	v42 =	vor.u32 v23, v0;
	v0 =	vld.idx.msk [tilespmem:v12+s19+$0x0], $0xffff;
	v1 =	vor.u32 v23, v1  }
0x30c: {  	_ =	sdelay $0x3  }
0x30d: {  	v2 =	vld.idx.msk [tilespmem:v50+s19+$0x0], $0xffff;
	v3 =	vor.u32 v58, v31;
	_ =	sdelay $0x3  }
0x30e: {  	[tilespmem:v1+s23+$0x0] =	vst.idx.msk $0xffff, v0  }
0x30f: {  	v0 =	vshll.u32 v58, $0x7;
	v1 =	vld.idx.msk [tilespmem:v3+s19+$0x0], $0xffff;
	[tilespmem:v48+s23+$0x0] =	vst.idx.msk $0xffff, v2  }
0x310: {  	v0 =	vor.u32 v23, v0;
	v18 =	vld [tilespmem:$0x1FF50]  }
0x311: {  	v3 =	vld.idx.msk [tilespmem:v49+s19+$0x0], $0xffff;
	_ =	sdelay $0x3  }
0x312: {  	[tilespmem:v0+s23+$0x0] =	vst.idx.msk $0xffff, v1  }
0x313: {  	v2 =	vor.u32 s20, v18;
	[tilespmem:v46+s23+$0x0] =	vst.idx.msk $0xffff, v3  }
0x314: {  	v4 =	vor.u32 v2, v31;
	v46 =	vld [tilespmem:$0x1FF40];
	_ =	sdelay $0x3  }
0x315: {  	v0 =	vshll.u32 v2, $0x7  }
0x316: {  	v0 =	vor.u32 v23, v0;
	v1 =	vld.idx.msk [tilespmem:v4+s19+$0x0], $0xffff;
	v2 =	vor.u32 s20, v46  }
0x317: {  	v3 =	vld.idx.msk [tilespmem:v47+s19+$0x0], $0xffff;
	v10 =	vor.u32 v2, v31;
	_ =	sdelay $0x3  }
0x318: {  	[tilespmem:v0+s23+$0x0] =	vst.idx.msk $0xffff, v1  }
0x319: {  	[tilespmem:v45+s23+$0x0] =	vst.idx.msk $0xffff, v3;
	v0 =	vshll.u32 v2, $0x7;
	v1 =	vld.idx.msk [tilespmem:v10+s19+$0x0], $0xffff  }
0x31a: {  	v0 =	vor.u32 v23, v0;
	v58 =	vld [tilespmem:$0x1FF60];
	_ =	sdelay $0x4  }
0x31b: {  	v11 =	vld.idx.msk [tilespmem:v37+s19+$0x0], $0xffff;
	v2 =	vor.u32 s20, v58;
	[tilespmem:v0+s23+$0x0] =	vst.idx.msk $0xffff, v1  }
0x31c: {  	v3 =	vor.u32 v2, v31;
	v37 =	vld [tilespmem:$0x1FF70];
	_ =	sdelay $0x3  }
0x31d: {  	v0 =	vshll.u32 v2, $0x7  }
0x31e: {  	v0 =	vor.u32 v23, v0;
	v1 =	vld.idx.msk [tilespmem:v3+s19+$0x0], $0xffff;
	v2 =	vor.u32 s20, v37  }
0x31f: {  	v3 =	vor.u32 v2, v31  }
0x320: {  	[tilespmem:v39+s23+$0x0] =	vst.idx.msk $0xffff, v11  }
0x321: {  	v4 =	vld.idx.msk [tilespmem:v40+s19+$0x0], $0xffff;
	_ =	sdelay $0x1  }
0x322: {  	[tilespmem:v0+s23+$0x0] =	vst.idx.msk $0xffff, v1  }
0x323: {  	v0 =	vshll.u32 v2, $0x7;
	v1 =	vld.idx.msk [tilespmem:v3+s19+$0x0], $0xffff  }
0x324: {  	v0 =	vor.u32 v23, v0;
	v39 =	vld [tilespmem:$0x1FF80]  }
0x325: {  	[tilespmem:v41+s23+$0x0] =	vst.idx.msk $0xffff, v4  }
0x326: {  	v4 =	vld.idx.msk [tilespmem:v43+s19+$0x0], $0xffff;
	_ =	sdelay $0x1  }
0x327: {  	[tilespmem:v26+s23+$0x0] =	vst.idx.msk $0xffff, v62  }
0x328: {  	v2 =	vor.u32 s20, v39;
	[tilespmem:v0+s23+$0x0] =	vst.idx.msk $0xffff, v1  }
0x329: {  	v3 =	vor.u32 v2, v31;
	v44 =	vld [tilespmem:$0x1FF90]  }
0x32a: {  	[tilespmem:v55+s23+$0x0] =	vst.idx.msk $0xffff, v4  }
0x32b: {  	v5 =	vld.idx.msk [tilespmem:v28+s19+$0x0], $0xffff;
	[tilespmem:v61+s23+$0x0] =	vst.idx.msk $0xffff, v59  }
0x32c: {  	v6 =	vshll.u32 v60, $0x7;
	v60 =	vld [tilespmem:$0x1FFA0]  }
0x32d: {  	v0 =	vshll.u32 v2, $0x7;
	v4 =	vld.idx.msk [tilespmem:v54+s19+$0x0], $0xffff  }
0x32e: {  	v0 =	vor.u32 v23, v0;
	v1 =	vld.idx.msk [tilespmem:v3+s19+$0x0], $0xffff;
	v2 =	vor.u32 s20, v44  }
0x32f: {  	v6 =	vor.u32 v17, v6;
	v7 =	vld.idx.msk [tilespmem:v63+s19+$0x0], $0xffff;
	v3 =	vor.u32 v2, v31;
	_ =	sdelay $0x1  }
0x330: {  	[tilespmem:v27+s23+$0x0] =	vst.idx.msk $0xffff, v5;
	v8 =	vor.u32 s18, v60  }
0x331: {  	v9 =	vld.idx.msk [tilespmem:v32+s19+$0x0], $0xffff;
	[tilespmem:v51+s23+$0x0] =	vst.idx.msk $0xffff, v4;
	v12 =	vor.u32 v8, v20  }
0x332: {  	v4 =	vld.idx.msk [tilespmem:v38+s19+$0x0], $0xffff;
	[tilespmem:v0+s23+$0x0] =	vst.idx.msk $0xffff, v1  }
0x333: {  	[tilespmem:v6+s23+$0x0] =	vst.idx.msk $0xffff, v7;
	v0 =	vshll.u32 v2, $0x7;
	v1 =	vld.idx.msk [tilespmem:v3+s19+$0x0], $0xffff  }
0x334: {  	v2 =	vor.u32 s20, v60;
	v0 =	vor.u32 v23, v0;
	v61 =	vld [tilespmem:$0x1FFB0]  }
0x335: {  	v13 =	vshll.u32 v8, $0x7;
	v3 =	vor.u32 v2, v31  }
0x336: {  	v6 =	vor.u32 v17, v13;
	[tilespmem:v30+s23+$0x0] =	vst.idx.msk $0xffff, v9;
	v5 =	vld.idx.msk [tilespmem:v12+s19+$0x0], $0xffff  }
0x337: {  	v9 =	vld.idx.msk [tilespmem:v25+s19+$0x0], $0xffff;
	[tilespmem:v35+s23+$0x0] =	vst.idx.msk $0xffff, v4  }
0x338: {  	v4 =	vld.idx.msk [tilespmem:v36+s19+$0x0], $0xffff  }
0x339: {  	v14 =	vor.u32 s18, v61;
	[tilespmem:v0+s23+$0x0] =	vst.idx.msk $0xffff, v1;
	v0 =	vshll.u32 v2, $0x7  }
0x33a: {  	v2 =	vor.u32 s20, v61;
	v32 =	vor.u32 v14, v20;
	v1 =	vld.idx.msk [tilespmem:v3+s19+$0x0], $0xffff;
	v0 =	vor.u32 v23, v0  }
0x33b: {  	v3 =	vor.u32 v2, v31;
	[tilespmem:v6+s23+$0x0] =	vst.idx.msk $0xffff, v5  }
0x33c: {  	v62 =	vld [tilespmem:$0x1FFC0];
	[tilespmem:v24+s23+$0x0] =	vst.idx.msk $0xffff, v9  }
0x33d: {  	[tilespmem:v34+s23+$0x0] =	vst.idx.msk $0xffff, v4;
	v9 =	vld.idx.msk [tilespmem:v29+s19+$0x0], $0xffff  }
0x33e: {  	v4 =	vld.idx.msk [tilespmem:v57+s19+$0x0], $0xffff  }
0x33f: {  	v36 =	vshll.u32 v14, $0x7;
	v6 =	vld.idx.msk [tilespmem:v32+s19+$0x0], $0xffff;
	[tilespmem:v0+s23+$0x0] =	vst.idx.msk $0xffff, v1  }
0x340: {  	v5 =	vor.u32 v17, v36;
	[tilespmem:v16+s23+$0x0] =	vst.idx.msk $0xffff, v56;
	v0 =	vshll.u32 v2, $0x7;
	v1 =	vld.idx.msk [tilespmem:v3+s19+$0x0], $0xffff  }
0x341: {  	v38 =	vor.u32 s18, v62;
	v0 =	vor.u32 v23, v0;
	v10 =	vld [tilespmem:$0x1FDF0]  }
0x342: {  	v2 =	vor.u32 s20, v62;
	v40 =	vor.u32 v38, v20  }
0x343: {  	v3 =	vor.u32 v2, v31;
	[tilespmem:v21+s23+$0x0] =	vst.idx.msk $0xffff, v9  }
0x344: {  	[tilespmem:v53+s23+$0x0] =	vst.idx.msk $0xffff, v4  }
0x345: {  	v43 =	vld.idx.msk [tilespmem:v22+s19+$0x0], $0xffff;
	[tilespmem:v5+s23+$0x0] =	vst.idx.msk $0xffff, v6  }
0x346: {  	v41 =	vshll.u32 v38, $0x7;
	[tilespmem:v0+s23+$0x0] =	vst.idx.msk $0xffff, v1;
	v0 =	vshll.u32 v2, $0x7;
	v2 =	vld.idx.msk [tilespmem:v52+s19+$0x0], $0xffff  }
0x347: {  	v5 =	vor.u32 v17, v41;
	v6 =	vld.idx.msk [tilespmem:v40+s19+$0x0], $0xffff  }
0x348: {  	v1 =	vld.idx.msk [tilespmem:v3+s19+$0x0], $0xffff;
	v0 =	vor.u32 v23, v0  }
0x349: {  	v10 =	vld.idx.msk [tilespmem:v10+s19+$0x0], $0xffff  }
0x34a: {  	[tilespmem:v33+s23+$0x0] =	vst.idx.msk $0xffff, v43  }
0x34b: {  	[tilespmem:v42+s23+$0x0] =	vst.idx.msk $0xffff, v2  }
0x34c: {  	[tilespmem:v5+s23+$0x0] =	vst.idx.msk $0xffff, v6  }
0x34d: {  	[tilespmem:v0+s23+$0x0] =	vst.idx.msk $0xffff, v1  }
0x34e: {  	[tilespmem:v19+s23+$0x0] =	vst.idx.msk $0xffff, v10  }
0x34f: {  	s8 =	simm.s32 $0x0;
	s5 =	rddreg [dreg:$0x8]  }
0x350: {  	[hbm4b:s5+s24] =	stream.strided.scatter [tilespmem:s23], [sflag:$0x5], $0x2000, s25, s24, $0x38;
	[tilespmem:$0x16148] =	vst v63  }
0x351: {  	s6 =	sand.u32 $0x20, s8;
	v49 =	vlaneseq.u32;
	s5 =	sand.u32 $0x70, s8;
	_ =	swait.ge [sflag:s31], $0x4000  }
0x352: {  	v34 =	vor.u32 s5, v49;
	s5 =	sor.u32 $0x10, s6;
	[sflag:s31] =	ssyncset.done $0x0  }
0x353: {  	v35 =	vshll.u32 v34, $0x7;
	v0 =	vor.u32 s5, v49;
	[sflag:s31] =	ssyncadd.s32 $0xFFFFC000  }
0x354: {  	v1 =	vor.u32 v0, v35;
	_ =	swait.ge [sflag:s0], $0x2000  }
0x355: {  	v50 =	vld [tilespmem:$0x1FFF0]  }
0x356: {  	v2 =	vor.u32 s6, v49  }
0x357: {  	v3 =	vor.u32 v2, v35;
	[sflag:s0] =	ssyncset.done $0x0  }
0x358: {  	v0 =	vshll.u32 v0, $0x7;
	[sflag:s0] =	ssyncadd.s32 $0xFFFFE000  }
0x359: {  	v0 =	vor.u32 v34, v0;
	v1 =	vld.idx.msk [tilespmem:v1+s21+$0x0], $0xffff  }
0x35a: {  	v45 =	vor.u32 s5, v50  }
0x35b: {  	v2 =	vshll.u32 v2, $0x7;
	v47 =	vor.u32 v45, v35  }
0x35c: {  	v2 =	vor.u32 v34, v2;
	v3 =	vld.idx.msk [tilespmem:v3+s21+$0x0], $0xffff  }
0x35d: {  	v48 =	vor.u32 s6, v50  }
0x35e: {  	v51 =	vor.u32 v48, v35;
	[tilespmem:v0+s28+$0x0] =	vst.idx.msk $0xffff, v1  }
0x35f: {  	v0 =	vshll.u32 v45, $0x7;
	v57 =	vld [tilespmem:$0x1FF10]  }
0x360: {  	v0 =	vor.u32 v34, v0;
	v1 =	vld.idx.msk [tilespmem:v47+s21+$0x0], $0xffff  }
0x361: {  	[tilespmem:v2+s28+$0x0] =	vst.idx.msk $0xffff, v3  }
0x362: {  	v6 =	vshll.u32 v48, $0x7;
	v63 =	vld [tilespmem:$0x1FF20]  }
0x363: {  	v2 =	vor.u32 v34, v6;
	v7 =	vld.idx.msk [tilespmem:v51+s21+$0x0], $0xffff  }
0x364: {  	v17 =	vor.u32 s6, v58;
	v43 =	vor.u32 s6, v37  }
0x365: {  	v25 =	vor.u32 v17, v35;
	v21 =	vor.u32 v43, v35;
	v52 =	vor.u32 s5, v57;
	[tilespmem:v0+s28+$0x0] =	vst.idx.msk $0xffff, v1  }
0x366: {  	v45 =	vor.u32 s6, v39;
	v54 =	vor.u32 s6, v57;
	v53 =	vor.u32 v52, v35;
	v15 =	vld [tilespmem:$0x1FF30]  }
0x367: {  	v47 =	vor.u32 s6, v44;
	v3 =	vshll.u32 v54, $0x7;
	v8 =	vor.u32 v54, v35;
	v13 =	vld [tilespmem:$0x1FFE0]  }
0x368: {  	v55 =	vor.u32 s6, v63;
	v32 =	vor.u32 s5, v63;
	v54 =	vor.u32 s6, v61;
	[tilespmem:v2+s28+$0x0] =	vst.idx.msk $0xffff, v7  }
0x369: {  	v3 =	vor.u32 v34, v3;
	v56 =	vshll.u32 v55, $0x7;
	v6 =	vor.u32 v55, v35;
	v14 =	vld [tilespmem:$0x1FFD0]  }
0x36a: {  	v0 =	vshll.u32 v52, $0x7;
	v12 =	vor.u32 v32, v35;
	v4 =	vor.u32 v54, v35  }
0x36b: {  	v9 =	vor.u32 v34, v56;
	v0 =	vor.u32 v34, v0;
	v56 =	vor.u32 v45, v35;
	v59 =	vld.idx.msk [tilespmem:v53+s21+$0x0], $0xffff  }
0x36c: {  	v8 =	vld.idx.msk [tilespmem:v8+s21+$0x0], $0xffff;
	v1 =	vor.u32 s6, v15;
	v33 =	vor.u32 s6, v13;
	v41 =	vor.u32 s5, v15  }
0x36d: {  	v51 =	vor.u32 s5, v13;
	v11 =	vshll.u32 v1, $0x7;
	v1 =	vor.u32 v1, v35  }
0x36e: {  	v16 =	vshll.u32 v33, $0x7;
	v2 =	vor.u32 v33, v35;
	v36 =	vor.u32 s6, v14  }
0x36f: {  	v11 =	vor.u32 v34, v11;
	v7 =	vor.u32 v34, v16;
	v28 =	vor.u32 v36, v35  }
0x370: {  	v10 =	vshll.u32 v36, $0x7;
	v16 =	vor.u32 s6, v18;
	[tilespmem:v0+s28+$0x0] =	vst.idx.msk $0xffff, v59;
	v0 =	vshll.u32 v32, $0x7  }
0x371: {  	s8 =	simm.s32 $0x8;
	v29 =	vor.u32 v16, v35;
	[tilespmem:v3+s28+$0x0] =	vst.idx.msk $0xffff, v8;
	v40 =	vld.idx.msk [tilespmem:v12+s21+$0x0], $0xffff;
	v0 =	vor.u32 v34, v0  }
0x372: {  	s8 =	sand.u32 $0x70, s8;
	v38 =	vshll.u32 v16, $0x7;
	v16 =	vor.u32 s6, v46;
	v36 =	vmovc v18;
	v18 =	vor.u32 v41, v35;
	v6 =	vld.idx.msk [tilespmem:v6+s21+$0x0], $0xffff  }
0x373: {  	v3 =	vshll.u32 v17, $0x7;
	v59 =	vor.u32 s6, v62;
	v17 =	vor.u32 s8, v49  }
0x374: {  	v26 =	vor.u32 v16, v35;
	v22 =	vor.u32 v34, v3;
	v3 =	vshll.u32 v43, $0x7  }
0x375: {  	v42 =	vshll.u32 v16, $0x7;
	v23 =	vor.u32 v34, v3;
	v3 =	vshll.u32 v45, $0x7  }
0x376: {  	v55 =	vor.u32 v34, v3;
	v3 =	vshll.u32 v47, $0x7;
	[tilespmem:v0+s28+$0x0] =	vst.idx.msk $0xffff, v40;
	v0 =	vshll.u32 v41, $0x7  }
0x377: {  	s9 =	simm.s32 $0x20;
	v3 =	vor.u32 v34, v3;
	[tilespmem:v9+s28+$0x0] =	vst.idx.msk $0xffff, v6;
	v48 =	vld.idx.msk [tilespmem:v18+s21+$0x0], $0xffff;
	v0 =	vor.u32 v34, v0  }
0x378: {  	v16 =	vor.u32 v51, v35;
	v20 =	vshll.u32 v17, $0x7;
	[tilespmem:$0x1FDB0] =	vst v3;
	v3 =	vor.u32 s6, v60;
	s6 =	sand.u32 $0x20, s9  }
0x379: {  	v53 =	vor.u32 v3, v35;
	v3 =	vshll.u32 v3, $0x7;
	v41 =	vor.u32 s6, v49  }
0x37a: {  	v33 =	vor.u32 s5, v14;
	v1 =	vld.idx.msk [tilespmem:v1+s21+$0x0], $0xffff;
	[tilespmem:$0x1FDC0] =	vst v53;
	v3 =	vor.u32 v34, v3;
	v45 =	vor.u32 v41, v20  }
0x37b: {  	v10 =	vor.u32 v34, v10;
	v27 =	vor.u32 v34, v38;
	v38 =	vor.u32 v47, v35;
	[tilespmem:$0x1FDD0] =	vst v3  }
0x37c: {  	v5 =	vor.u32 v59, v35;
	v24 =	vor.u32 v34, v42;
	v40 =	vshll.u32 v59, $0x7;
	[tilespmem:v0+s28+$0x0] =	vst.idx.msk $0xffff, v48  }
0x37d: {  	v42 =	vor.u32 s6, v50;
	v3 =	vshll.u32 v54, $0x7;
	v0 =	vshll.u32 v51, $0x7;
	v32 =	vld.idx.msk [tilespmem:v16+s21+$0x0], $0xffff;
	[tilespmem:$0x1FDE0] =	vst v4  }
0x37e: {  	v0 =	vor.u32 v34, v0;
	v16 =	vor.u32 v34, v3;
	[tilespmem:$0x1FDA0] =	vst v5;
	v4 =	vshll.u32 v41, $0x7  }
0x37f: {  	s18 =	sor.u32 $0x10, s6;
	v3 =	vor.u32 v33, v35;
	[tilespmem:v11+s28+$0x0] =	vst.idx.msk $0xffff, v1;
	v4 =	vor.u32 v17, v4;
	v11 =	vld.idx.msk [tilespmem:v45+s21+$0x0], $0xffff  }
0x380: {  	v19 =	vor.u32 v34, v40;
	v5 =	vor.u32 v42, v20;
	v1 =	vld.idx.msk [tilespmem:v2+s21+$0x0], $0xffff;
	v2 =	vor.u32 s18, v49  }
0x381: {  	v52 =	vor.u32 s6, v63;
	v59 =	vor.u32 s6, v13;
	v43 =	vor.u32 v2, v20  }
0x382: {  	v47 =	vshll.u32 v42, $0x7;
	v30 =	vor.u32 s18, v50;
	v8 =	vor.u32 v52, v20  }
0x383: {  	v6 =	vor.u32 v17, v47;
	v31 =	vor.u32 v30, v20;
	[tilespmem:v0+s28+$0x0] =	vst.idx.msk $0xffff, v32;
	v0 =	vshll.u32 v33, $0x7  }
0x384: {  	v53 =	vor.u32 s5, v46;
	v48 =	vor.u32 s5, v36;
	v3 =	vld.idx.msk [tilespmem:v3+s21+$0x0], $0xffff;
	v0 =	vor.u32 v34, v0;
	[tilespmem:v4+s28+$0x0] =	vst.idx.msk $0xffff, v11  }
0x385: {  	v51 =	vor.u32 v48, v35;
	v2 =	vshll.u32 v2, $0x7;
	[tilespmem:v7+s28+$0x0] =	vst.idx.msk $0xffff, v1;
	v1 =	vor.u32 s6, v57;
	v5 =	vld.idx.msk [tilespmem:v5+s21+$0x0], $0xffff  }
0x386: {  	v30 =	vshll.u32 v30, $0x7;
	v2 =	vor.u32 v17, v2;
	v12 =	vor.u32 v1, v20;
	v9 =	vld.idx.msk [tilespmem:v43+s21+$0x0], $0xffff  }
0x387: {  	v54 =	vor.u32 s6, v15;
	v47 =	vor.u32 v59, v20;
	v30 =	vor.u32 v17, v30;
	v28 =	vld.idx.msk [tilespmem:v28+s21+$0x0], $0xffff  }
0x388: {  	v42 =	vshll.u32 v54, $0x7;
	v32 =	vshll.u32 v53, $0x7;
	v1 =	vshll.u32 v1, $0x7  }
0x389: {  	v11 =	vor.u32 v34, v32;
	v1 =	vor.u32 v17, v1;
	[tilespmem:v0+s28+$0x0] =	vst.idx.msk $0xffff, v3;
	v3 =	vshll.u32 v48, $0x7  }
0x38a: {  	v32 =	vor.u32 s5, v58;
	v0 =	vshll.u32 v52, $0x7;
	v3 =	vor.u32 v34, v3;
	v7 =	vld.idx.msk [tilespmem:v51+s21+$0x0], $0xffff;
	[tilespmem:v6+s28+$0x0] =	vst.idx.msk $0xffff, v5  }
0x38b: {  	v0 =	vor.u32 v17, v0;
	[tilespmem:v2+s28+$0x0] =	vst.idx.msk $0xffff, v9;
	v2 =	vor.u32 v53, v35;
	v12 =	vld.idx.msk [tilespmem:v12+s21+$0x0], $0xffff  }
0x38c: {  	v52 =	vshll.u32 v59, $0x7;
	v9 =	vor.u32 v54, v20;
	[tilespmem:v10+s28+$0x0] =	vst.idx.msk $0xffff, v28;
	v28 =	vld.idx.msk [tilespmem:v31+s21+$0x0], $0xffff;
	v31 =	vor.u32 s18, v57  }
0x38d: {  	v10 =	vor.u32 v17, v42;
	v53 =	vor.u32 s6, v14;
	v29 =	vld.idx.msk [tilespmem:v29+s21+$0x0], $0xffff;
	v43 =	vor.u32 v31, v20  }
0x38e: {  	v18 =	vmovc v46;
	v48 =	vor.u32 v53, v20;
	v54 =	vshll.u32 v31, $0x7;
	v31 =	vor.u32 s18, v63  }
0x38f: {  	v5 =	vor.u32 v31, v20;
	[tilespmem:v3+s28+$0x0] =	vst.idx.msk $0xffff, v7;
	v3 =	vor.u32 v17, v52;
	v7 =	vshll.u32 v53, $0x7  }
0x390: {  	v2 =	vld.idx.msk [tilespmem:v2+s21+$0x0], $0xffff;
	v46 =	vor.u32 v17, v7;
	v7 =	vor.u32 v17, v54;
	[tilespmem:v1+s28+$0x0] =	vst.idx.msk $0xffff, v12  }
0x391: {  	v1 =	vor.u32 s18, v15;
	[tilespmem:v30+s28+$0x0] =	vst.idx.msk $0xffff, v28;
	v28 =	vor.u32 v32, v35;
	v30 =	vor.u32 s6, v36  }
0x392: {  	[tilespmem:v27+s28+$0x0] =	vst.idx.msk $0xffff, v29;
	v27 =	vor.u32 s6, v18;
	v29 =	vor.u32 s6, v58;
	v12 =	vor.u32 v1, v20;
	v4 =	vld.idx.msk [tilespmem:v43+s21+$0x0], $0xffff  }
0x393: {  	v8 =	vld.idx.msk [tilespmem:v8+s21+$0x0], $0xffff;
	v1 =	vshll.u32 v1, $0x7;
	v45 =	vor.u32 v30, v20;
	v59 =	vshll.u32 v30, $0x7  }
0x394: {  	v33 =	vld.idx.msk [tilespmem:v26+s21+$0x0], $0xffff;
	v51 =	vor.u32 v27, v20;
	v26 =	vshll.u32 v32, $0x7;
	v27 =	vshll.u32 v27, $0x7  }
0x395: {  	v32 =	vshll.u32 v31, $0x7;
	v54 =	vor.u32 v29, v20;
	v1 =	vor.u32 v17, v1;
	[tilespmem:v11+s28+$0x0] =	vst.idx.msk $0xffff, v2  }
0x396: {  	v52 =	vor.u32 v17, v27;
	v2 =	vor.u32 v34, v26;
	v11 =	vor.u32 s5, v37;
	v27 =	vld.idx.msk [tilespmem:v28+s21+$0x0], $0xffff  }
0x397: {  	v43 =	vor.u32 v17, v59;
	v26 =	vshll.u32 v29, $0x7;
	[tilespmem:v7+s28+$0x0] =	vst.idx.msk $0xffff, v4;
	v4 =	vor.u32 v11, v35  }
0x398: {  	v41 =	vmovc v37;
	v29 =	vor.u32 s6, v44;
	v28 =	vor.u32 s6, v37;
	v7 =	vor.u32 v17, v32;
	v5 =	vld.idx.msk [tilespmem:v5+s21+$0x0], $0xffff  }
0x399: {  	v42 =	vmovc v39;
	v53 =	vor.u32 v17, v26;
	v37 =	vshll.u32 v11, $0x7;
	[tilespmem:v0+s28+$0x0] =	vst.idx.msk $0xffff, v8;
	v0 =	vor.u32 s6, v60  }
0x39a: {  	v59 =	vor.u32 v28, v20;
	[tilespmem:v24+s28+$0x0] =	vst.idx.msk $0xffff, v33;
	v33 =	vshll.u32 v28, $0x7;
	v6 =	vor.u32 v34, v37  }
0x39b: {  	v24 =	vor.u32 s6, v39;
	v39 =	vor.u32 s5, v39;
	v32 =	vor.u32 v29, v20;
	v31 =	vld.idx.msk [tilespmem:v25+s21+$0x0], $0xffff;
	[tilespmem:v2+s28+$0x0] =	vst.idx.msk $0xffff, v27  }
0x39c: {  	v26 =	vor.u32 v17, v33;
	v28 =	vor.u32 v24, v20;
	v2 =	vshll.u32 v24, $0x7;
	v4 =	vld.idx.msk [tilespmem:v4+s21+$0x0], $0xffff  }
0x39d: {  	v40 =	vor.u32 v39, v35;
	v27 =	vor.u32 v17, v2;
	v2 =	vshll.u32 v29, $0x7;
	[tilespmem:v7+s28+$0x0] =	vst.idx.msk $0xffff, v5  }
0x39e: {  	v25 =	vor.u32 v0, v20;
	v30 =	vor.u32 v17, v2;
	v2 =	vor.u32 s18, v13;
	v7 =	vld.idx.msk [tilespmem:v12+s21+$0x0], $0xffff  }
0x39f: {  	v9 =	vld.idx.msk [tilespmem:v9+s21+$0x0], $0xffff;
	v0 =	vshll.u32 v0, $0x7;
	v33 =	vor.u32 s6, v61;
	v8 =	vor.u32 v2, v20  }
0x3a0: {  	v37 =	vshll.u32 v39, $0x7;
	v39 =	vor.u32 s5, v44;
	v24 =	vor.u32 v17, v0;
	[tilespmem:v22+s28+$0x0] =	vst.idx.msk $0xffff, v31  }
0x3a1: {  	v0 =	vshll.u32 v33, $0x7;
	v29 =	vor.u32 v33, v20;
	v22 =	vor.u32 s6, v62;
	v31 =	vld.idx.msk [tilespmem:v21+s21+$0x0], $0xffff;
	[tilespmem:v6+s28+$0x0] =	vst.idx.msk $0xffff, v4  }
0x3a2: {  	v21 =	vor.u32 v17, v0;
	v0 =	vshll.u32 v22, $0x7;
	v4 =	vor.u32 v34, v37;
	v5 =	vld.idx.msk [tilespmem:v40+s21+$0x0], $0xffff  }
0x3a3: {  	s10 =	simm.s32 $0x40;
	v33 =	vor.u32 v17, v0;
	v0 =	vshll.u32 v2, $0x7;
	v40 =	vor.u32 v39, v35;
	[tilespmem:v1+s28+$0x0] =	vst.idx.msk $0xffff, v7  }
0x3a4: {  	s20 =	simm.s32 $0x10;
	[tilespmem:v10+s28+$0x0] =	vst.idx.msk $0xffff, v9;
	s6 =	sand.u32 $0x20, s10;
	v2 =	vor.u32 s18, v14;
	v0 =	vor.u32 v17, v0;
	v1 =	vld.idx.msk [tilespmem:v8+s21+$0x0], $0xffff  }
0x3a5: {  	s8 =	sand.u32 $0x70, s20;
	v9 =	vor.u32 s6, v49;
	v12 =	vshll.u32 v39, $0x7;
	v7 =	vld.idx.msk [tilespmem:v47+s21+$0x0], $0xffff;
	v8 =	vor.u32 v2, v20  }
0x3a6: {  	s20 =	sor.u32 $0x10, s6;
	v6 =	vor.u32 s6, v50;
	v37 =	vor.u32 s5, v60;
	[tilespmem:v23+s28+$0x0] =	vst.idx.msk $0xffff, v31;
	v23 =	vor.u32 s8, v49  }
0x3a7: {  	v39 =	vor.u32 s5, v61;
	v31 =	vshll.u32 v23, $0x7;
	[tilespmem:v4+s28+$0x0] =	vst.idx.msk $0xffff, v5;
	v4 =	vor.u32 s20, v49  }
0x3a8: {  	v2 =	vshll.u32 v2, $0x7;
	v5 =	vor.u32 v34, v12;
	v10 =	vld.idx.msk [tilespmem:v40+s21+$0x0], $0xffff;
	v11 =	vor.u32 v4, v31  }
0x3a9: {  	v47 =	vor.u32 v9, v31;
	v12 =	vld.idx.msk [tilespmem:v56+s21+$0x0], $0xffff;
	[tilespmem:v0+s28+$0x0] =	vst.idx.msk $0xffff, v1;
	v0 =	vor.u32 v37, v35  }
0x3aa: {  	v9 =	vshll.u32 v9, $0x7;
	v2 =	vor.u32 v17, v2;
	v49 =	vshll.u32 v6, $0x7;
	[tilespmem:v3+s28+$0x0] =	vst.idx.msk $0xffff, v7;
	v8 =	vld.idx.msk [tilespmem:v8+s21+$0x0], $0xffff  }
0x3ab: {  	v3 =	vor.u32 v6, v31;
	v6 =	vor.u32 s18, v36;
	v1 =	vor.u32 v23, v9;
	v9 =	vld.idx.msk [tilespmem:v48+s21+$0x0], $0xffff  }
0x3ac: {  	v7 =	vor.u32 v23, v49;
	v4 =	vshll.u32 v4, $0x7;
	v49 =	vor.u32 v6, v20  }
0x3ad: {  	v4 =	vor.u32 v23, v4;
	v37 =	vshll.u32 v37, $0x7;
	v48 =	vor.u32 s20, v50;
	[tilespmem:v5+s28+$0x0] =	vst.idx.msk $0xffff, v10;
	v10 =	vld.idx.msk [tilespmem:v11+s21+$0x0], $0xffff  }
0x3ae: {  	[tilespmem:v55+s28+$0x0] =	vst.idx.msk $0xffff, v12;
	v12 =	vor.u32 v48, v31;
	v11 =	vor.u32 v34, v37;
	v0 =	vld.idx.msk [tilespmem:v0+s21+$0x0], $0xffff  }
0x3af: {  	v40 =	vor.u32 v39, v35;
	[tilespmem:v2+s28+$0x0] =	vst.idx.msk $0xffff, v8;
	v2 =	vld.idx.msk [tilespmem:v47+s21+$0x0], $0xffff  }
0x3b0: {  	v39 =	vshll.u32 v39, $0x7;
	v6 =	vshll.u32 v6, $0x7;
	[tilespmem:v46+s28+$0x0] =	vst.idx.msk $0xffff, v9  }
0x3b1: {  	v6 =	vor.u32 v17, v6;
	v50 =	vshll.u32 v48, $0x7;
	v47 =	vor.u32 s6, v63;
	v45 =	vld.idx.msk [tilespmem:v45+s21+$0x0], $0xffff  }
0x3b2: {  	v9 =	vor.u32 v47, v31;
	v8 =	vshll.u32 v47, $0x7;
	v46 =	vld.idx.msk [tilespmem:v49+s21+$0x0], $0xffff;
	v47 =	vor.u32 s18, v18;
	[tilespmem:v4+s28+$0x0] =	vst.idx.msk $0xffff, v10  }
0x3b3: {  	[tilespmem:v11+s28+$0x0] =	vst.idx.msk $0xffff, v0;
	v0 =	vor.u32 v47, v20;
	v12 =	vld.idx.msk [tilespmem:v12+s21+$0x0], $0xffff;
	v11 =	vor.u32 v23, v50  }
0x3b4: {  	v39 =	vor.u32 v34, v39;
	[tilespmem:v1+s28+$0x0] =	vst.idx.msk $0xffff, v2;
	v1 =	vor.u32 s20, v57;
	v2 =	vld.idx.msk [tilespmem:v40+s21+$0x0], $0xffff  }
0x3b5: {  	v40 =	vor.u32 v1, v31;
	v3 =	vld.idx.msk [tilespmem:v3+s21+$0x0], $0xffff  }
0x3b6: {  	v56 =	vor.u32 s6, v57;
	v57 =	vor.u32 s5, v62;
	[tilespmem:v43+s28+$0x0] =	vst.idx.msk $0xffff, v45  }
0x3b7: {  	v5 =	vor.u32 v56, v31;
	v45 =	vshll.u32 v47, $0x7;
	[tilespmem:v6+s28+$0x0] =	vst.idx.msk $0xffff, v46;
	v35 =	vor.u32 v57, v35  }
0x3b8: {  	v10 =	vor.u32 v17, v45;
	v1 =	vshll.u32 v1, $0x7;
	v0 =	vld.idx.msk [tilespmem:v0+s21+$0x0], $0xffff;
	[tilespmem:v11+s28+$0x0] =	vst.idx.msk $0xffff, v12  }
0x3b9: {  	v1 =	vor.u32 v23, v1;
	v11 =	vor.u32 s18, v58;
	v12 =	vld.idx.msk [tilespmem:v38+s21+$0x0], $0xffff;
	[tilespmem:v39+s28+$0x0] =	vst.idx.msk $0xffff, v2  }
0x3ba: {  	v6 =	vshll.u32 v57, $0x7;
	v2 =	vor.u32 v11, v20;
	v38 =	vld.idx.msk [tilespmem:v40+s21+$0x0], $0xffff;
	[tilespmem:v7+s28+$0x0] =	vst.idx.msk $0xffff, v3;
	v3 =	vor.u32 s20, v63  }
0x3bb: {  	v49 =	vor.u32 s6, v13;
	v51 =	vld.idx.msk [tilespmem:v51+s21+$0x0], $0xffff;
	v6 =	vor.u32 v34, v6;
	v34 =	vor.u32 v3, v31  }
0x3bc: {  	v56 =	vshll.u32 v56, $0x7;
	v37 =	vshll.u32 v49, $0x7;
	v43 =	vld.idx.msk [tilespmem:v35+s21+$0x0], $0xffff  }
0x3bd: {  	v55 =	vor.u32 v23, v56;
	v48 =	vor.u32 v23, v37;
	v5 =	vld.idx.msk [tilespmem:v5+s21+$0x0], $0xffff;
	[tilespmem:v10+s28+$0x0] =	vst.idx.msk $0xffff, v0  }
0x3be: {  	v11 =	vshll.u32 v11, $0x7;
	v3 =	vshll.u32 v3, $0x7;
	v0 =	vor.u32 s6, v18;
	v18 =	vld [tilespmem:$0x1FDB0]  }
0x3bf: {  	v11 =	vor.u32 v17, v11;
	v3 =	vor.u32 v23, v3;
	v2 =	vld.idx.msk [tilespmem:v2+s21+$0x0], $0xffff;
	[tilespmem:v1+s28+$0x0] =	vst.idx.msk $0xffff, v38  }
0x3c0: {  	v37 =	vor.u32 v0, v31;
	v0 =	vshll.u32 v0, $0x7;
	v1 =	vor.u32 s18, v41;
	v34 =	vld.idx.msk [tilespmem:v34+s21+$0x0], $0xffff  }
0x3c1: {  	[tilespmem:v52+s28+$0x0] =	vst.idx.msk $0xffff, v51;
	v39 =	vor.u32 v23, v0;
	v0 =	vor.u32 v1, v20  }
0x3c2: {  	[tilespmem:v6+s28+$0x0] =	vst.idx.msk $0xffff, v43  }
0x3c3: {  	[tilespmem:v55+s28+$0x0] =	vst.idx.msk $0xffff, v5  }
0x3c4: {  	v8 =	vor.u32 v23, v8;
	v63 =	vor.u32 s6, v58;
	v58 =	vld.idx.msk [tilespmem:v9+s21+$0x0], $0xffff;
	[tilespmem:v11+s28+$0x0] =	vst.idx.msk $0xffff, v2  }
0x3c5: {  	v1 =	vshll.u32 v1, $0x7;
	v11 =	vld.idx.msk [tilespmem:v54+s21+$0x0], $0xffff;
	[tilespmem:v3+s28+$0x0] =	vst.idx.msk $0xffff, v34  }
0x3c6: {  	v1 =	vor.u32 v17, v1;
	v0 =	vld.idx.msk [tilespmem:v0+s21+$0x0], $0xffff;
	[tilespmem:v18+s28+$0x0] =	vst.idx.msk $0xffff, v12  }
0x3c7: {  	v50 =	vor.u32 v49, v31;
	v46 =	vor.u32 s6, v14;
	v10 =	vld [tilespmem:$0x1FDC0]  }
0x3c8: {  	v35 =	vor.u32 s20, v15;
	v40 =	vor.u32 v63, v31;
	v63 =	vshll.u32 v63, $0x7  }
0x3c9: {  	v12 =	vor.u32 s6, v41;
	v41 =	vor.u32 v23, v63;
	v63 =	vor.u32 v35, v31;
	[tilespmem:v8+s28+$0x0] =	vst.idx.msk $0xffff, v58  }
0x3ca: {  	v57 =	vor.u32 s6, v36;
	v49 =	vor.u32 v46, v31;
	v47 =	vshll.u32 v46, $0x7;
	[tilespmem:v53+s28+$0x0] =	vst.idx.msk $0xffff, v11  }
0x3cb: {  	v45 =	vshll.u32 v57, $0x7;
	v46 =	vor.u32 v23, v47;
	v51 =	vor.u32 s6, v42;
	[tilespmem:v1+s28+$0x0] =	vst.idx.msk $0xffff, v0  }
0x3cc: {  	v47 =	vor.u32 v57, v31;
	v52 =	vshll.u32 v51, $0x7;
	v2 =	vor.u32 s6, v44;
	v11 =	vld [tilespmem:$0x1FDD0]  }
0x3cd: {  	v57 =	vshll.u32 v2, $0x7;
	v38 =	vor.u32 v2, v31;
	v2 =	vshll.u32 v35, $0x7  }
0x3ce: {  	v54 =	vor.u32 v51, v31;
	v51 =	vor.u32 v23, v52;
	v2 =	vor.u32 v23, v2;
	v52 =	vld.idx.msk [tilespmem:v63+s21+$0x0], $0xffff  }
0x3cf: {  	v10 =	vld.idx.msk [tilespmem:v10+s21+$0x0], $0xffff;
	_ =	sdelay $0x2  }
0x3d0: {  	v63 =	vor.u32 s6, v60  }
0x3d1: {  	v4 =	vor.u32 s6, v15;
	v3 =	vor.u32 s18, v42;
	v1 =	vshll.u32 v63, $0x7;
	[tilespmem:v2+s28+$0x0] =	vst.idx.msk $0xffff, v52  }
0x3d2: {  	v56 =	vor.u32 v4, v31;
	v34 =	vor.u32 v23, v1;
	v1 =	vshll.u32 v3, $0x7;
	[tilespmem:v11+s28+$0x0] =	vst.idx.msk $0xffff, v10  }
0x3d3: {  	v8 =	vor.u32 s20, v13;
	v13 =	vor.u32 s6, v61;
	v61 =	vor.u32 v17, v1;
	v1 =	vld [tilespmem:$0x1FDE0];
	_ =	sdelay $0x1  }
0x3d4: {  	v22 =	vor.u32 v22, v20;
	v4 =	vshll.u32 v4, $0x7;
	v58 =	vor.u32 v3, v20  }
0x3d5: {  	v4 =	vor.u32 v23, v4;
	v45 =	vor.u32 v23, v45;
	v42 =	vor.u32 s6, v62  }
0x3d6: {  	v43 =	vor.u32 v12, v31;
	v7 =	vshll.u32 v12, $0x7;
	v12 =	vld.idx.msk [tilespmem:v56+s21+$0x0], $0xffff;
	v0 =	vor.u32 v8, v31  }
0x3d7: {  	v35 =	vor.u32 v23, v57;
	v55 =	vor.u32 v23, v7;
	v57 =	vor.u32 v13, v31  }
0x3d8: {  	v62 =	vld.idx.msk [tilespmem:v59+s21+$0x0], $0xffff;
	v60 =	vor.u32 s18, v44;
	v36 =	vor.u32 v63, v31;
	v3 =	vshll.u32 v13, $0x7  }
0x3d9: {  	v59 =	vld.idx.msk [tilespmem:v58+s21+$0x0], $0xffff;
	v63 =	vor.u32 v60, v20;
	v58 =	vor.u32 s20, v14;
	v53 =	vor.u32 v23, v3  }
0x3da: {  	v52 =	vor.u32 v42, v31;
	v2 =	vshll.u32 v8, $0x7;
	v56 =	vld.idx.msk [tilespmem:v1+s21+$0x0], $0xffff;
	v1 =	vshll.u32 v42, $0x7  }
0x3db: {  	s8 =	simm.s32 $0x18;
	s5 =	simm.s32 $0x4;
	s6 =	simm.s32 $0x60;
	v0 =	vld.idx.msk [tilespmem:v0+s21+$0x0], $0xffff;
	[tilespmem:v4+s28+$0x0] =	vst.idx.msk $0xffff, v12;
	v42 =	vor.u32 v23, v1;
	v1 =	vor.u32 v23, v2  }
.LBB2_8:
0x3dc: {  	v2 =	vld.idx.msk [tilespmem:v50+s21+$0x0], $0xffff  }
0x3dd: {  	v13 =	vld [tilespmem:$0x1FFF0]  }
0x3de: {  	v12 =	vld [tilespmem:$0x1FDA0]  }
0x3df: {  	v9 =	vshll.u32 v60, $0x7;
	v60 =	vld [tilespmem:$0x1FF50]  }
0x3e0: {  	v15 =	vld [tilespmem:$0x1FF20]  }
0x3e1: {  	[tilespmem:v61+s28+$0x0] =	vst.idx.msk $0xffff, v59;
	v61 =	vld [tilespmem:$0x1FFA0]  }
0x3e2: {  	s9 =	sand.u32 $0x20, s6;
	s10 =	sand.u32 $0x70, s8;
	v3 =	vor.u32 v58, v31;
	v7 =	vlaneseq.u32;
	[tilespmem:v26+s28+$0x0] =	vst.idx.msk $0xffff, v62;
	v59 =	vld [tilespmem:$0x1FF40]  }
0x3e3: {  	v26 =	vmov v55;
	v55 =	vor.u32 s10, v7;
	s10 =	sor.u32 $0x10, s9;
	v6 =	vld.idx.msk [tilespmem:v28+s21+$0x0], $0xffff  }
0x3e4: {  	v4 =	vor.u32 s9, v7;
	v28 =	vmovc v54;
	v54 =	vshll.u32 v55, $0x7;
	v7 =	vor.u32 s10, v7;
	v8 =	vld.idx.msk [tilespmem:v63+s21+$0x0], $0xffff  }
0x3e5: {  	v9 =	vor.u32 v17, v9;
	[tilespmem:v16+s28+$0x0] =	vst.idx.msk $0xffff, v56;
	v63 =	vshll.u32 v58, $0x7;
	v58 =	vld [tilespmem:$0x1FF10];
	v10 =	vor.u32 v7, v54  }
0x3e6: {  	v44 =	vmovc v57;
	[tilespmem:v1+s28+$0x0] =	vst.idx.msk $0xffff, v0;
	v16 =	vld [tilespmem:$0x1FF30];
	v5 =	vor.u32 s9, v13;
	v50 =	vor.u32 v4, v54;
	v4 =	vshll.u32 v4, $0x7  }
0x3e7: {  	v14 =	vmovc v22;
	v3 =	vld.idx.msk [tilespmem:v3+s21+$0x0], $0xffff;
	v7 =	vshll.u32 v7, $0x7;
	v1 =	vor.u32 v55, v4;
	v4 =	vor.u32 v5, v54  }
0x3e8: {  	v5 =	vshll.u32 v5, $0x7;
	v7 =	vor.u32 v55, v7;
	v11 =	vor.u32 s18, v61;
	v12 =	vld.idx.msk [tilespmem:v12+s21+$0x0], $0xffff;
	[tilespmem:v48+s28+$0x0] =	vst.idx.msk $0xffff, v2  }
0x3e9: {  	v22 =	vmovc v52;
	v2 =	vor.u32 v23, v63;
	v48 =	vor.u32 s20, v60;
	v0 =	vor.u32 v11, v20;
	v49 =	vld.idx.msk [tilespmem:v49+s21+$0x0], $0xffff  }
0x3ea: {  	[tilespmem:$0x1FDA0] =	vst v14;
	v5 =	vor.u32 v55, v5;
	v14 =	vor.u32 s9, v58;
	v62 =	vor.u32 v48, v31;
	v10 =	vld.idx.msk [tilespmem:v10+s21+$0x0], $0xffff  }
0x3eb: {  	[tilespmem:v27+s28+$0x0] =	vst.idx.msk $0xffff, v6;
	v63 =	vshll.u32 v11, $0x7;
	v27 =	vmovc v51;
	v56 =	vor.u32 v14, v54;
	v52 =	vshll.u32 v14, $0x7;
	v14 =	vld [tilespmem:$0x1FFB0]  }
0x3ec: {  	[tilespmem:v9+s28+$0x0] =	vst.idx.msk $0xffff, v8;
	v8 =	vor.u32 s10, v13;
	v9 =	vld.idx.msk [tilespmem:v50+s21+$0x0], $0xffff;
	v6 =	vor.u32 v17, v63;
	v13 =	vor.u32 s9, v15  }
0x3ed: {  	v63 =	vld [tilespmem:$0x1FFE0];
	v11 =	vor.u32 v8, v54;
	v51 =	vor.u32 v55, v52;
	v52 =	vshll.u32 v13, $0x7;
	[tilespmem:v19+s28+$0x0] =	vst.idx.msk $0xffff, v12  }
0x3ee: {  	v60 =	vor.u32 s9, v60;
	v48 =	vshll.u32 v48, $0x7;
	v52 =	vor.u32 v55, v52;
	v0 =	vld.idx.msk [tilespmem:v0+s21+$0x0], $0xffff;
	[tilespmem:v2+s28+$0x0] =	vst.idx.msk $0xffff, v3  }
0x3ef: {  	v8 =	vshll.u32 v8, $0x7;
	v12 =	vor.u32 v23, v48;
	v19 =	vor.u32 s9, v16;
	[tilespmem:v46+s28+$0x0] =	vst.idx.msk $0xffff, v49;
	v57 =	vld.idx.msk [tilespmem:v62+s21+$0x0], $0xffff  }
0x3f0: {  	v3 =	vor.u32 v13, v54;
	v46 =	vor.u32 s20, v59;
	v50 =	vor.u32 s18, v14;
	[tilespmem:v7+s28+$0x0] =	vst.idx.msk $0xffff, v10;
	v7 =	vld.idx.msk [tilespmem:v47+s21+$0x0], $0xffff  }
0x3f1: {  	v18 =	vmovc v21;
	v21 =	vmovc v53;
	v53 =	vor.u32 v19, v54;
	v49 =	vshll.u32 v19, $0x7;
	v62 =	vld [tilespmem:$0x1FFC0];
	v2 =	vor.u32 v50, v20  }
0x3f2: {  	v48 =	vor.u32 s9, v63;
	v10 =	vor.u32 v46, v31;
	[tilespmem:v1+s28+$0x0] =	vst.idx.msk $0xffff, v9;
	v1 =	vor.u32 s10, v58;
	v11 =	vld.idx.msk [tilespmem:v11+s21+$0x0], $0xffff  }
0x3f3: {  	v58 =	vor.u32 v55, v49;
	v13 =	vshll.u32 v50, $0x7;
	v4 =	vld.idx.msk [tilespmem:v4+s21+$0x0], $0xffff;
	v50 =	vor.u32 v48, v54  }
0x3f4: {  	v47 =	vshll.u32 v48, $0x7;
	[tilespmem:v6+s28+$0x0] =	vst.idx.msk $0xffff, v0;
	v0 =	vor.u32 v55, v8;
	v6 =	vor.u32 v17, v13;
	v13 =	vld [tilespmem:$0x1FFD0]  }
0x3f5: {  	v48 =	vor.u32 v55, v47;
	v8 =	vor.u32 v1, v54;
	v1 =	vshll.u32 v1, $0x7;
	[tilespmem:v45+s28+$0x0] =	vst.idx.msk $0xffff, v7;
	v45 =	vld [tilespmem:$0x1FF60]  }
0x3f6: {  	v47 =	vor.u32 v60, v54;
	v9 =	vor.u32 s18, v62;
	v1 =	vor.u32 v55, v1;
	v2 =	vld.idx.msk [tilespmem:v2+s21+$0x0], $0xffff  }
0x3f7: {  	[tilespmem:v12+s28+$0x0] =	vst.idx.msk $0xffff, v57;
	v12 =	vor.u32 v9, v20;
	v57 =	vshll.u32 v46, $0x7;
	v32 =	vld.idx.msk [tilespmem:v32+s21+$0x0], $0xffff  }
0x3f8: {  	[tilespmem:v5+s28+$0x0] =	vst.idx.msk $0xffff, v4;
	v10 =	vld.idx.msk [tilespmem:v10+s21+$0x0], $0xffff;
	v7 =	vor.u32 v23, v57;
	v57 =	vshll.u32 v9, $0x7  }
0x3f9: {  	s18 =	smov.u32 s20;
	v20 =	vmov v31;
	v5 =	vor.u32 v17, v57;
	v57 =	vld.idx.msk [tilespmem:v37+s21+$0x0], $0xffff;
	v31 =	vor.u32 s9, v13;
	[tilespmem:v0+s28+$0x0] =	vst.idx.msk $0xffff, v11  }
0x3fa: {  	v19 =	vmovc v33;
	v11 =	vshll.u32 v60, $0x7;
	v60 =	vor.u32 s9, v59;
	v33 =	vor.u32 s18, v45;
	v8 =	vld.idx.msk [tilespmem:v8+s21+$0x0], $0xffff  }
0x3fb: {  	v49 =	vor.u32 v31, v54;
	v37 =	vor.u32 v60, v54;
	v59 =	vshll.u32 v60, $0x7;
	v60 =	vld [tilespmem:$0x1FF70]  }
0x3fc: {  	s20 =	smov.u32 s10;
	v31 =	vshll.u32 v31, $0x7;
	v0 =	vor.u32 v33, v20;
	[tilespmem:v6+s28+$0x0] =	vst.idx.msk $0xffff, v2;
	v6 =	vld.idx.msk [tilespmem:v56+s21+$0x0], $0xffff  }
0x3fd: {  	v17 =	vmovc v23;
	v46 =	vor.u32 v55, v31;
	v2 =	vor.u32 s20, v15;
	v56 =	vor.u32 s9, v45  }
0x3fe: {  	v23 =	vmovc v55;
	v45 =	vor.u32 v55, v11;
	v33 =	vshll.u32 v33, $0x7;
	v4 =	vld.idx.msk [tilespmem:v12+s21+$0x0], $0xffff;
	v9 =	vor.u32 v2, v54  }
0x3ff: {  	[tilespmem:v7+s28+$0x0] =	vst.idx.msk $0xffff, v10;
	v7 =	vor.u32 v17, v33;
	v10 =	vor.u32 v23, v59  }
0x400: {  	[tilespmem:v30+s28+$0x0] =	vst.idx.msk $0xffff, v32;
	v2 =	vshll.u32 v2, $0x7;
	v11 =	vor.u32 s18, v60;
	v30 =	vor.u32 s9, v60;
	v60 =	vld [tilespmem:$0x1FF90]  }
0x401: {  	v32 =	vmovc v38;
	v55 =	vshll.u32 v56, $0x7;
	v31 =	vmov v54;
	v2 =	vor.u32 v23, v2;
	[tilespmem:v51+s28+$0x0] =	vst.idx.msk $0xffff, v6;
	v51 =	vld [tilespmem:$0x1FF80]  }
0x402: {  	v0 =	vld.idx.msk [tilespmem:v0+s21+$0x0], $0xffff;
	[tilespmem:v1+s28+$0x0] =	vst.idx.msk $0xffff, v8;
	v1 =	vor.u32 v11, v20;
	v8 =	vor.u32 v56, v31  }
0x403: {  	v6 =	vor.u32 v30, v31;
	v9 =	vld.idx.msk [tilespmem:v9+s21+$0x0], $0xffff;
	[tilespmem:v5+s28+$0x0] =	vst.idx.msk $0xffff, v4;
	v5 =	vor.u32 s20, v16;
	v16 =	vmov v18  }
0x404: {  	v3 =	vld.idx.msk [tilespmem:v3+s21+$0x0], $0xffff;
	[tilespmem:v39+s28+$0x0] =	vst.idx.msk $0xffff, v57;
	v18 =	vshll.u32 v30, $0x7;
	v12 =	vor.u32 v5, v31;
	v5 =	vshll.u32 v5, $0x7  }
0x405: {  	v4 =	vor.u32 v23, v55;
	v56 =	vld.idx.msk [tilespmem:v40+s21+$0x0], $0xffff;
	v55 =	vor.u32 v23, v18;
	v5 =	vor.u32 v23, v5  }
0x406: {  	v39 =	vmovc v10;
	v40 =	vmovc v8;
	v10 =	vld.idx.msk [tilespmem:v25+s21+$0x0], $0xffff;
	v33 =	vor.u32 s9, v60;
	v60 =	vor.u32 s18, v60;
	v15 =	vor.u32 s9, v51  }
0x407: {  	[tilespmem:v7+s28+$0x0] =	vst.idx.msk $0xffff, v0;
	v8 =	vor.u32 s18, v51;
	v38 =	vor.u32 v33, v31;
	v54 =	vor.u32 v15, v31  }
0x408: {  	v30 =	vmovc v35;
	v0 =	vld.idx.msk [tilespmem:v1+s21+$0x0], $0xffff;
	v1 =	vshll.u32 v11, $0x7;
	v59 =	vshll.u32 v15, $0x7;
	v11 =	vshll.u32 v33, $0x7;
	[tilespmem:v2+s28+$0x0] =	vst.idx.msk $0xffff, v9  }
0x409: {  	v2 =	vor.u32 v8, v20;
	[tilespmem:v52+s28+$0x0] =	vst.idx.msk $0xffff, v3;
	v3 =	vor.u32 s9, v61;
	v1 =	vor.u32 v17, v1  }
0x40a: {  	v25 =	vmovc v36;
	v9 =	vor.u32 s20, v63;
	v63 =	vor.u32 v60, v20;
	v35 =	vor.u32 v23, v11;
	v11 =	vld.idx.msk [tilespmem:v53+s21+$0x0], $0xffff  }
0x40b: {  	s5 =	sadd.s32 $0x2, s5;
	v51 =	vor.u32 v23, v59;
	v7 =	vld.idx.msk [tilespmem:v12+s21+$0x0], $0xffff;
	v36 =	vor.u32 v3, v31;
	v12 =	vor.u32 v9, v31  }
0x40c: {  	p2 =	slt.u32 s5, $0x1E;
	v33 =	vmovc v42;
	[tilespmem:v41+s28+$0x0] =	vst.idx.msk $0xffff, v56;
	v3 =	vshll.u32 v3, $0x7;
	v42 =	vor.u32 s9, v14;
	v14 =	vor.u32 s9, v62;
	v41 =	vmovc v4  }
.Ltmp3:
0x40d: {  	v62 =	vld.idx.msk [tilespmem:v43+s21+$0x0], $0xffff;
	v3 =	vor.u32 v23, v3;
	[tilespmem:v24+s28+$0x0] =	vst.idx.msk $0xffff, v10;
	v57 =	vor.u32 v42, v31;
	(pc) =	sbr.rel @p2 .LBB2_8-.Ltmp3, $4  }
0x40e: {  	v43 =	vmovc v6;
	v52 =	vor.u32 v14, v31;
	v24 =	vmov v34;
	[tilespmem:v1+s28+$0x0] =	vst.idx.msk $0xffff, v0;
	v1 =	vshll.u32 v8, $0x7  }
0x40f: {  	v56 =	vld.idx.msk [tilespmem:v29+s21+$0x0], $0xffff;
	v34 =	vmov v3;
	v0 =	vshll.u32 v42, $0x7;
	[tilespmem:v58+s28+$0x0] =	vst.idx.msk $0xffff, v11;
	v61 =	vor.u32 v17, v1  }
0x410: {  	v59 =	vld.idx.msk [tilespmem:v2+s21+$0x0], $0xffff;
	v53 =	vor.u32 v23, v0;
	v0 =	vshll.u32 v14, $0x7;
	[tilespmem:v5+s28+$0x0] =	vst.idx.msk $0xffff, v7;
	v1 =	vshll.u32 v9, $0x7  }
0x411: {  	s6 =	sadd.s32 $0x20, s6;
	s8 =	sadd.s32 $0x8, s8;
	v29 =	vmovc v44;
	v58 =	vor.u32 s20, v13;
	v42 =	vor.u32 v23, v0;
	v0 =	vld.idx.msk [tilespmem:v12+s21+$0x0], $0xffff;
	v1 =	vor.u32 v23, v1  }
0x412: {  	_ =	sdelay $0x3  }
0x413: {  	v2 =	vld.idx.msk [tilespmem:v50+s21+$0x0], $0xffff;
	v3 =	vor.u32 v58, v31;
	_ =	sdelay $0x3  }
0x414: {  	[tilespmem:v1+s28+$0x0] =	vst.idx.msk $0xffff, v0  }
0x415: {  	v0 =	vshll.u32 v58, $0x7;
	v1 =	vld.idx.msk [tilespmem:v3+s21+$0x0], $0xffff;
	[tilespmem:v48+s28+$0x0] =	vst.idx.msk $0xffff, v2  }
0x416: {  	v0 =	vor.u32 v23, v0;
	v2 =	vld [tilespmem:$0x1FF50]  }
0x417: {  	v3 =	vld.idx.msk [tilespmem:v49+s21+$0x0], $0xffff;
	_ =	sdelay $0x3  }
0x418: {  	[tilespmem:v0+s28+$0x0] =	vst.idx.msk $0xffff, v1  }
0x419: {  	v2 =	vor.u32 s20, v2;
	[tilespmem:v46+s28+$0x0] =	vst.idx.msk $0xffff, v3  }
0x41a: {  	v4 =	vor.u32 v2, v31;
	v0 =	vshll.u32 v2, $0x7;
	v2 =	vld [tilespmem:$0x1FF40];
	_ =	sdelay $0x4  }
0x41b: {  	v0 =	vor.u32 v23, v0;
	v1 =	vld.idx.msk [tilespmem:v4+s21+$0x0], $0xffff;
	v2 =	vor.u32 s20, v2  }
0x41c: {  	v3 =	vld.idx.msk [tilespmem:v47+s21+$0x0], $0xffff;
	v4 =	vor.u32 v2, v31;
	_ =	sdelay $0x3  }
0x41d: {  	[tilespmem:v0+s28+$0x0] =	vst.idx.msk $0xffff, v1  }
0x41e: {  	[tilespmem:v45+s28+$0x0] =	vst.idx.msk $0xffff, v3;
	v0 =	vshll.u32 v2, $0x7;
	v1 =	vld.idx.msk [tilespmem:v4+s21+$0x0], $0xffff  }
0x41f: {  	v0 =	vor.u32 v23, v0;
	v2 =	vld [tilespmem:$0x1FF60];
	_ =	sdelay $0x4  }
0x420: {  	v2 =	vor.u32 s20, v2;
	[tilespmem:v0+s28+$0x0] =	vst.idx.msk $0xffff, v1  }
0x421: {  	v3 =	vor.u32 v2, v31;
	v0 =	vshll.u32 v2, $0x7;
	v2 =	vld [tilespmem:$0x1FF70];
	_ =	sdelay $0x1  }
0x422: {  	v4 =	vld.idx.msk [tilespmem:v37+s21+$0x0], $0xffff;
	_ =	sdelay $0x2  }
0x423: {  	v0 =	vor.u32 v23, v0;
	v1 =	vld.idx.msk [tilespmem:v3+s21+$0x0], $0xffff;
	v2 =	vor.u32 s20, v2  }
0x424: {  	v3 =	vor.u32 v2, v31  }
0x425: {  	[tilespmem:v39+s28+$0x0] =	vst.idx.msk $0xffff, v4  }
0x426: {  	v4 =	vld.idx.msk [tilespmem:v40+s21+$0x0], $0xffff;
	_ =	sdelay $0x1  }
0x427: {  	[tilespmem:v0+s28+$0x0] =	vst.idx.msk $0xffff, v1  }
0x428: {  	v0 =	vshll.u32 v2, $0x7;
	v1 =	vld.idx.msk [tilespmem:v3+s21+$0x0], $0xffff  }
0x429: {  	v0 =	vor.u32 v23, v0;
	v2 =	vld [tilespmem:$0x1FF80]  }
0x42a: {  	[tilespmem:v41+s28+$0x0] =	vst.idx.msk $0xffff, v4  }
0x42b: {  	v4 =	vld.idx.msk [tilespmem:v43+s21+$0x0], $0xffff;
	_ =	sdelay $0x1  }
0x42c: {  	[tilespmem:v26+s28+$0x0] =	vst.idx.msk $0xffff, v62  }
0x42d: {  	v2 =	vor.u32 s20, v2;
	[tilespmem:v0+s28+$0x0] =	vst.idx.msk $0xffff, v1  }
0x42e: {  	v3 =	vor.u32 v2, v31;
	v0 =	vshll.u32 v2, $0x7;
	v2 =	vld [tilespmem:$0x1FF90]  }
0x42f: {  	[tilespmem:v55+s28+$0x0] =	vst.idx.msk $0xffff, v4  }
0x430: {  	v5 =	vld.idx.msk [tilespmem:v28+s21+$0x0], $0xffff;
	[tilespmem:v61+s28+$0x0] =	vst.idx.msk $0xffff, v59  }
0x431: {  	v10 =	vld [tilespmem:$0x1FFA0]  }
0x432: {  	v4 =	vld.idx.msk [tilespmem:v54+s21+$0x0], $0xffff  }
0x433: {  	v6 =	vshll.u32 v60, $0x7;
	v0 =	vor.u32 v23, v0;
	v1 =	vld.idx.msk [tilespmem:v3+s21+$0x0], $0xffff;
	v2 =	vor.u32 s20, v2  }
0x434: {  	v6 =	vor.u32 v17, v6;
	v7 =	vld.idx.msk [tilespmem:v63+s21+$0x0], $0xffff;
	v3 =	vor.u32 v2, v31;
	_ =	sdelay $0x1  }
0x435: {  	[tilespmem:v27+s28+$0x0] =	vst.idx.msk $0xffff, v5;
	v8 =	vor.u32 s18, v10  }
0x436: {  	v9 =	vld.idx.msk [tilespmem:v32+s21+$0x0], $0xffff;
	[tilespmem:v51+s28+$0x0] =	vst.idx.msk $0xffff, v4;
	v5 =	vor.u32 v8, v20  }
0x437: {  	v4 =	vld.idx.msk [tilespmem:v38+s21+$0x0], $0xffff;
	[tilespmem:v0+s28+$0x0] =	vst.idx.msk $0xffff, v1  }
0x438: {  	[tilespmem:v6+s28+$0x0] =	vst.idx.msk $0xffff, v7;
	v0 =	vshll.u32 v2, $0x7;
	v1 =	vld.idx.msk [tilespmem:v3+s21+$0x0], $0xffff  }
0x439: {  	v2 =	vor.u32 s20, v10;
	v0 =	vor.u32 v23, v0;
	v59 =	vld [tilespmem:$0x1FFB0]  }
0x43a: {  	v6 =	vshll.u32 v8, $0x7;
	v3 =	vor.u32 v2, v31  }
0x43b: {  	v6 =	vor.u32 v17, v6;
	[tilespmem:v30+s28+$0x0] =	vst.idx.msk $0xffff, v9;
	v5 =	vld.idx.msk [tilespmem:v5+s21+$0x0], $0xffff  }
0x43c: {  	v9 =	vld.idx.msk [tilespmem:v25+s21+$0x0], $0xffff;
	[tilespmem:v35+s28+$0x0] =	vst.idx.msk $0xffff, v4  }
0x43d: {  	v4 =	vld.idx.msk [tilespmem:v36+s21+$0x0], $0xffff  }
0x43e: {  	v7 =	vor.u32 s18, v59;
	[tilespmem:v0+s28+$0x0] =	vst.idx.msk $0xffff, v1;
	v0 =	vshll.u32 v2, $0x7  }
0x43f: {  	v2 =	vor.u32 s20, v59;
	v60 =	vor.u32 v7, v20;
	v1 =	vld.idx.msk [tilespmem:v3+s21+$0x0], $0xffff;
	v0 =	vor.u32 v23, v0  }
0x440: {  	v3 =	vor.u32 v2, v31;
	[tilespmem:v6+s28+$0x0] =	vst.idx.msk $0xffff, v5  }
0x441: {  	v61 =	vld [tilespmem:$0x1FFC0];
	[tilespmem:v24+s28+$0x0] =	vst.idx.msk $0xffff, v9  }
0x442: {  	[tilespmem:v34+s28+$0x0] =	vst.idx.msk $0xffff, v4;
	v9 =	vld.idx.msk [tilespmem:v29+s21+$0x0], $0xffff  }
0x443: {  	v4 =	vld.idx.msk [tilespmem:v57+s21+$0x0], $0xffff  }
0x444: {  	v5 =	vshll.u32 v7, $0x7;
	v6 =	vld.idx.msk [tilespmem:v60+s21+$0x0], $0xffff;
	[tilespmem:v0+s28+$0x0] =	vst.idx.msk $0xffff, v1  }
0x445: {  	v5 =	vor.u32 v17, v5;
	[tilespmem:v16+s28+$0x0] =	vst.idx.msk $0xffff, v56;
	v0 =	vshll.u32 v2, $0x7;
	v1 =	vld.idx.msk [tilespmem:v3+s21+$0x0], $0xffff  }
0x446: {  	v7 =	vor.u32 s18, v61;
	v0 =	vor.u32 v23, v0;
	v63 =	vld [tilespmem:$0x1FDA0]  }
0x447: {  	v2 =	vor.u32 s20, v61;
	v62 =	vor.u32 v7, v20  }
0x448: {  	v3 =	vor.u32 v2, v31;
	[tilespmem:v21+s28+$0x0] =	vst.idx.msk $0xffff, v9  }
0x449: {  	[tilespmem:v53+s28+$0x0] =	vst.idx.msk $0xffff, v4  }
0x44a: {  	[tilespmem:v5+s28+$0x0] =	vst.idx.msk $0xffff, v6;
	v5 =	vshll.u32 v7, $0x7;
	v7 =	vld.idx.msk [tilespmem:v22+s21+$0x0], $0xffff  }
0x44b: {  	[tilespmem:v0+s28+$0x0] =	vst.idx.msk $0xffff, v1;
	v0 =	vshll.u32 v2, $0x7;
	v2 =	vld.idx.msk [tilespmem:v52+s21+$0x0], $0xffff  }
0x44c: {  	v5 =	vor.u32 v17, v5;
	v6 =	vld.idx.msk [tilespmem:v62+s21+$0x0], $0xffff  }
0x44d: {  	v1 =	vld.idx.msk [tilespmem:v3+s21+$0x0], $0xffff;
	v0 =	vor.u32 v23, v0  }
0x44e: {  	v10 =	vld.idx.msk [tilespmem:v63+s21+$0x0], $0xffff  }
0x44f: {  	[tilespmem:v33+s28+$0x0] =	vst.idx.msk $0xffff, v7  }
0x450: {  	[tilespmem:v42+s28+$0x0] =	vst.idx.msk $0xffff, v2  }
0x451: {  	[tilespmem:v5+s28+$0x0] =	vst.idx.msk $0xffff, v6  }
0x452: {  	[tilespmem:v0+s28+$0x0] =	vst.idx.msk $0xffff, v1  }
0x453: {  	[tilespmem:v19+s28+$0x0] =	vst.idx.msk $0xffff, v10  }
0x454: {  	s5 =	rddreg [dreg:$0x9]  }
0x455: {  	[hbm4b:s5+s24] =	stream.strided.scatter [tilespmem:s28], [sflag:$0x6], $0x2000, s25, s24, $0x38;
	[tilespmem:$0x16148] =	vst v63  }
0x456: {  	s3 =	sadd.s32 $0x1, s3;
	_ =	swait.ge [sflag:s30], $0x2000  }
0x457: {  	p2 =	sne.s32 s3, s11;
	[sflag:s30] =	ssyncset.done $0x0  }
.Ltmp4:
0x458: {  	[sflag:s30] =	ssyncadd.s32 $0xFFFFE000;
	(pc) =	sbr.rel @p2 .LBB2_1-.Ltmp4, $4  }
0x459: {  	_ =	swait.ge [sflag:s0], $0x2000  }
0x45a: {  	v12 =	vld [tilespmem:$0x1FFF0]  }
0x45b: {  	[sflag:s0] =	ssyncset.done $0x0;
	v3 =	vld [tilespmem:$0x1FFE0]  }
0x45c: {  	v5 =	vlaneseq.u32;
	v4 =	vld [tilespmem:$0x1FFD0];
	[sflag:s0] =	ssyncadd.s32 $0xFFFFE000  }
0x45d: {  	_ =	sfence.sel $0x180000  }
0x45e: {  	[bflag:$0x0] =	sbarrier.arrive $0xFFFF  }
0x45f: {  	_ =	strace $0x90000047  }
0x460: {  	s0 =	stileid.u32;
	[bflag:$0x2] =	sbarrier.arrive $0xFFFF  }
0x461: {  	p0 =	sne.s32 s0, $0x0;
	s0 =	rddreg [dreg:$0x4]  }
0x462: {  	s0 =	sadd.s32 @!p0 $0x100000, s0  }
0x463: {  	[sflag:s0] =	ssyncadd.tile.s32 @!p0 $0x1;
	_ =	shalt  }
.Lfunc_end2:
_tile_overlayer_lowered:
.L_overlay_start_2:
0x464: {  	(tag) =	ssettag $0x2  }
0x465: {  	s0 =	rddreg [dreg:$0x0];
	s2 =	stileid.u32  }
0x466: {  	s1 =	rddreg [dreg:$0x1];
	p0 =	sne.s32 s2, $0x0  }
0x467: {  	s3 =	rddreg [dreg:$0x2];
	[bflag:$0x3] =	sbarrier.arrive $0xFFFF;
	s2 =	simm.s32 @!p0 $0x1C07  }
0x468: {  	[timem:s3], [sflag:s2] =	dma.local @!p0 [hbm:s0], s1  }
0x469: {  	s0 =	simm.s32 @!p0 $0x7  }
0x46a: {  	_ =	swait.ge @!p0 [sflag:s0], s1  }
0x46b: {  	s1 =	ssub.s32 @!p0 $0x0, s1;
	[sflag:s0] =	ssyncset.done @!p0 $0x0  }
0x46c: {  	[sflag:s0] =	ssyncadd.s32 @!p0 s1  }
0x46d: {  	[bflag:$0x3] =	sbarrier.arrive $0xFFFF  }
0x46e: {  	_ =	shalt  }

</sc_bundles>
